<compile_context>
chip_gen: v7x
topology: tpu7x:2x2x1
jax: 0.10.2.dev20260603
libtpu: 0.0.44.dev20260713+nightly
codegen_flags: <defaults>
</compile_context>

<pallas_src>
import functools

import jax
import jax.numpy as jnp
from jax import lax
from jax.experimental import pallas as pl
from jax.experimental.pallas import tpu as pltpu
from jax.experimental.pallas import tpu_sc as plsc

N, E, D = 10000, 320000, 128
NC, NS = 2, 16
NW = NC * NS
CHUNK = 128
NCH = 80
SEG = 5
CPS = NCH // SEG
EPW = NCH * CHUNK
EPAD = NW * EPW
NPAD = 240
RPS = 624
RREM = N - NS * RPS


ZROWS = 640


def _sc_segment_partials(h, edges4, zeros):
    mesh = plsc.VectorSubcoreMesh(core_axis_name="c", subcore_axis_name="s")

    @functools.partial(
        pl.kernel,
        out_type=jax.ShapeDtypeStruct((NC, N, D), jnp.float32),
        mesh=mesh,
        scratch_types=[
            pltpu.VMEM((CPS, CHUNK), jnp.int32),
            pltpu.VMEM((CPS, CHUNK), jnp.int32),
            pltpu.VMEM((CPS, CHUNK), jnp.int32),
            pltpu.VMEM((CPS, CHUNK), jnp.int32),
            pltpu.VMEM((CHUNK, D), jnp.float32),
            pltpu.VMEM((CHUNK, D), jnp.float32),
            pltpu.VMEM_SHARED((N + NPAD, D), jnp.float32),
            pltpu.SemaphoreType.DMA,
            pltpu.SemaphoreType.DMA,
            pltpu.SemaphoreType.DMA,
            pltpu.SemaphoreType.DMA,
        ],
    )
    def k(h_hbm, e_hbm, zero_hbm, out_hbm,
          is0, id0, is1, id1, buf0, buf1, agg_sh,
          sem0, sem1, semi0, semi1):
        c = lax.axis_index("c")
        s = lax.axis_index("s")
        wid = c * NS + s

        def idx_copies(q, isb, idb, semi):
            qs = pl.ds(q * CPS, CPS)
            return (
                pltpu.make_async_copy(e_hbm.at[0].at[wid].at[qs], isb, semi),
                pltpu.make_async_copy(e_hbm.at[1].at[wid].at[qs], idb, semi),
            )

        def load_idx(q, isb, idb, semi):
            for cp in idx_copies(q, isb, idb, semi):
                cp.start()

        def wait_idx(q, isb, idb, semi):
            for cp in idx_copies(q, isb, idb, semi):
                cp.wait()

        load_idx(0, is0, id0, semi0)

        pltpu.sync_copy(zero_hbm.at[pl.ds(0, RPS)],
                        agg_sh.at[pl.ds(s * RPS, RPS)])

        @pl.when(s == NS - 1)
        def _():
            pltpu.sync_copy(zero_hbm.at[pl.ds(0, RREM + NPAD)],
                            agg_sh.at[pl.ds(NS * RPS, RREM + NPAD)])

        plsc.subcore_barrier()

        def g_copy(i, isb, buf, sem):
            return pltpu.make_async_copy(h_hbm.at[isb.at[i]], buf, sem)

        def scat(i, idb, buf):
            pltpu.sync_copy(buf, agg_sh.at[idb.at[i]], add=True)

        banks = ((is0, id0, semi0), (is1, id1, semi1))
        for q in range(SEG):
            isb, idb, semi = banks[q % 2]
            wait_idx(q, isb, idb, semi)
            if q + 1 < SEG:
                load_idx(q + 1, *banks[(q + 1) % 2])

            g_copy(0, isb, buf0, sem0).start()

            @pl.loop(0, CPS, step=2)
            def _(i, isb=isb, idb=idb):
                g_copy(i + 1, isb, buf1, sem1).start()
                g_copy(i, isb, buf0, sem0).wait()
                scat(i, idb, buf0)

                @pl.when(i + 2 < CPS)
                def _():
                    g_copy(i + 2, isb, buf0, sem0).start()

                g_copy(i + 1, isb, buf1, sem1).wait()
                scat(i + 1, idb, buf1)

        plsc.subcore_barrier()
        pltpu.sync_copy(agg_sh.at[pl.ds(s * RPS, RPS)],
                        out_hbm.at[c].at[pl.ds(s * RPS, RPS)])

        @pl.when(s == NS - 1)
        def _():
            pltpu.sync_copy(agg_sh.at[pl.ds(NS * RPS, RREM)],
                            out_hbm.at[c].at[pl.ds(NS * RPS, RREM)])

    return k(h, edges4, zeros)


_BLK = 2048


def _lin1(x, Wl, bl):
    def body(x_ref, w_ref, b_ref, o_ref):
        o_ref[...] = jnp.dot(x_ref[...], w_ref[...],
                             preferred_element_type=jnp.float32) + b_ref[...]

    return pl.pallas_call(
        body,
        grid=(pl.cdiv(N, _BLK),),
        in_specs=[
            pl.BlockSpec((_BLK, D), lambda i: (i, 0)),
            pl.BlockSpec((D, D), lambda i: (0, 0)),
            pl.BlockSpec((1, D), lambda i: (0, 0)),
        ],
        out_specs=pl.BlockSpec((_BLK, D), lambda i: (i, 0)),
        out_shape=jax.ShapeDtypeStruct((N, D), jnp.float32),
    )(x, Wl, bl.reshape(1, D))


def _mlp(h, parts, W1, b1, W2, b2, W3, b3):
    def body(h_ref, p_ref, w1_ref, b1_ref, w2_ref, b2_ref, w3_ref, b3_ref,
             o_ref):
        z = h_ref[...] + p_ref[0] + p_ref[1]
        z = jnp.maximum(
            jnp.dot(z, w1_ref[...], preferred_element_type=jnp.float32)
            + b1_ref[...], 0.0)
        z = jnp.maximum(
            jnp.dot(z, w2_ref[...], preferred_element_type=jnp.float32)
            + b2_ref[...], 0.0)
        z = jnp.maximum(
            jnp.dot(z, w3_ref[...], preferred_element_type=jnp.float32)
            + b3_ref[...], 0.0)
        o_ref[...] = z

    return pl.pallas_call(
        body,
        grid=(pl.cdiv(N, _BLK),),
        in_specs=[
            pl.BlockSpec((_BLK, D), lambda i: (i, 0)),
            pl.BlockSpec((NC, _BLK, D), lambda i: (0, i, 0)),
            pl.BlockSpec((D, D), lambda i: (0, 0)),
            pl.BlockSpec((1, D), lambda i: (0, 0)),
            pl.BlockSpec((D, D), lambda i: (0, 0)),
            pl.BlockSpec((1, D), lambda i: (0, 0)),
            pl.BlockSpec((D, D), lambda i: (0, 0)),
            pl.BlockSpec((1, D), lambda i: (0, 0)),
        ],
        out_specs=pl.BlockSpec((_BLK, D), lambda i: (i, 0)),
        out_shape=jax.ShapeDtypeStruct((N, D), jnp.float32),
    )(h, parts, W1, b1.reshape(1, D), W2, b2.reshape(1, D), W3,
      b3.reshape(1, D))


def _pad_edges(edge_index):
    npw = EPW - E // NW
    pad_idx = jnp.arange(npw, dtype=jnp.int32)
    pad = jnp.broadcast_to(
        jnp.stack([pad_idx, N + pad_idx])[:, None, :], (2, NW, npw))
    real = edge_index.reshape(2, NW, E // NW)
    return jnp.concatenate([real, pad], axis=2).reshape(2, NW, NCH, CHUNK)


def kernel(x, edge_index, Wl, bl, W1, b1, W2, b2, W3, b3):
    edges4 = _pad_edges(edge_index)
    zeros = jnp.zeros((ZROWS, D), jnp.float32)
    h = _lin1(x, Wl, bl)
    parts = _sc_segment_partials(h, edges4, zeros)
    return _mlp(h, parts, W1, b1, W2, b2, W3, b3)

# --- scband reference (transcript-rebuilt; emitter-appended) ---
"""Pipeline reference for scband-encoder-ginconv-80015240725029 (READ-ONLY COPY).

The authoritative reference and input builder live on the scoring server;
editing this copy changes nothing except your own understanding.
"""

import jax, jax.numpy as jnp
import numpy as np

N, E, D, H, U = 10000, 320000, 128, 128, 128
EPS = 0.0

def setup_inputs(seed: int = 0) -> dict:
    key = jax.random.key(seed)
    ks = jax.random.split(key, 12)
    x = jax.random.normal(ks[0], (N, D), dtype=jnp.float32)
    edge_index = jax.random.randint(ks[1], (2, E), 0, N, dtype=jnp.int32)
    s = 0.05
    Wl = jax.random.normal(ks[2], (D, U), dtype=jnp.float32) * s
    bl = jax.random.normal(ks[3], (U,), dtype=jnp.float32) * s
    W1 = jax.random.normal(ks[4], (U, H), dtype=jnp.float32) * s
    b1 = jax.random.normal(ks[5], (H,), dtype=jnp.float32) * s
    W2 = jax.random.normal(ks[6], (H, H), dtype=jnp.float32) * s
    b2 = jax.random.normal(ks[7], (H,), dtype=jnp.float32) * s
    W3 = jax.random.normal(ks[8], (H, H), dtype=jnp.float32) * s
    b3 = jax.random.normal(ks[9], (H,), dtype=jnp.float32) * s
    return {"x": x, "edge_index": edge_index, "Wl": Wl, "bl": bl, "W1": W1, "b1": b1, "W2": W2, "b2": b2, "W3": W3, "b3": b3}

def reference(x, edge_index, Wl, bl, W1, b1, W2, b2, W3, b3):
    # lin1: Linear(-1, unique_user)
    h = x @ Wl + bl
    # GINConv: sum-aggregate neighbor messages (src -> dst), then MLP on (1+eps)*h + agg
    src = edge_index[0]
    dst = edge_index[1]
    msgs = jnp.take(h, src, axis=0)
    agg = jax.ops.segment_sum(msgs, dst, num_segments=h.shape[0])
    z = (1.0 + EPS) * h + agg
    z = jax.nn.relu(z @ W1 + b1)
    z = jax.nn.relu(z @ W2 + b2)
    z = jax.nn.relu(z @ W3 + b3)
    # final .relu() in forward
    return jax.nn.relu(z)

if __name__ == "__main__":
    import jax
    _d = setup_inputs()
    print(jax.jit(kernel)(*tuple(_d.values())))

</pallas_src>

<mosaic_0001>
#map = affine_map<(d0, d1) -> (0, 0)>
#map1 = affine_map<(d0, d1) -> (0, 0, 0, 0)>
#map2 = affine_map<(d0, d1) -> (0, 0, 0)>
module attributes {stable_mosaic.version = 14 : i64} {
  func.func @k(%arg0: i32, %arg1: i32, %arg2: memref<10000x128xf32, #tpu.memory_space<hbm>>, %arg3: memref<2x32x80x128xi32, #tpu.memory_space<hbm>>, %arg4: memref<640x128xf32, #tpu.memory_space<hbm>>, %arg5: memref<2x10000x128xf32, #tpu.memory_space<hbm>>, %arg6: memref<16x128xi32, #tpu.memory_space<vmem>>, %arg7: memref<16x128xi32, #tpu.memory_space<vmem>>, %arg8: memref<16x128xi32, #tpu.memory_space<vmem>>, %arg9: memref<16x128xi32, #tpu.memory_space<vmem>>, %arg10: memref<128x128xf32, #tpu.memory_space<vmem>>, %arg11: memref<128x128xf32, #tpu.memory_space<vmem>>, %arg12: memref<10240x128xf32, #tpu.memory_space<vmem_shared>>, %arg13: memref<!tpu.dma_semaphore, #tpu.memory_space<semaphore_mem>>, %arg14: memref<!tpu.dma_semaphore, #tpu.memory_space<semaphore_mem>>, %arg15: memref<!tpu.dma_semaphore, #tpu.memory_space<semaphore_mem>>, %arg16: memref<!tpu.dma_semaphore, #tpu.memory_space<semaphore_mem>>) attributes {dimension_semantics = [#tpu.dimension_semantics<core_parallel>, #tpu.dimension_semantics<subcore_parallel>], iteration_bounds = array<i64: 2, 16>, scalar_prefetch = 0 : i64, scratch_operands = 11 : i64, tpu.core_type = #tpu.core_type<sc_vector_subcore>, window_params = [{transform_indices = #map}, {transform_indices = #map1}, {transform_indices = #map}, {transform_indices = #map2}]} {
    %mul3A = arith.constant 16 : i32
    %mul3A_0 = arith.muli %arg0, %mul3A : i32
    %add3A = arith.addi %mul3A_0, %arg1 : i32
    %dma_start3A = arith.constant 0 : i32
    %dma_start3A_1 = arith.constant 0 : i32
    %dma_start3A_2 = arith.constant 0 : i32
    %dma_start3A_3 = arith.constant 0 : i32
    %dma_start3A_4 = tpu.memref_slice %arg3[%dma_start3A, %dma_start3A_1, %dma_start3A_2, %dma_start3A_3] : memref<2x32x80x128xi32, #tpu.memory_space<hbm>> -> memref<1x32x80x128xi32, #tpu.memory_space<hbm>>
    %dma_start3A_5 = tpu.memref_squeeze %dma_start3A_4 : memref<1x32x80x128xi32, #tpu.memory_space<hbm>> -> memref<32x80x128xi32, #tpu.memory_space<hbm>>
    %dma_start3A_6 = arith.constant 0 : i32
    %dma_start3A_7 = arith.constant 0 : i32
    %dma_start3A_8 = tpu.memref_slice %dma_start3A_5[%add3A, %dma_start3A_6, %dma_start3A_7] : memref<32x80x128xi32, #tpu.memory_space<hbm>> -> memref<1x80x128xi32, #tpu.memory_space<hbm>>
    %dma_start3A_9 = tpu.memref_squeeze %dma_start3A_8 : memref<1x80x128xi32, #tpu.memory_space<hbm>> -> memref<80x128xi32, #tpu.memory_space<hbm>>
    %dma_start3A_10 = arith.constant 0 : i32
    %dma_start3A_11 = arith.constant 0 : i32
    %dma_start3A_12 = tpu.memref_slice %dma_start3A_9[%dma_start3A_10, %dma_start3A_11] : memref<80x128xi32, #tpu.memory_space<hbm>> -> memref<16x128xi32, #tpu.memory_space<hbm>>
    %dma_start3A_13 = arith.constant 0 : i32
    %dma_start3A_14 = arith.constant 0 : i32
    %dma_start3A_15 = arith.constant 0 : i32
    %dma_start3A_16 = tpu.memref_slice %arg3[%dma_start3A, %dma_start3A_13, %dma_start3A_14, %dma_start3A_15] : memref<2x32x80x128xi32, #tpu.memory_space<hbm>> -> memref<1x32x80x128xi32, #tpu.memory_space<hbm>>
    %dma_start3A_17 = tpu.memref_squeeze %dma_start3A_16 : memref<1x32x80x128xi32, #tpu.memory_space<hbm>> -> memref<32x80x128xi32, #tpu.memory_space<hbm>>
    %dma_start3A_18 = arith.constant 0 : i32
    %dma_start3A_19 = arith.constant 0 : i32
    %dma_start3A_20 = tpu.memref_slice %dma_start3A_17[%add3A, %dma_start3A_18, %dma_start3A_19] : memref<32x80x128xi32, #tpu.memory_space<hbm>> -> memref<1x80x128xi32, #tpu.memory_space<hbm>>
    %dma_start3A_21 = tpu.memref_squeeze %dma_start3A_20 : memref<1x80x128xi32, #tpu.memory_space<hbm>> -> memref<80x128xi32, #tpu.memory_space<hbm>>
    %dma_start3A_22 = arith.constant 0 : i32
    %dma_start3A_23 = arith.constant 0 : i32
    %dma_start3A_24 = tpu.memref_slice %dma_start3A_21[%dma_start3A_22, %dma_start3A_23] : memref<80x128xi32, #tpu.memory_space<hbm>> -> memref<16x128xi32, #tpu.memory_space<hbm>>
    tpu.enqueue_dma source(%dma_start3A_24 : memref<16x128xi32, #tpu.memory_space<hbm>>) target(%arg6 : memref<16x128xi32, #tpu.memory_space<vmem>>) target_semaphore(%arg15 : memref<!tpu.dma_semaphore, #tpu.memory_space<semaphore_mem>>)
    %dma_start3A_25 = arith.constant 1 : i32
    %dma_start3A_26 = arith.constant 0 : i32
    %dma_start3A_27 = arith.constant 0 : i32
    %dma_start3A_28 = arith.constant 0 : i32
    %dma_start3A_29 = tpu.memref_slice %arg3[%dma_start3A_25, %dma_start3A_26, %dma_start3A_27, %dma_start3A_28] : memref<2x32x80x128xi32, #tpu.memory_space<hbm>> -> memref<1x32x80x128xi32, #tpu.memory_space<hbm>>
    %dma_start3A_30 = tpu.memref_squeeze %dma_start3A_29 : memref<1x32x80x128xi32, #tpu.memory_space<hbm>> -> memref<32x80x128xi32, #tpu.memory_space<hbm>>
    %dma_start3A_31 = arith.constant 0 : i32
    %dma_start3A_32 = arith.constant 0 : i32
    %dma_start3A_33 = tpu.memref_slice %dma_start3A_30[%add3A, %dma_start3A_31, %dma_start3A_32] : memref<32x80x128xi32, #tpu.memory_space<hbm>> -> memref<1x80x128xi32, #tpu.memory_space<hbm>>
    %dma_start3A_34 = tpu.memref_squeeze %dma_start3A_33 : memref<1x80x128xi32, #tpu.memory_space<hbm>> -> memref<80x128xi32, #tpu.memory_space<hbm>>
    %dma_start3A_35 = arith.constant 0 : i32
    %dma_start3A_36 = arith.constant 0 : i32
    %dma_start3A_37 = tpu.memref_slice %dma_start3A_34[%dma_start3A_35, %dma_start3A_36] : memref<80x128xi32, #tpu.memory_space<hbm>> -> memref<16x128xi32, #tpu.memory_space<hbm>>
    %dma_start3A_38 = arith.constant 0 : i32
    %dma_start3A_39 = arith.constant 0 : i32
    %dma_start3A_40 = arith.constant 0 : i32
    %dma_start3A_41 = tpu.memref_slice %arg3[%dma_start3A_25, %dma_start3A_38, %dma_start3A_39, %dma_start3A_40] : memref<2x32x80x128xi32, #tpu.memory_space<hbm>> -> memref<1x32x80x128xi32, #tpu.memory_space<hbm>>
    %dma_start3A_42 = tpu.memref_squeeze %dma_start3A_41 : memref<1x32x80x128xi32, #tpu.memory_space<hbm>> -> memref<32x80x128xi32, #tpu.memory_space<hbm>>
    %dma_start3A_43 = arith.constant 0 : i32
    %dma_start3A_44 = arith.constant 0 : i32
    %dma_start3A_45 = tpu.memref_slice %dma_start3A_42[%add3A, %dma_start3A_43, %dma_start3A_44] : memref<32x80x128xi32, #tpu.memory_space<hbm>> -> memref<1x80x128xi32, #tpu.memory_space<hbm>>
    %dma_start3A_46 = tpu.memref_squeeze %dma_start3A_45 : memref<1x80x128xi32, #tpu.memory_space<hbm>> -> memref<80x128xi32, #tpu.memory_space<hbm>>
    %dma_start3A_47 = arith.constant 0 : i32
    %dma_start3A_48 = arith.constant 0 : i32
    %dma_start3A_49 = tpu.memref_slice %dma_start3A_46[%dma_start3A_47, %dma_start3A_48] : memref<80x128xi32, #tpu.memory_space<hbm>> -> memref<16x128xi32, #tpu.memory_space<hbm>>
    tpu.enqueue_dma source(%dma_start3A_49 : memref<16x128xi32, #tpu.memory_space<hbm>>) target(%arg7 : memref<16x128xi32, #tpu.memory_space<vmem>>) target_semaphore(%arg15 : memref<!tpu.dma_semaphore, #tpu.memory_space<semaphore_mem>>)
    %mul3A_50 = arith.constant 624 : i32
    %mul3A_51 = arith.muli %arg1, %mul3A_50 : i32
    "tpu.region"() ({
      %run_scoped3A = tpu.sem_alloc : memref<!tpu.dma_semaphore, #tpu.memory_space<semaphore_mem>>
      %dma_start3A_572 = arith.constant 0 : i32
      %dma_start3A_573 = tpu.memref_slice %arg12[%mul3A_51, %dma_start3A_572] : memref<10240x128xf32, #tpu.memory_space<vmem_shared>> -> memref<624x128xf32, #tpu.memory_space<vmem_shared>>
      %dma_start3A_574 = arith.constant 0 : i32
      %dma_start3A_575 = arith.constant 0 : i32
      %dma_start3A_576 = tpu.memref_slice %arg4[%dma_start3A_574, %dma_start3A_575] : memref<640x128xf32, #tpu.memory_space<hbm>> -> memref<624x128xf32, #tpu.memory_space<hbm>>
      tpu.enqueue_dma source(%dma_start3A_576 : memref<624x128xf32, #tpu.memory_space<hbm>>) target(%dma_start3A_573 : memref<624x128xf32, #tpu.memory_space<vmem_shared>>) target_semaphore(%run_scoped3A : memref<!tpu.dma_semaphore, #tpu.memory_space<semaphore_mem>>)
      %dma_wait3A_577 = arith.constant 0 : i32
      %dma_wait3A_578 = tpu.memref_slice %arg12[%mul3A_51, %dma_wait3A_577] : memref<10240x128xf32, #tpu.memory_space<vmem_shared>> -> memref<624x128xf32, #tpu.memory_space<vmem_shared>>
      %dma_wait3A_579 = arith.constant 0 : i32
      %dma_wait3A_580 = arith.constant 0 : i32
      %dma_wait3A_581 = tpu.memref_slice %arg4[%dma_wait3A_579, %dma_wait3A_580] : memref<640x128xf32, #tpu.memory_space<hbm>> -> memref<624x128xf32, #tpu.memory_space<hbm>>
      tpu.wait_dma2 semaphore(%run_scoped3A : memref<!tpu.dma_semaphore, #tpu.memory_space<semaphore_mem>>) src(%dma_wait3A_581 : memref<624x128xf32, #tpu.memory_space<hbm>>) dst(%dma_wait3A_578 : memref<624x128xf32, #tpu.memory_space<vmem_shared>>)
      tpu.yield
    }) : () -> ()
    %eq3A = arith.constant 15 : i32
    %eq3A_52 = arith.cmpi eq, %arg1, %eq3A : i32
    %convert_element_type3A = arith.extui %eq3A_52 : i1 to i32
    %cond3A = arith.constant 0 : i32
    %cond3A_53 = arith.cmpi ne, %convert_element_type3A, %cond3A : i32
    scf.if %cond3A_53 {
      "tpu.region"() ({
        %run_scoped3A = tpu.sem_alloc : memref<!tpu.dma_semaphore, #tpu.memory_space<semaphore_mem>>
        %dma_start3A_572 = arith.constant 9984 : i32
        %dma_start3A_573 = arith.constant 0 : i32
        %dma_start3A_574 = tpu.memref_slice %arg12[%dma_start3A_572, %dma_start3A_573] : memref<10240x128xf32, #tpu.memory_space<vmem_shared>> -> memref<256x128xf32, #tpu.memory_space<vmem_shared>>
        %dma_start3A_575 = arith.constant 0 : i32
        %dma_start3A_576 = arith.constant 0 : i32
        %dma_start3A_577 = tpu.memref_slice %arg4[%dma_start3A_575, %dma_start3A_576] : memref<640x128xf32, #tpu.memory_space<hbm>> -> memref<256x128xf32, #tpu.memory_space<hbm>>
        tpu.enqueue_dma source(%dma_start3A_577 : memref<256x128xf32, #tpu.memory_space<hbm>>) target(%dma_start3A_574 : memref<256x128xf32, #tpu.memory_space<vmem_shared>>) target_semaphore(%run_scoped3A : memref<!tpu.dma_semaphore, #tpu.memory_space<semaphore_mem>>)
        %dma_wait3A_578 = arith.constant 9984 : i32
        %dma_wait3A_579 = arith.constant 0 : i32
        %dma_wait3A_580 = tpu.memref_slice %arg12[%dma_wait3A_578, %dma_wait3A_579] : memref<10240x128xf32, #tpu.memory_space<vmem_shared>> -> memref<256x128xf32, #tpu.memory_space<vmem_shared>>
        %dma_wait3A_581 = arith.constant 0 : i32
        %dma_wait3A_582 = arith.constant 0 : i32
        %dma_wait3A_583 = tpu.memref_slice %arg4[%dma_wait3A_581, %dma_wait3A_582] : memref<640x128xf32, #tpu.memory_space<hbm>> -> memref<256x128xf32, #tpu.memory_space<hbm>>
        tpu.wait_dma2 semaphore(%run_scoped3A : memref<!tpu.dma_semaphore, #tpu.memory_space<semaphore_mem>>) src(%dma_wait3A_583 : memref<256x128xf32, #tpu.memory_space<hbm>>) dst(%dma_wait3A_580 : memref<256x128xf32, #tpu.memory_space<vmem_shared>>)
        tpu.yield
      }) : () -> ()
    } else {
    }
    %barrier3A = arith.constant 0 : index
    tpu.barrier barrier_id(%barrier3A)
    %dma_wait3A = arith.constant 0 : i32
    %dma_wait3A_54 = arith.constant 0 : i32
    %dma_wait3A_55 = arith.constant 0 : i32
    %dma_wait3A_56 = arith.constant 0 : i32
    %dma_wait3A_57 = tpu.memref_slice %arg3[%dma_wait3A, %dma_wait3A_54, %dma_wait3A_55, %dma_wait3A_56] : memref<2x32x80x128xi32, #tpu.memory_space<hbm>> -> memref<1x32x80x128xi32, #tpu.memory_space<hbm>>
    %dma_wait3A_58 = tpu.memref_squeeze %dma_wait3A_57 : memref<1x32x80x128xi32, #tpu.memory_space<hbm>> -> memref<32x80x128xi32, #tpu.memory_space<hbm>>
    %dma_wait3A_59 = arith.constant 0 : i32
    %dma_wait3A_60 = arith.constant 0 : i32
    %dma_wait3A_61 = tpu.memref_slice %dma_wait3A_58[%add3A, %dma_wait3A_59, %dma_wait3A_60] : memref<32x80x128xi32, #tpu.memory_space<hbm>> -> memref<1x80x128xi32, #tpu.memory_space<hbm>>
    %dma_wait3A_62 = tpu.memref_squeeze %dma_wait3A_61 : memref<1x80x128xi32, #tpu.memory_space<hbm>> -> memref<80x128xi32, #tpu.memory_space<hbm>>
    %dma_wait3A_63 = arith.constant 0 : i32
    %dma_wait3A_64 = arith.constant 0 : i32
    %dma_wait3A_65 = tpu.memref_slice %dma_wait3A_62[%dma_wait3A_63, %dma_wait3A_64] : memref<80x128xi32, #tpu.memory_space<hbm>> -> memref<16x128xi32, #tpu.memory_space<hbm>>
    %dma_wait3A_66 = arith.constant 0 : i32
    %dma_wait3A_67 = arith.constant 0 : i32
    %dma_wait3A_68 = arith.constant 0 : i32
    %dma_wait3A_69 = tpu.memref_slice %arg3[%dma_wait3A, %dma_wait3A_66, %dma_wait3A_67, %dma_wait3A_68] : memref<2x32x80x128xi32, #tpu.memory_space<hbm>> -> memref<1x32x80x128xi32, #tpu.memory_space<hbm>>
    %dma_wait3A_70 = tpu.memref_squeeze %dma_wait3A_69 : memref<1x32x80x128xi32, #tpu.memory_space<hbm>> -> memref<32x80x128xi32, #tpu.memory_space<hbm>>
    %dma_wait3A_71 = arith.constant 0 : i32
    %dma_wait3A_72 = arith.constant 0 : i32
    %dma_wait3A_73 = tpu.memref_slice %dma_wait3A_70[%add3A, %dma_wait3A_71, %dma_wait3A_72] : memref<32x80x128xi32, #tpu.memory_space<hbm>> -> memref<1x80x128xi32, #tpu.memory_space<hbm>>
    %dma_wait3A_74 = tpu.memref_squeeze %dma_wait3A_73 : memref<1x80x128xi32, #tpu.memory_space<hbm>> -> memref<80x128xi32, #tpu.memory_space<hbm>>
    %dma_wait3A_75 = arith.constant 0 : i32
    %dma_wait3A_76 = arith.constant 0 : i32
    %dma_wait3A_77 = tpu.memref_slice %dma_wait3A_74[%dma_wait3A_75, %dma_wait3A_76] : memref<80x128xi32, #tpu.memory_space<hbm>> -> memref<16x128xi32, #tpu.memory_space<hbm>>
    tpu.wait_dma2 semaphore(%arg15 : memref<!tpu.dma_semaphore, #tpu.memory_space<semaphore_mem>>) src(%dma_wait3A_77 : memref<16x128xi32, #tpu.memory_space<hbm>>) dst(%arg6 : memref<16x128xi32, #tpu.memory_space<vmem>>)
    %dma_wait3A_78 = arith.constant 1 : i32
    %dma_wait3A_79 = arith.constant 0 : i32
    %dma_wait3A_80 = arith.constant 0 : i32
    %dma_wait3A_81 = arith.constant 0 : i32
    %dma_wait3A_82 = tpu.memref_slice %arg3[%dma_wait3A_78, %dma_wait3A_79, %dma_wait3A_80, %dma_wait3A_81] : memref<2x32x80x128xi32, #tpu.memory_space<hbm>> -> memref<1x32x80x128xi32, #tpu.memory_space<hbm>>
    %dma_wait3A_83 = tpu.memref_squeeze %dma_wait3A_82 : memref<1x32x80x128xi32, #tpu.memory_space<hbm>> -> memref<32x80x128xi32, #tpu.memory_space<hbm>>
    %dma_wait3A_84 = arith.constant 0 : i32
    %dma_wait3A_85 = arith.constant 0 : i32
    %dma_wait3A_86 = tpu.memref_slice %dma_wait3A_83[%add3A, %dma_wait3A_84, %dma_wait3A_85] : memref<32x80x128xi32, #tpu.memory_space<hbm>> -> memref<1x80x128xi32, #tpu.memory_space<hbm>>
    %dma_wait3A_87 = tpu.memref_squeeze %dma_wait3A_86 : memref<1x80x128xi32, #tpu.memory_space<hbm>> -> memref<80x128xi32, #tpu.memory_space<hbm>>
    %dma_wait3A_88 = arith.constant 0 : i32
    %dma_wait3A_89 = arith.constant 0 : i32
    %dma_wait3A_90 = tpu.memref_slice %dma_wait3A_87[%dma_wait3A_88, %dma_wait3A_89] : memref<80x128xi32, #tpu.memory_space<hbm>> -> memref<16x128xi32, #tpu.memory_space<hbm>>
    %dma_wait3A_91 = arith.constant 0 : i32
    %dma_wait3A_92 = arith.constant 0 : i32
    %dma_wait3A_93 = arith.constant 0 : i32
    %dma_wait3A_94 = tpu.memref_slice %arg3[%dma_wait3A_78, %dma_wait3A_91, %dma_wait3A_92, %dma_wait3A_93] : memref<2x32x80x128xi32, #tpu.memory_space<hbm>> -> memref<1x32x80x128xi32, #tpu.memory_space<hbm>>
    %dma_wait3A_95 = tpu.memref_squeeze %dma_wait3A_94 : memref<1x32x80x128xi32, #tpu.memory_space<hbm>> -> memref<32x80x128xi32, #tpu.memory_space<hbm>>
    %dma_wait3A_96 = arith.constant 0 : i32
    %dma_wait3A_97 = arith.constant 0 : i32
    %dma_wait3A_98 = tpu.memref_slice %dma_wait3A_95[%add3A, %dma_wait3A_96, %dma_wait3A_97] : memref<32x80x128xi32, #tpu.memory_space<hbm>> -> memref<1x80x128xi32, #tpu.memory_space<hbm>>
    %dma_wait3A_99 = tpu.memref_squeeze %dma_wait3A_98 : memref<1x80x128xi32, #tpu.memory_space<hbm>> -> memref<80x128xi32, #tpu.memory_space<hbm>>
    %dma_wait3A_100 = arith.constant 0 : i32
    %dma_wait3A_101 = arith.constant 0 : i32
    %dma_wait3A_102 = tpu.memref_slice %dma_wait3A_99[%dma_wait3A_100, %dma_wait3A_101] : memref<80x128xi32, #tpu.memory_space<hbm>> -> memref<16x128xi32, #tpu.memory_space<hbm>>
    tpu.wait_dma2 semaphore(%arg15 : memref<!tpu.dma_semaphore, #tpu.memory_space<semaphore_mem>>) src(%dma_wait3A_102 : memref<16x128xi32, #tpu.memory_space<hbm>>) dst(%arg7 : memref<16x128xi32, #tpu.memory_space<vmem>>)
    %dma_start3A_103 = arith.constant 0 : i32
    %dma_start3A_104 = arith.constant 0 : i32
    %dma_start3A_105 = arith.constant 0 : i32
    %dma_start3A_106 = arith.constant 0 : i32
    %dma_start3A_107 = tpu.memref_slice %arg3[%dma_start3A_103, %dma_start3A_104, %dma_start3A_105, %dma_start3A_106] : memref<2x32x80x128xi32, #tpu.memory_space<hbm>> -> memref<1x32x80x128xi32, #tpu.memory_space<hbm>>
    %dma_start3A_108 = tpu.memref_squeeze %dma_start3A_107 : memref<1x32x80x128xi32, #tpu.memory_space<hbm>> -> memref<32x80x128xi32, #tpu.memory_space<hbm>>
    %dma_start3A_109 = arith.constant 0 : i32
    %dma_start3A_110 = arith.constant 0 : i32
    %dma_start3A_111 = tpu.memref_slice %dma_start3A_108[%add3A, %dma_start3A_109, %dma_start3A_110] : memref<32x80x128xi32, #tpu.memory_space<hbm>> -> memref<1x80x128xi32, #tpu.memory_space<hbm>>
    %dma_start3A_112 = tpu.memref_squeeze %dma_start3A_111 : memref<1x80x128xi32, #tpu.memory_space<hbm>> -> memref<80x128xi32, #tpu.memory_space<hbm>>
    %dma_start3A_113 = arith.constant 16 : i32
    %dma_start3A_114 = arith.constant 0 : i32
    %dma_start3A_115 = tpu.memref_slice %dma_start3A_112[%dma_start3A_113, %dma_start3A_114] : memref<80x128xi32, #tpu.memory_space<hbm>> -> memref<16x128xi32, #tpu.memory_space<hbm>>
    %dma_start3A_116 = arith.constant 0 : i32
    %dma_start3A_117 = arith.constant 0 : i32
    %dma_start3A_118 = arith.constant 0 : i32
    %dma_start3A_119 = tpu.memref_slice %arg3[%dma_start3A_103, %dma_start3A_116, %dma_start3A_117, %dma_start3A_118] : memref<2x32x80x128xi32, #tpu.memory_space<hbm>> -> memref<1x32x80x128xi32, #tpu.memory_space<hbm>>
    %dma_start3A_120 = tpu.memref_squeeze %dma_start3A_119 : memref<1x32x80x128xi32, #tpu.memory_space<hbm>> -> memref<32x80x128xi32, #tpu.memory_space<hbm>>
    %dma_start3A_121 = arith.constant 0 : i32
    %dma_start3A_122 = arith.constant 0 : i32
    %dma_start3A_123 = tpu.memref_slice %dma_start3A_120[%add3A, %dma_start3A_121, %dma_start3A_122] : memref<32x80x128xi32, #tpu.memory_space<hbm>> -> memref<1x80x128xi32, #tpu.memory_space<hbm>>
    %dma_start3A_124 = tpu.memref_squeeze %dma_start3A_123 : memref<1x80x128xi32, #tpu.memory_space<hbm>> -> memref<80x128xi32, #tpu.memory_space<hbm>>
    %dma_start3A_125 = arith.constant 16 : i32
    %dma_start3A_126 = arith.constant 0 : i32
    %dma_start3A_127 = tpu.memref_slice %dma_start3A_124[%dma_start3A_125, %dma_start3A_126] : memref<80x128xi32, #tpu.memory_space<hbm>> -> memref<16x128xi32, #tpu.memory_space<hbm>>
    tpu.enqueue_dma source(%dma_start3A_127 : memref<16x128xi32, #tpu.memory_space<hbm>>) target(%arg8 : memref<16x128xi32, #tpu.memory_space<vmem>>) target_semaphore(%arg16 : memref<!tpu.dma_semaphore, #tpu.memory_space<semaphore_mem>>)
    %dma_start3A_128 = arith.constant 1 : i32
    %dma_start3A_129 = arith.constant 0 : i32
    %dma_start3A_130 = arith.constant 0 : i32
    %dma_start3A_131 = arith.constant 0 : i32
    %dma_start3A_132 = tpu.memref_slice %arg3[%dma_start3A_128, %dma_start3A_129, %dma_start3A_130, %dma_start3A_131] : memref<2x32x80x128xi32, #tpu.memory_space<hbm>> -> memref<1x32x80x128xi32, #tpu.memory_space<hbm>>
    %dma_start3A_133 = tpu.memref_squeeze %dma_start3A_132 : memref<1x32x80x128xi32, #tpu.memory_space<hbm>> -> memref<32x80x128xi32, #tpu.memory_space<hbm>>
    %dma_start3A_134 = arith.constant 0 : i32
    %dma_start3A_135 = arith.constant 0 : i32
    %dma_start3A_136 = tpu.memref_slice %dma_start3A_133[%add3A, %dma_start3A_134, %dma_start3A_135] : memref<32x80x128xi32, #tpu.memory_space<hbm>> -> memref<1x80x128xi32, #tpu.memory_space<hbm>>
    %dma_start3A_137 = tpu.memref_squeeze %dma_start3A_136 : memref<1x80x128xi32, #tpu.memory_space<hbm>> -> memref<80x128xi32, #tpu.memory_space<hbm>>
    %dma_start3A_138 = arith.constant 16 : i32
    %dma_start3A_139 = arith.constant 0 : i32
    %dma_start3A_140 = tpu.memref_slice %dma_start3A_137[%dma_start3A_138, %dma_start3A_139] : memref<80x128xi32, #tpu.memory_space<hbm>> -> memref<16x128xi32, #tpu.memory_space<hbm>>
    %dma_start3A_141 = arith.constant 0 : i32
    %dma_start3A_142 = arith.constant 0 : i32
    %dma_start3A_143 = arith.constant 0 : i32
    %dma_start3A_144 = tpu.memref_slice %arg3[%dma_start3A_128, %dma_start3A_141, %dma_start3A_142, %dma_start3A_143] : memref<2x32x80x128xi32, #tpu.memory_space<hbm>> -> memref<1x32x80x128xi32, #tpu.memory_space<hbm>>
    %dma_start3A_145 = tpu.memref_squeeze %dma_start3A_144 : memref<1x32x80x128xi32, #tpu.memory_space<hbm>> -> memref<32x80x128xi32, #tpu.memory_space<hbm>>
    %dma_start3A_146 = arith.constant 0 : i32
    %dma_start3A_147 = arith.constant 0 : i32
    %dma_start3A_148 = tpu.memref_slice %dma_start3A_145[%add3A, %dma_start3A_146, %dma_start3A_147] : memref<32x80x128xi32, #tpu.memory_space<hbm>> -> memref<1x80x128xi32, #tpu.memory_space<hbm>>
    %dma_start3A_149 = tpu.memref_squeeze %dma_start3A_148 : memref<1x80x128xi32, #tpu.memory_space<hbm>> -> memref<80x128xi32, #tpu.memory_space<hbm>>
    %dma_start3A_150 = arith.constant 16 : i32
    %dma_start3A_151 = arith.constant 0 : i32
    %dma_start3A_152 = tpu.memref_slice %dma_start3A_149[%dma_start3A_150, %dma_start3A_151] : memref<80x128xi32, #tpu.memory_space<hbm>> -> memref<16x128xi32, #tpu.memory_space<hbm>>
    tpu.enqueue_dma source(%dma_start3A_152 : memref<16x128xi32, #tpu.memory_space<hbm>>) target(%arg9 : memref<16x128xi32, #tpu.memory_space<vmem>>) target_semaphore(%arg16 : memref<!tpu.dma_semaphore, #tpu.memory_space<semaphore_mem>>)
    %dma_start3A_153 = arith.constant 0 : i32
    %dma_start3A_154 = arith.constant 0 : i32
    %dma_start3A_155 = tpu.memref_slice %arg6[%dma_start3A_153, %dma_start3A_154] : memref<16x128xi32, #tpu.memory_space<vmem>> -> memref<1x128xi32, #tpu.memory_space<vmem>>
    %dma_start3A_156 = tpu.memref_squeeze %dma_start3A_155 : memref<1x128xi32, #tpu.memory_space<vmem>> -> memref<128xi32, #tpu.memory_space<vmem>>
    %dma_start3A_157 = arith.constant 0 : i32
    %dma_start3A_158 = arith.constant 0 : i32
    %dma_start3A_159 = tpu.memref_slice %arg2[%dma_start3A_157, %dma_start3A_158] : memref<10000x128xf32, #tpu.memory_space<hbm>> -> memref<10000x128xf32, #tpu.memory_space<hbm>>
    tpu.enqueue_indirect_dma source(%dma_start3A_159 : memref<10000x128xf32, #tpu.memory_space<hbm>>) target(%arg10 : memref<128x128xf32, #tpu.memory_space<vmem>>) offsets(%dma_start3A_156 : memref<128xi32, #tpu.memory_space<vmem>>) semaphore(%arg13 : memref<!tpu.dma_semaphore, #tpu.memory_space<semaphore_mem>>)
    %scan3A = arith.constant 0 : i32
    %scan3A_160 = arith.constant 8 : i32
    %scan3A_161 = arith.addi %scan3A, %scan3A_160 : i32
    %scan3A_162 = arith.constant 1 : i32
    scf.for %scan3A_572 = %scan3A to %scan3A_161 step %scan3A_162  : i32 {
      %mul3A_573 = arith.constant 2 : i32
      %mul3A_574 = arith.muli %scan3A_572, %mul3A_573 : i32
      %add3A_575 = arith.constant 0 : i32
      %add3A_576 = arith.addi %add3A_575, %mul3A_574 : i32
      %add3A_577 = arith.constant 1 : i32
      %add3A_578 = arith.addi %add3A_576, %add3A_577 : i32
      %dma_start3A_579 = arith.constant 0 : i32
      %dma_start3A_580 = tpu.memref_slice %arg6[%add3A_578, %dma_start3A_579] : memref<16x128xi32, #tpu.memory_space<vmem>> -> memref<1x128xi32, #tpu.memory_space<vmem>>
      %dma_start3A_581 = tpu.memref_squeeze %dma_start3A_580 : memref<1x128xi32, #tpu.memory_space<vmem>> -> memref<128xi32, #tpu.memory_space<vmem>>
      %dma_start3A_582 = arith.constant 0 : i32
      %dma_start3A_583 = arith.constant 0 : i32
      %dma_start3A_584 = tpu.memref_slice %arg2[%dma_start3A_582, %dma_start3A_583] : memref<10000x128xf32, #tpu.memory_space<hbm>> -> memref<10000x128xf32, #tpu.memory_space<hbm>>
      tpu.enqueue_indirect_dma source(%dma_start3A_584 : memref<10000x128xf32, #tpu.memory_space<hbm>>) target(%arg11 : memref<128x128xf32, #tpu.memory_space<vmem>>) offsets(%dma_start3A_581 : memref<128xi32, #tpu.memory_space<vmem>>) semaphore(%arg14 : memref<!tpu.dma_semaphore, #tpu.memory_space<semaphore_mem>>)
      %dma_wait3A_585 = arith.constant 0 : i32
      %dma_wait3A_586 = tpu.memref_slice %arg6[%add3A_576, %dma_wait3A_585] : memref<16x128xi32, #tpu.memory_space<vmem>> -> memref<1x128xi32, #tpu.memory_space<vmem>>
      %dma_wait3A_587 = tpu.memref_squeeze %dma_wait3A_586 : memref<1x128xi32, #tpu.memory_space<vmem>> -> memref<128xi32, #tpu.memory_space<vmem>>
      %dma_wait3A_588 = arith.constant 0 : i32
      %dma_wait3A_589 = arith.constant 0 : i32
      %dma_wait3A_590 = tpu.memref_slice %arg2[%dma_wait3A_588, %dma_wait3A_589] : memref<10000x128xf32, #tpu.memory_space<hbm>> -> memref<10000x128xf32, #tpu.memory_space<hbm>>
      tpu.wait_indirect_dma semaphore(%arg13 : memref<!tpu.dma_semaphore, #tpu.memory_space<semaphore_mem>>) src(%dma_wait3A_590 : memref<10000x128xf32, #tpu.memory_space<hbm>>) dst(%arg10 : memref<128x128xf32, #tpu.memory_space<vmem>>)
      "tpu.region"() ({
        %run_scoped3A = tpu.sem_alloc : memref<!tpu.dma_semaphore, #tpu.memory_space<semaphore_mem>>
        %dma_start3A_607 = arith.constant 0 : i32
        %dma_start3A_608 = tpu.memref_slice %arg7[%add3A_576, %dma_start3A_607] : memref<16x128xi32, #tpu.memory_space<vmem>> -> memref<1x128xi32, #tpu.memory_space<vmem>>
        %dma_start3A_609 = tpu.memref_squeeze %dma_start3A_608 : memref<1x128xi32, #tpu.memory_space<vmem>> -> memref<128xi32, #tpu.memory_space<vmem>>
        %dma_start3A_610 = arith.constant 0 : i32
        %dma_start3A_611 = arith.constant 0 : i32
        %dma_start3A_612 = tpu.memref_slice %arg12[%dma_start3A_610, %dma_start3A_611] : memref<10240x128xf32, #tpu.memory_space<vmem_shared>> -> memref<10240x128xf32, #tpu.memory_space<vmem_shared>>
        tpu.enqueue_indirect_dma source(%arg10 : memref<128x128xf32, #tpu.memory_space<vmem>>) target(%dma_start3A_612 : memref<10240x128xf32, #tpu.memory_space<vmem_shared>>) offsets(%dma_start3A_609 : memref<128xi32, #tpu.memory_space<vmem>>) semaphore(%run_scoped3A : memref<!tpu.dma_semaphore, #tpu.memory_space<semaphore_mem>>) {add = true}
        %dma_wait3A_613 = arith.constant 0 : i32
        %dma_wait3A_614 = tpu.memref_slice %arg7[%add3A_576, %dma_wait3A_613] : memref<16x128xi32, #tpu.memory_space<vmem>> -> memref<1x128xi32, #tpu.memory_space<vmem>>
        %dma_wait3A_615 = tpu.memref_squeeze %dma_wait3A_614 : memref<1x128xi32, #tpu.memory_space<vmem>> -> memref<128xi32, #tpu.memory_space<vmem>>
        %dma_wait3A_616 = arith.constant 0 : i32
        %dma_wait3A_617 = arith.constant 0 : i32
        %dma_wait3A_618 = tpu.memref_slice %arg12[%dma_wait3A_616, %dma_wait3A_617] : memref<10240x128xf32, #tpu.memory_space<vmem_shared>> -> memref<10240x128xf32, #tpu.memory_space<vmem_shared>>
        tpu.wait_indirect_dma semaphore(%run_scoped3A : memref<!tpu.dma_semaphore, #tpu.memory_space<semaphore_mem>>) src(%arg10 : memref<128x128xf32, #tpu.memory_space<vmem>>) dst(%dma_wait3A_618 : memref<10240x128xf32, #tpu.memory_space<vmem_shared>>)
        tpu.yield
      }) : () -> ()
      %add3A_591 = arith.constant 2 : i32
      %add3A_592 = arith.addi %add3A_576, %add3A_591 : i32
      %lt3A = arith.constant 16 : i32
      %lt3A_593 = arith.cmpi slt, %add3A_592, %lt3A : i32
      %convert_element_type3A_594 = arith.extui %lt3A_593 : i1 to i32
      %cond3A_595 = arith.constant 0 : i32
      %cond3A_596 = arith.cmpi ne, %convert_element_type3A_594, %cond3A_595 : i32
      scf.if %cond3A_596 {
        %add3A_607 = arith.constant 2 : i32
        %add3A_608 = arith.addi %add3A_576, %add3A_607 : i32
        %dma_start3A_609 = arith.constant 0 : i32
        %dma_start3A_610 = tpu.memref_slice %arg6[%add3A_608, %dma_start3A_609] : memref<16x128xi32, #tpu.memory_space<vmem>> -> memref<1x128xi32, #tpu.memory_space<vmem>>
        %dma_start3A_611 = tpu.memref_squeeze %dma_start3A_610 : memref<1x128xi32, #tpu.memory_space<vmem>> -> memref<128xi32, #tpu.memory_space<vmem>>
        %dma_start3A_612 = arith.constant 0 : i32
        %dma_start3A_613 = arith.constant 0 : i32
        %dma_start3A_614 = tpu.memref_slice %arg2[%dma_start3A_612, %dma_start3A_613] : memref<10000x128xf32, #tpu.memory_space<hbm>> -> memref<10000x128xf32, #tpu.memory_space<hbm>>
        tpu.enqueue_indirect_dma source(%dma_start3A_614 : memref<10000x128xf32, #tpu.memory_space<hbm>>) target(%arg10 : memref<128x128xf32, #tpu.memory_space<vmem>>) offsets(%dma_start3A_611 : memref<128xi32, #tpu.memory_space<vmem>>) semaphore(%arg13 : memref<!tpu.dma_semaphore, #tpu.memory_space<semaphore_mem>>)
      } else {
      }
      %add3A_597 = arith.constant 1 : i32
      %add3A_598 = arith.addi %add3A_576, %add3A_597 : i32
      %dma_wait3A_599 = arith.constant 0 : i32
      %dma_wait3A_600 = tpu.memref_slice %arg6[%add3A_598, %dma_wait3A_599] : memref<16x128xi32, #tpu.memory_space<vmem>> -> memref<1x128xi32, #tpu.memory_space<vmem>>
      %dma_wait3A_601 = tpu.memref_squeeze %dma_wait3A_600 : memref<1x128xi32, #tpu.memory_space<vmem>> -> memref<128xi32, #tpu.memory_space<vmem>>
      %dma_wait3A_602 = arith.constant 0 : i32
      %dma_wait3A_603 = arith.constant 0 : i32
      %dma_wait3A_604 = tpu.memref_slice %arg2[%dma_wait3A_602, %dma_wait3A_603] : memref<10000x128xf32, #tpu.memory_space<hbm>> -> memref<10000x128xf32, #tpu.memory_space<hbm>>
      tpu.wait_indirect_dma semaphore(%arg14 : memref<!tpu.dma_semaphore, #tpu.memory_space<semaphore_mem>>) src(%dma_wait3A_604 : memref<10000x128xf32, #tpu.memory_space<hbm>>) dst(%arg11 : memref<128x128xf32, #tpu.memory_space<vmem>>)
      %add3A_605 = arith.constant 1 : i32
      %add3A_606 = arith.addi %add3A_576, %add3A_605 : i32
      "tpu.region"() ({
        %run_scoped3A = tpu.sem_alloc : memref<!tpu.dma_semaphore, #tpu.memory_space<semaphore_mem>>
        %dma_start3A_607 = arith.constant 0 : i32
        %dma_start3A_608 = tpu.memref_slice %arg7[%add3A_606, %dma_start3A_607] : memref<16x128xi32, #tpu.memory_space<vmem>> -> memref<1x128xi32, #tpu.memory_space<vmem>>
        %dma_start3A_609 = tpu.memref_squeeze %dma_start3A_608 : memref<1x128xi32, #tpu.memory_space<vmem>> -> memref<128xi32, #tpu.memory_space<vmem>>
        %dma_start3A_610 = arith.constant 0 : i32
        %dma_start3A_611 = arith.constant 0 : i32
        %dma_start3A_612 = tpu.memref_slice %arg12[%dma_start3A_610, %dma_start3A_611] : memref<10240x128xf32, #tpu.memory_space<vmem_shared>> -> memref<10240x128xf32, #tpu.memory_space<vmem_shared>>
        tpu.enqueue_indirect_dma source(%arg11 : memref<128x128xf32, #tpu.memory_space<vmem>>) target(%dma_start3A_612 : memref<10240x128xf32, #tpu.memory_space<vmem_shared>>) offsets(%dma_start3A_609 : memref<128xi32, #tpu.memory_space<vmem>>) semaphore(%run_scoped3A : memref<!tpu.dma_semaphore, #tpu.memory_space<semaphore_mem>>) {add = true}
        %dma_wait3A_613 = arith.constant 0 : i32
        %dma_wait3A_614 = tpu.memref_slice %arg7[%add3A_606, %dma_wait3A_613] : memref<16x128xi32, #tpu.memory_space<vmem>> -> memref<1x128xi32, #tpu.memory_space<vmem>>
        %dma_wait3A_615 = tpu.memref_squeeze %dma_wait3A_614 : memref<1x128xi32, #tpu.memory_space<vmem>> -> memref<128xi32, #tpu.memory_space<vmem>>
        %dma_wait3A_616 = arith.constant 0 : i32
        %dma_wait3A_617 = arith.constant 0 : i32
        %dma_wait3A_618 = tpu.memref_slice %arg12[%dma_wait3A_616, %dma_wait3A_617] : memref<10240x128xf32, #tpu.memory_space<vmem_shared>> -> memref<10240x128xf32, #tpu.memory_space<vmem_shared>>
        tpu.wait_indirect_dma semaphore(%run_scoped3A : memref<!tpu.dma_semaphore, #tpu.memory_space<semaphore_mem>>) src(%arg11 : memref<128x128xf32, #tpu.memory_space<vmem>>) dst(%dma_wait3A_618 : memref<10240x128xf32, #tpu.memory_space<vmem_shared>>)
        tpu.yield
      }) : () -> ()
    }
    %scan3A_163 = arith.constant 8 : i32
    %dma_wait3A_164 = arith.constant 0 : i32
    %dma_wait3A_165 = arith.constant 0 : i32
    %dma_wait3A_166 = arith.constant 0 : i32
    %dma_wait3A_167 = arith.constant 0 : i32
    %dma_wait3A_168 = tpu.memref_slice %arg3[%dma_wait3A_164, %dma_wait3A_165, %dma_wait3A_166, %dma_wait3A_167] : memref<2x32x80x128xi32, #tpu.memory_space<hbm>> -> memref<1x32x80x128xi32, #tpu.memory_space<hbm>>
    %dma_wait3A_169 = tpu.memref_squeeze %dma_wait3A_168 : memref<1x32x80x128xi32, #tpu.memory_space<hbm>> -> memref<32x80x128xi32, #tpu.memory_space<hbm>>
    %dma_wait3A_170 = arith.constant 0 : i32
    %dma_wait3A_171 = arith.constant 0 : i32
    %dma_wait3A_172 = tpu.memref_slice %dma_wait3A_169[%add3A, %dma_wait3A_170, %dma_wait3A_171] : memref<32x80x128xi32, #tpu.memory_space<hbm>> -> memref<1x80x128xi32, #tpu.memory_space<hbm>>
    %dma_wait3A_173 = tpu.memref_squeeze %dma_wait3A_172 : memref<1x80x128xi32, #tpu.memory_space<hbm>> -> memref<80x128xi32, #tpu.memory_space<hbm>>
    %dma_wait3A_174 = arith.constant 16 : i32
    %dma_wait3A_175 = arith.constant 0 : i32
    %dma_wait3A_176 = tpu.memref_slice %dma_wait3A_173[%dma_wait3A_174, %dma_wait3A_175] : memref<80x128xi32, #tpu.memory_space<hbm>> -> memref<16x128xi32, #tpu.memory_space<hbm>>
    %dma_wait3A_177 = arith.constant 0 : i32
    %dma_wait3A_178 = arith.constant 0 : i32
    %dma_wait3A_179 = arith.constant 0 : i32
    %dma_wait3A_180 = tpu.memref_slice %arg3[%dma_wait3A_164, %dma_wait3A_177, %dma_wait3A_178, %dma_wait3A_179] : memref<2x32x80x128xi32, #tpu.memory_space<hbm>> -> memref<1x32x80x128xi32, #tpu.memory_space<hbm>>
    %dma_wait3A_181 = tpu.memref_squeeze %dma_wait3A_180 : memref<1x32x80x128xi32, #tpu.memory_space<hbm>> -> memref<32x80x128xi32, #tpu.memory_space<hbm>>
    %dma_wait3A_182 = arith.constant 0 : i32
    %dma_wait3A_183 = arith.constant 0 : i32
    %dma_wait3A_184 = tpu.memref_slice %dma_wait3A_181[%add3A, %dma_wait3A_182, %dma_wait3A_183] : memref<32x80x128xi32, #tpu.memory_space<hbm>> -> memref<1x80x128xi32, #tpu.memory_space<hbm>>
    %dma_wait3A_185 = tpu.memref_squeeze %dma_wait3A_184 : memref<1x80x128xi32, #tpu.memory_space<hbm>> -> memref<80x128xi32, #tpu.memory_space<hbm>>
    %dma_wait3A_186 = arith.constant 16 : i32
    %dma_wait3A_187 = arith.constant 0 : i32
    %dma_wait3A_188 = tpu.memref_slice %dma_wait3A_185[%dma_wait3A_186, %dma_wait3A_187] : memref<80x128xi32, #tpu.memory_space<hbm>> -> memref<16x128xi32, #tpu.memory_space<hbm>>
    tpu.wait_dma2 semaphore(%arg16 : memref<!tpu.dma_semaphore, #tpu.memory_space<semaphore_mem>>) src(%dma_wait3A_188 : memref<16x128xi32, #tpu.memory_space<hbm>>) dst(%arg8 : memref<16x128xi32, #tpu.memory_space<vmem>>)
    %dma_wait3A_189 = arith.constant 1 : i32
    %dma_wait3A_190 = arith.constant 0 : i32
    %dma_wait3A_191 = arith.constant 0 : i32
    %dma_wait3A_192 = arith.constant 0 : i32
    %dma_wait3A_193 = tpu.memref_slice %arg3[%dma_wait3A_189, %dma_wait3A_190, %dma_wait3A_191, %dma_wait3A_192] : memref<2x32x80x128xi32, #tpu.memory_space<hbm>> -> memref<1x32x80x128xi32, #tpu.memory_space<hbm>>
    %dma_wait3A_194 = tpu.memref_squeeze %dma_wait3A_193 : memref<1x32x80x128xi32, #tpu.memory_space<hbm>> -> memref<32x80x128xi32, #tpu.memory_space<hbm>>
    %dma_wait3A_195 = arith.constant 0 : i32
    %dma_wait3A_196 = arith.constant 0 : i32
    %dma_wait3A_197 = tpu.memref_slice %dma_wait3A_194[%add3A, %dma_wait3A_195, %dma_wait3A_196] : memref<32x80x128xi32, #tpu.memory_space<hbm>> -> memref<1x80x128xi32, #tpu.memory_space<hbm>>
    %dma_wait3A_198 = tpu.memref_squeeze %dma_wait3A_197 : memref<1x80x128xi32, #tpu.memory_space<hbm>> -> memref<80x128xi32, #tpu.memory_space<hbm>>
    %dma_wait3A_199 = arith.constant 16 : i32
    %dma_wait3A_200 = arith.constant 0 : i32
    %dma_wait3A_201 = tpu.memref_slice %dma_wait3A_198[%dma_wait3A_199, %dma_wait3A_200] : memref<80x128xi32, #tpu.memory_space<hbm>> -> memref<16x128xi32, #tpu.memory_space<hbm>>
    %dma_wait3A_202 = arith.constant 0 : i32
    %dma_wait3A_203 = arith.constant 0 : i32
    %dma_wait3A_204 = arith.constant 0 : i32
    %dma_wait3A_205 = tpu.memref_slice %arg3[%dma_wait3A_189, %dma_wait3A_202, %dma_wait3A_203, %dma_wait3A_204] : memref<2x32x80x128xi32, #tpu.memory_space<hbm>> -> memref<1x32x80x128xi32, #tpu.memory_space<hbm>>
    %dma_wait3A_206 = tpu.memref_squeeze %dma_wait3A_205 : memref<1x32x80x128xi32, #tpu.memory_space<hbm>> -> memref<32x80x128xi32, #tpu.memory_space<hbm>>
    %dma_wait3A_207 = arith.constant 0 : i32
    %dma_wait3A_208 = arith.constant 0 : i32
    %dma_wait3A_209 = tpu.memref_slice %dma_wait3A_206[%add3A, %dma_wait3A_207, %dma_wait3A_208] : memref<32x80x128xi32, #tpu.memory_space<hbm>> -> memref<1x80x128xi32, #tpu.memory_space<hbm>>
    %dma_wait3A_210 = tpu.memref_squeeze %dma_wait3A_209 : memref<1x80x128xi32, #tpu.memory_space<hbm>> -> memref<80x128xi32, #tpu.memory_space<hbm>>
    %dma_wait3A_211 = arith.constant 16 : i32
    %dma_wait3A_212 = arith.constant 0 : i32
    %dma_wait3A_213 = tpu.memref_slice %dma_wait3A_210[%dma_wait3A_211, %dma_wait3A_212] : memref<80x128xi32, #tpu.memory_space<hbm>> -> memref<16x128xi32, #tpu.memory_space<hbm>>
    tpu.wait_dma2 semaphore(%arg16 : memref<!tpu.dma_semaphore, #tpu.memory_space<semaphore_mem>>) src(%dma_wait3A_213 : memref<16x128xi32, #tpu.memory_space<hbm>>) dst(%arg9 : memref<16x128xi32, #tpu.memory_space<vmem>>)
    %dma_start3A_214 = arith.constant 0 : i32
    %dma_start3A_215 = arith.constant 0 : i32
    %dma_start3A_216 = arith.constant 0 : i32
    %dma_start3A_217 = arith.constant 0 : i32
    %dma_start3A_218 = tpu.memref_slice %arg3[%dma_start3A_214, %dma_start3A_215, %dma_start3A_216, %dma_start3A_217] : memref<2x32x80x128xi32, #tpu.memory_space<hbm>> -> memref<1x32x80x128xi32, #tpu.memory_space<hbm>>
    %dma_start3A_219 = tpu.memref_squeeze %dma_start3A_218 : memref<1x32x80x128xi32, #tpu.memory_space<hbm>> -> memref<32x80x128xi32, #tpu.memory_space<hbm>>
    %dma_start3A_220 = arith.constant 0 : i32
    %dma_start3A_221 = arith.constant 0 : i32
    %dma_start3A_222 = tpu.memref_slice %dma_start3A_219[%add3A, %dma_start3A_220, %dma_start3A_221] : memref<32x80x128xi32, #tpu.memory_space<hbm>> -> memref<1x80x128xi32, #tpu.memory_space<hbm>>
    %dma_start3A_223 = tpu.memref_squeeze %dma_start3A_222 : memref<1x80x128xi32, #tpu.memory_space<hbm>> -> memref<80x128xi32, #tpu.memory_space<hbm>>
    %dma_start3A_224 = arith.constant 32 : i32
    %dma_start3A_225 = arith.constant 0 : i32
    %dma_start3A_226 = tpu.memref_slice %dma_start3A_223[%dma_start3A_224, %dma_start3A_225] : memref<80x128xi32, #tpu.memory_space<hbm>> -> memref<16x128xi32, #tpu.memory_space<hbm>>
    %dma_start3A_227 = arith.constant 0 : i32
    %dma_start3A_228 = arith.constant 0 : i32
    %dma_start3A_229 = arith.constant 0 : i32
    %dma_start3A_230 = tpu.memref_slice %arg3[%dma_start3A_214, %dma_start3A_227, %dma_start3A_228, %dma_start3A_229] : memref<2x32x80x128xi32, #tpu.memory_space<hbm>> -> memref<1x32x80x128xi32, #tpu.memory_space<hbm>>
    %dma_start3A_231 = tpu.memref_squeeze %dma_start3A_230 : memref<1x32x80x128xi32, #tpu.memory_space<hbm>> -> memref<32x80x128xi32, #tpu.memory_space<hbm>>
    %dma_start3A_232 = arith.constant 0 : i32
    %dma_start3A_233 = arith.constant 0 : i32
    %dma_start3A_234 = tpu.memref_slice %dma_start3A_231[%add3A, %dma_start3A_232, %dma_start3A_233] : memref<32x80x128xi32, #tpu.memory_space<hbm>> -> memref<1x80x128xi32, #tpu.memory_space<hbm>>
    %dma_start3A_235 = tpu.memref_squeeze %dma_start3A_234 : memref<1x80x128xi32, #tpu.memory_space<hbm>> -> memref<80x128xi32, #tpu.memory_space<hbm>>
    %dma_start3A_236 = arith.constant 32 : i32
    %dma_start3A_237 = arith.constant 0 : i32
    %dma_start3A_238 = tpu.memref_slice %dma_start3A_235[%dma_start3A_236, %dma_start3A_237] : memref<80x128xi32, #tpu.memory_space<hbm>> -> memref<16x128xi32, #tpu.memory_space<hbm>>
    tpu.enqueue_dma source(%dma_start3A_238 : memref<16x128xi32, #tpu.memory_space<hbm>>) target(%arg6 : memref<16x128xi32, #tpu.memory_space<vmem>>) target_semaphore(%arg15 : memref<!tpu.dma_semaphore, #tpu.memory_space<semaphore_mem>>)
    %dma_start3A_239 = arith.constant 1 : i32
    %dma_start3A_240 = arith.constant 0 : i32
    %dma_start3A_241 = arith.constant 0 : i32
    %dma_start3A_242 = arith.constant 0 : i32
    %dma_start3A_243 = tpu.memref_slice %arg3[%dma_start3A_239, %dma_start3A_240, %dma_start3A_241, %dma_start3A_242] : memref<2x32x80x128xi32, #tpu.memory_space<hbm>> -> memref<1x32x80x128xi32, #tpu.memory_space<hbm>>
    %dma_start3A_244 = tpu.memref_squeeze %dma_start3A_243 : memref<1x32x80x128xi32, #tpu.memory_space<hbm>> -> memref<32x80x128xi32, #tpu.memory_space<hbm>>
    %dma_start3A_245 = arith.constant 0 : i32
    %dma_start3A_246 = arith.constant 0 : i32
    %dma_start3A_247 = tpu.memref_slice %dma_start3A_244[%add3A, %dma_start3A_245, %dma_start3A_246] : memref<32x80x128xi32, #tpu.memory_space<hbm>> -> memref<1x80x128xi32, #tpu.memory_space<hbm>>
    %dma_start3A_248 = tpu.memref_squeeze %dma_start3A_247 : memref<1x80x128xi32, #tpu.memory_space<hbm>> -> memref<80x128xi32, #tpu.memory_space<hbm>>
    %dma_start3A_249 = arith.constant 32 : i32
    %dma_start3A_250 = arith.constant 0 : i32
    %dma_start3A_251 = tpu.memref_slice %dma_start3A_248[%dma_start3A_249, %dma_start3A_250] : memref<80x128xi32, #tpu.memory_space<hbm>> -> memref<16x128xi32, #tpu.memory_space<hbm>>
    %dma_start3A_252 = arith.constant 0 : i32
    %dma_start3A_253 = arith.constant 0 : i32
    %dma_start3A_254 = arith.constant 0 : i32
    %dma_start3A_255 = tpu.memref_slice %arg3[%dma_start3A_239, %dma_start3A_252, %dma_start3A_253, %dma_start3A_254] : memref<2x32x80x128xi32, #tpu.memory_space<hbm>> -> memref<1x32x80x128xi32, #tpu.memory_space<hbm>>
    %dma_start3A_256 = tpu.memref_squeeze %dma_start3A_255 : memref<1x32x80x128xi32, #tpu.memory_space<hbm>> -> memref<32x80x128xi32, #tpu.memory_space<hbm>>
    %dma_start3A_257 = arith.constant 0 : i32
    %dma_start3A_258 = arith.constant 0 : i32
    %dma_start3A_259 = tpu.memref_slice %dma_start3A_256[%add3A, %dma_start3A_257, %dma_start3A_258] : memref<32x80x128xi32, #tpu.memory_space<hbm>> -> memref<1x80x128xi32, #tpu.memory_space<hbm>>
    %dma_start3A_260 = tpu.memref_squeeze %dma_start3A_259 : memref<1x80x128xi32, #tpu.memory_space<hbm>> -> memref<80x128xi32, #tpu.memory_space<hbm>>
    %dma_start3A_261 = arith.constant 32 : i32
    %dma_start3A_262 = arith.constant 0 : i32
    %dma_start3A_263 = tpu.memref_slice %dma_start3A_260[%dma_start3A_261, %dma_start3A_262] : memref<80x128xi32, #tpu.memory_space<hbm>> -> memref<16x128xi32, #tpu.memory_space<hbm>>
    tpu.enqueue_dma source(%dma_start3A_263 : memref<16x128xi32, #tpu.memory_space<hbm>>) target(%arg7 : memref<16x128xi32, #tpu.memory_space<vmem>>) target_semaphore(%arg15 : memref<!tpu.dma_semaphore, #tpu.memory_space<semaphore_mem>>)
    %dma_start3A_264 = arith.constant 0 : i32
    %dma_start3A_265 = arith.constant 0 : i32
    %dma_start3A_266 = tpu.memref_slice %arg8[%dma_start3A_264, %dma_start3A_265] : memref<16x128xi32, #tpu.memory_space<vmem>> -> memref<1x128xi32, #tpu.memory_space<vmem>>
    %dma_start3A_267 = tpu.memref_squeeze %dma_start3A_266 : memref<1x128xi32, #tpu.memory_space<vmem>> -> memref<128xi32, #tpu.memory_space<vmem>>
    %dma_start3A_268 = arith.constant 0 : i32
    %dma_start3A_269 = arith.constant 0 : i32
    %dma_start3A_270 = tpu.memref_slice %arg2[%dma_start3A_268, %dma_start3A_269] : memref<10000x128xf32, #tpu.memory_space<hbm>> -> memref<10000x128xf32, #tpu.memory_space<hbm>>
    tpu.enqueue_indirect_dma source(%dma_start3A_270 : memref<10000x128xf32, #tpu.memory_space<hbm>>) target(%arg10 : memref<128x128xf32, #tpu.memory_space<vmem>>) offsets(%dma_start3A_267 : memref<128xi32, #tpu.memory_space<vmem>>) semaphore(%arg13 : memref<!tpu.dma_semaphore, #tpu.memory_space<semaphore_mem>>)
    %scan3A_271 = arith.constant 0 : i32
    %scan3A_272 = arith.constant 8 : i32
    %scan3A_273 = arith.addi %scan3A_271, %scan3A_272 : i32
    %scan3A_274 = arith.constant 1 : i32
    scf.for %scan3A_572 = %scan3A_271 to %scan3A_273 step %scan3A_274  : i32 {
      %mul3A_573 = arith.constant 2 : i32
      %mul3A_574 = arith.muli %scan3A_572, %mul3A_573 : i32
      %add3A_575 = arith.constant 0 : i32
      %add3A_576 = arith.addi %add3A_575, %mul3A_574 : i32
      %add3A_577 = arith.constant 1 : i32
      %add3A_578 = arith.addi %add3A_576, %add3A_577 : i32
      %dma_start3A_579 = arith.constant 0 : i32
      %dma_start3A_580 = tpu.memref_slice %arg8[%add3A_578, %dma_start3A_579] : memref<16x128xi32, #tpu.memory_space<vmem>> -> memref<1x128xi32, #tpu.memory_space<vmem>>
      %dma_start3A_581 = tpu.memref_squeeze %dma_start3A_580 : memref<1x128xi32, #tpu.memory_space<vmem>> -> memref<128xi32, #tpu.memory_space<vmem>>
      %dma_start3A_582 = arith.constant 0 : i32
      %dma_start3A_583 = arith.constant 0 : i32
      %dma_start3A_584 = tpu.memref_slice %arg2[%dma_start3A_582, %dma_start3A_583] : memref<10000x128xf32, #tpu.memory_space<hbm>> -> memref<10000x128xf32, #tpu.memory_space<hbm>>
      tpu.enqueue_indirect_dma source(%dma_start3A_584 : memref<10000x128xf32, #tpu.memory_space<hbm>>) target(%arg11 : memref<128x128xf32, #tpu.memory_space<vmem>>) offsets(%dma_start3A_581 : memref<128xi32, #tpu.memory_space<vmem>>) semaphore(%arg14 : memref<!tpu.dma_semaphore, #tpu.memory_space<semaphore_mem>>)
      %dma_wait3A_585 = arith.constant 0 : i32
      %dma_wait3A_586 = tpu.memref_slice %arg8[%add3A_576, %dma_wait3A_585] : memref<16x128xi32, #tpu.memory_space<vmem>> -> memref<1x128xi32, #tpu.memory_space<vmem>>
      %dma_wait3A_587 = tpu.memref_squeeze %dma_wait3A_586 : memref<1x128xi32, #tpu.memory_space<vmem>> -> memref<128xi32, #tpu.memory_space<vmem>>
      %dma_wait3A_588 = arith.constant 0 : i32
      %dma_wait3A_589 = arith.constant 0 : i32
      %dma_wait3A_590 = tpu.memref_slice %arg2[%dma_wait3A_588, %dma_wait3A_589] : memref<10000x128xf32, #tpu.memory_space<hbm>> -> memref<10000x128xf32, #tpu.memory_space<hbm>>
      tpu.wait_indirect_dma semaphore(%arg13 : memref<!tpu.dma_semaphore, #tpu.memory_space<semaphore_mem>>) src(%dma_wait3A_590 : memref<10000x128xf32, #tpu.memory_space<hbm>>) dst(%arg10 : memref<128x128xf32, #tpu.memory_space<vmem>>)
      "tpu.region"() ({
        %run_scoped3A = tpu.sem_alloc : memref<!tpu.dma_semaphore, #tpu.memory_space<semaphore_mem>>
        %dma_start3A_607 = arith.constant 0 : i32
        %dma_start3A_608 = tpu.memref_slice %arg9[%add3A_576, %dma_start3A_607] : memref<16x128xi32, #tpu.memory_space<vmem>> -> memref<1x128xi32, #tpu.memory_space<vmem>>
        %dma_start3A_609 = tpu.memref_squeeze %dma_start3A_608 : memref<1x128xi32, #tpu.memory_space<vmem>> -> memref<128xi32, #tpu.memory_space<vmem>>
        %dma_start3A_610 = arith.constant 0 : i32
        %dma_start3A_611 = arith.constant 0 : i32
        %dma_start3A_612 = tpu.memref_slice %arg12[%dma_start3A_610, %dma_start3A_611] : memref<10240x128xf32, #tpu.memory_space<vmem_shared>> -> memref<10240x128xf32, #tpu.memory_space<vmem_shared>>
        tpu.enqueue_indirect_dma source(%arg10 : memref<128x128xf32, #tpu.memory_space<vmem>>) target(%dma_start3A_612 : memref<10240x128xf32, #tpu.memory_space<vmem_shared>>) offsets(%dma_start3A_609 : memref<128xi32, #tpu.memory_space<vmem>>) semaphore(%run_scoped3A : memref<!tpu.dma_semaphore, #tpu.memory_space<semaphore_mem>>) {add = true}
        %dma_wait3A_613 = arith.constant 0 : i32
        %dma_wait3A_614 = tpu.memref_slice %arg9[%add3A_576, %dma_wait3A_613] : memref<16x128xi32, #tpu.memory_space<vmem>> -> memref<1x128xi32, #tpu.memory_space<vmem>>
        %dma_wait3A_615 = tpu.memref_squeeze %dma_wait3A_614 : memref<1x128xi32, #tpu.memory_space<vmem>> -> memref<128xi32, #tpu.memory_space<vmem>>
        %dma_wait3A_616 = arith.constant 0 : i32
        %dma_wait3A_617 = arith.constant 0 : i32
        %dma_wait3A_618 = tpu.memref_slice %arg12[%dma_wait3A_616, %dma_wait3A_617] : memref<10240x128xf32, #tpu.memory_space<vmem_shared>> -> memref<10240x128xf32, #tpu.memory_space<vmem_shared>>
        tpu.wait_indirect_dma semaphore(%run_scoped3A : memref<!tpu.dma_semaphore, #tpu.memory_space<semaphore_mem>>) src(%arg10 : memref<128x128xf32, #tpu.memory_space<vmem>>) dst(%dma_wait3A_618 : memref<10240x128xf32, #tpu.memory_space<vmem_shared>>)
        tpu.yield
      }) : () -> ()
      %add3A_591 = arith.constant 2 : i32
      %add3A_592 = arith.addi %add3A_576, %add3A_591 : i32
      %lt3A = arith.constant 16 : i32
      %lt3A_593 = arith.cmpi slt, %add3A_592, %lt3A : i32
      %convert_element_type3A_594 = arith.extui %lt3A_593 : i1 to i32
      %cond3A_595 = arith.constant 0 : i32
      %cond3A_596 = arith.cmpi ne, %convert_element_type3A_594, %cond3A_595 : i32
      scf.if %cond3A_596 {
        %add3A_607 = arith.constant 2 : i32
        %add3A_608 = arith.addi %add3A_576, %add3A_607 : i32
        %dma_start3A_609 = arith.constant 0 : i32
        %dma_start3A_610 = tpu.memref_slice %arg8[%add3A_608, %dma_start3A_609] : memref<16x128xi32, #tpu.memory_space<vmem>> -> memref<1x128xi32, #tpu.memory_space<vmem>>
        %dma_start3A_611 = tpu.memref_squeeze %dma_start3A_610 : memref<1x128xi32, #tpu.memory_space<vmem>> -> memref<128xi32, #tpu.memory_space<vmem>>
        %dma_start3A_612 = arith.constant 0 : i32
        %dma_start3A_613 = arith.constant 0 : i32
        %dma_start3A_614 = tpu.memref_slice %arg2[%dma_start3A_612, %dma_start3A_613] : memref<10000x128xf32, #tpu.memory_space<hbm>> -> memref<10000x128xf32, #tpu.memory_space<hbm>>
        tpu.enqueue_indirect_dma source(%dma_start3A_614 : memref<10000x128xf32, #tpu.memory_space<hbm>>) target(%arg10 : memref<128x128xf32, #tpu.memory_space<vmem>>) offsets(%dma_start3A_611 : memref<128xi32, #tpu.memory_space<vmem>>) semaphore(%arg13 : memref<!tpu.dma_semaphore, #tpu.memory_space<semaphore_mem>>)
      } else {
      }
      %add3A_597 = arith.constant 1 : i32
      %add3A_598 = arith.addi %add3A_576, %add3A_597 : i32
      %dma_wait3A_599 = arith.constant 0 : i32
      %dma_wait3A_600 = tpu.memref_slice %arg8[%add3A_598, %dma_wait3A_599] : memref<16x128xi32, #tpu.memory_space<vmem>> -> memref<1x128xi32, #tpu.memory_space<vmem>>
      %dma_wait3A_601 = tpu.memref_squeeze %dma_wait3A_600 : memref<1x128xi32, #tpu.memory_space<vmem>> -> memref<128xi32, #tpu.memory_space<vmem>>
      %dma_wait3A_602 = arith.constant 0 : i32
      %dma_wait3A_603 = arith.constant 0 : i32
      %dma_wait3A_604 = tpu.memref_slice %arg2[%dma_wait3A_602, %dma_wait3A_603] : memref<10000x128xf32, #tpu.memory_space<hbm>> -> memref<10000x128xf32, #tpu.memory_space<hbm>>
      tpu.wait_indirect_dma semaphore(%arg14 : memref<!tpu.dma_semaphore, #tpu.memory_space<semaphore_mem>>) src(%dma_wait3A_604 : memref<10000x128xf32, #tpu.memory_space<hbm>>) dst(%arg11 : memref<128x128xf32, #tpu.memory_space<vmem>>)
      %add3A_605 = arith.constant 1 : i32
      %add3A_606 = arith.addi %add3A_576, %add3A_605 : i32
      "tpu.region"() ({
        %run_scoped3A = tpu.sem_alloc : memref<!tpu.dma_semaphore, #tpu.memory_space<semaphore_mem>>
        %dma_start3A_607 = arith.constant 0 : i32
        %dma_start3A_608 = tpu.memref_slice %arg9[%add3A_606, %dma_start3A_607] : memref<16x128xi32, #tpu.memory_space<vmem>> -> memref<1x128xi32, #tpu.memory_space<vmem>>
        %dma_start3A_609 = tpu.memref_squeeze %dma_start3A_608 : memref<1x128xi32, #tpu.memory_space<vmem>> -> memref<128xi32, #tpu.memory_space<vmem>>
        %dma_start3A_610 = arith.constant 0 : i32
        %dma_start3A_611 = arith.constant 0 : i32
        %dma_start3A_612 = tpu.memref_slice %arg12[%dma_start3A_610, %dma_start3A_611] : memref<10240x128xf32, #tpu.memory_space<vmem_shared>> -> memref<10240x128xf32, #tpu.memory_space<vmem_shared>>
        tpu.enqueue_indirect_dma source(%arg11 : memref<128x128xf32, #tpu.memory_space<vmem>>) target(%dma_start3A_612 : memref<10240x128xf32, #tpu.memory_space<vmem_shared>>) offsets(%dma_start3A_609 : memref<128xi32, #tpu.memory_space<vmem>>) semaphore(%run_scoped3A : memref<!tpu.dma_semaphore, #tpu.memory_space<semaphore_mem>>) {add = true}
        %dma_wait3A_613 = arith.constant 0 : i32
        %dma_wait3A_614 = tpu.memref_slice %arg9[%add3A_606, %dma_wait3A_613] : memref<16x128xi32, #tpu.memory_space<vmem>> -> memref<1x128xi32, #tpu.memory_space<vmem>>
        %dma_wait3A_615 = tpu.memref_squeeze %dma_wait3A_614 : memref<1x128xi32, #tpu.memory_space<vmem>> -> memref<128xi32, #tpu.memory_space<vmem>>
        %dma_wait3A_616 = arith.constant 0 : i32
        %dma_wait3A_617 = arith.constant 0 : i32
        %dma_wait3A_618 = tpu.memref_slice %arg12[%dma_wait3A_616, %dma_wait3A_617] : memref<10240x128xf32, #tpu.memory_space<vmem_shared>> -> memref<10240x128xf32, #tpu.memory_space<vmem_shared>>
        tpu.wait_indirect_dma semaphore(%run_scoped3A : memref<!tpu.dma_semaphore, #tpu.memory_space<semaphore_mem>>) src(%arg11 : memref<128x128xf32, #tpu.memory_space<vmem>>) dst(%dma_wait3A_618 : memref<10240x128xf32, #tpu.memory_space<vmem_shared>>)
        tpu.yield
      }) : () -> ()
    }
    %scan3A_275 = arith.constant 8 : i32
    %dma_wait3A_276 = arith.constant 0 : i32
    %dma_wait3A_277 = arith.constant 0 : i32
    %dma_wait3A_278 = arith.constant 0 : i32
    %dma_wait3A_279 = arith.constant 0 : i32
    %dma_wait3A_280 = tpu.memref_slice %arg3[%dma_wait3A_276, %dma_wait3A_277, %dma_wait3A_278, %dma_wait3A_279] : memref<2x32x80x128xi32, #tpu.memory_space<hbm>> -> memref<1x32x80x128xi32, #tpu.memory_space<hbm>>
    %dma_wait3A_281 = tpu.memref_squeeze %dma_wait3A_280 : memref<1x32x80x128xi32, #tpu.memory_space<hbm>> -> memref<32x80x128xi32, #tpu.memory_space<hbm>>
    %dma_wait3A_282 = arith.constant 0 : i32
    %dma_wait3A_283 = arith.constant 0 : i32
    %dma_wait3A_284 = tpu.memref_slice %dma_wait3A_281[%add3A, %dma_wait3A_282, %dma_wait3A_283] : memref<32x80x128xi32, #tpu.memory_space<hbm>> -> memref<1x80x128xi32, #tpu.memory_space<hbm>>
    %dma_wait3A_285 = tpu.memref_squeeze %dma_wait3A_284 : memref<1x80x128xi32, #tpu.memory_space<hbm>> -> memref<80x128xi32, #tpu.memory_space<hbm>>
    %dma_wait3A_286 = arith.constant 32 : i32
    %dma_wait3A_287 = arith.constant 0 : i32
    %dma_wait3A_288 = tpu.memref_slice %dma_wait3A_285[%dma_wait3A_286, %dma_wait3A_287] : memref<80x128xi32, #tpu.memory_space<hbm>> -> memref<16x128xi32, #tpu.memory_space<hbm>>
    %dma_wait3A_289 = arith.constant 0 : i32
    %dma_wait3A_290 = arith.constant 0 : i32
    %dma_wait3A_291 = arith.constant 0 : i32
    %dma_wait3A_292 = tpu.memref_slice %arg3[%dma_wait3A_276, %dma_wait3A_289, %dma_wait3A_290, %dma_wait3A_291] : memref<2x32x80x128xi32, #tpu.memory_space<hbm>> -> memref<1x32x80x128xi32, #tpu.memory_space<hbm>>
    %dma_wait3A_293 = tpu.memref_squeeze %dma_wait3A_292 : memref<1x32x80x128xi32, #tpu.memory_space<hbm>> -> memref<32x80x128xi32, #tpu.memory_space<hbm>>
    %dma_wait3A_294 = arith.constant 0 : i32
    %dma_wait3A_295 = arith.constant 0 : i32
    %dma_wait3A_296 = tpu.memref_slice %dma_wait3A_293[%add3A, %dma_wait3A_294, %dma_wait3A_295] : memref<32x80x128xi32, #tpu.memory_space<hbm>> -> memref<1x80x128xi32, #tpu.memory_space<hbm>>
    %dma_wait3A_297 = tpu.memref_squeeze %dma_wait3A_296 : memref<1x80x128xi32, #tpu.memory_space<hbm>> -> memref<80x128xi32, #tpu.memory_space<hbm>>
    %dma_wait3A_298 = arith.constant 32 : i32
    %dma_wait3A_299 = arith.constant 0 : i32
    %dma_wait3A_300 = tpu.memref_slice %dma_wait3A_297[%dma_wait3A_298, %dma_wait3A_299] : memref<80x128xi32, #tpu.memory_space<hbm>> -> memref<16x128xi32, #tpu.memory_space<hbm>>
    tpu.wait_dma2 semaphore(%arg15 : memref<!tpu.dma_semaphore, #tpu.memory_space<semaphore_mem>>) src(%dma_wait3A_300 : memref<16x128xi32, #tpu.memory_space<hbm>>) dst(%arg6 : memref<16x128xi32, #tpu.memory_space<vmem>>)
    %dma_wait3A_301 = arith.constant 1 : i32
    %dma_wait3A_302 = arith.constant 0 : i32
    %dma_wait3A_303 = arith.constant 0 : i32
    %dma_wait3A_304 = arith.constant 0 : i32
    %dma_wait3A_305 = tpu.memref_slice %arg3[%dma_wait3A_301, %dma_wait3A_302, %dma_wait3A_303, %dma_wait3A_304] : memref<2x32x80x128xi32, #tpu.memory_space<hbm>> -> memref<1x32x80x128xi32, #tpu.memory_space<hbm>>
    %dma_wait3A_306 = tpu.memref_squeeze %dma_wait3A_305 : memref<1x32x80x128xi32, #tpu.memory_space<hbm>> -> memref<32x80x128xi32, #tpu.memory_space<hbm>>
    %dma_wait3A_307 = arith.constant 0 : i32
    %dma_wait3A_308 = arith.constant 0 : i32
    %dma_wait3A_309 = tpu.memref_slice %dma_wait3A_306[%add3A, %dma_wait3A_307, %dma_wait3A_308] : memref<32x80x128xi32, #tpu.memory_space<hbm>> -> memref<1x80x128xi32, #tpu.memory_space<hbm>>
    %dma_wait3A_310 = tpu.memref_squeeze %dma_wait3A_309 : memref<1x80x128xi32, #tpu.memory_space<hbm>> -> memref<80x128xi32, #tpu.memory_space<hbm>>
    %dma_wait3A_311 = arith.constant 32 : i32
    %dma_wait3A_312 = arith.constant 0 : i32
    %dma_wait3A_313 = tpu.memref_slice %dma_wait3A_310[%dma_wait3A_311, %dma_wait3A_312] : memref<80x128xi32, #tpu.memory_space<hbm>> -> memref<16x128xi32, #tpu.memory_space<hbm>>
    %dma_wait3A_314 = arith.constant 0 : i32
    %dma_wait3A_315 = arith.constant 0 : i32
    %dma_wait3A_316 = arith.constant 0 : i32
    %dma_wait3A_317 = tpu.memref_slice %arg3[%dma_wait3A_301, %dma_wait3A_314, %dma_wait3A_315, %dma_wait3A_316] : memref<2x32x80x128xi32, #tpu.memory_space<hbm>> -> memref<1x32x80x128xi32, #tpu.memory_space<hbm>>
    %dma_wait3A_318 = tpu.memref_squeeze %dma_wait3A_317 : memref<1x32x80x128xi32, #tpu.memory_space<hbm>> -> memref<32x80x128xi32, #tpu.memory_space<hbm>>
    %dma_wait3A_319 = arith.constant 0 : i32
    %dma_wait3A_320 = arith.constant 0 : i32
    %dma_wait3A_321 = tpu.memref_slice %dma_wait3A_318[%add3A, %dma_wait3A_319, %dma_wait3A_320] : memref<32x80x128xi32, #tpu.memory_space<hbm>> -> memref<1x80x128xi32, #tpu.memory_space<hbm>>
    %dma_wait3A_322 = tpu.memref_squeeze %dma_wait3A_321 : memref<1x80x128xi32, #tpu.memory_space<hbm>> -> memref<80x128xi32, #tpu.memory_space<hbm>>
    %dma_wait3A_323 = arith.constant 32 : i32
    %dma_wait3A_324 = arith.constant 0 : i32
    %dma_wait3A_325 = tpu.memref_slice %dma_wait3A_322[%dma_wait3A_323, %dma_wait3A_324] : memref<80x128xi32, #tpu.memory_space<hbm>> -> memref<16x128xi32, #tpu.memory_space<hbm>>
    tpu.wait_dma2 semaphore(%arg15 : memref<!tpu.dma_semaphore, #tpu.memory_space<semaphore_mem>>) src(%dma_wait3A_325 : memref<16x128xi32, #tpu.memory_space<hbm>>) dst(%arg7 : memref<16x128xi32, #tpu.memory_space<vmem>>)
    %dma_start3A_326 = arith.constant 0 : i32
    %dma_start3A_327 = arith.constant 0 : i32
    %dma_start3A_328 = arith.constant 0 : i32
    %dma_start3A_329 = arith.constant 0 : i32
    %dma_start3A_330 = tpu.memref_slice %arg3[%dma_start3A_326, %dma_start3A_327, %dma_start3A_328, %dma_start3A_329] : memref<2x32x80x128xi32, #tpu.memory_space<hbm>> -> memref<1x32x80x128xi32, #tpu.memory_space<hbm>>
    %dma_start3A_331 = tpu.memref_squeeze %dma_start3A_330 : memref<1x32x80x128xi32, #tpu.memory_space<hbm>> -> memref<32x80x128xi32, #tpu.memory_space<hbm>>
    %dma_start3A_332 = arith.constant 0 : i32
    %dma_start3A_333 = arith.constant 0 : i32
    %dma_start3A_334 = tpu.memref_slice %dma_start3A_331[%add3A, %dma_start3A_332, %dma_start3A_333] : memref<32x80x128xi32, #tpu.memory_space<hbm>> -> memref<1x80x128xi32, #tpu.memory_space<hbm>>
    %dma_start3A_335 = tpu.memref_squeeze %dma_start3A_334 : memref<1x80x128xi32, #tpu.memory_space<hbm>> -> memref<80x128xi32, #tpu.memory_space<hbm>>
    %dma_start3A_336 = arith.constant 48 : i32
    %dma_start3A_337 = arith.constant 0 : i32
    %dma_start3A_338 = tpu.memref_slice %dma_start3A_335[%dma_start3A_336, %dma_start3A_337] : memref<80x128xi32, #tpu.memory_space<hbm>> -> memref<16x128xi32, #tpu.memory_space<hbm>>
    %dma_start3A_339 = arith.constant 0 : i32
    %dma_start3A_340 = arith.constant 0 : i32
    %dma_start3A_341 = arith.constant 0 : i32
    %dma_start3A_342 = tpu.memref_slice %arg3[%dma_start3A_326, %dma_start3A_339, %dma_start3A_340, %dma_start3A_341] : memref<2x32x80x128xi32, #tpu.memory_space<hbm>> -> memref<1x32x80x128xi32, #tpu.memory_space<hbm>>
    %dma_start3A_343 = tpu.memref_squeeze %dma_start3A_342 : memref<1x32x80x128xi32, #tpu.memory_space<hbm>> -> memref<32x80x128xi32, #tpu.memory_space<hbm>>
    %dma_start3A_344 = arith.constant 0 : i32
    %dma_start3A_345 = arith.constant 0 : i32
    %dma_start3A_346 = tpu.memref_slice %dma_start3A_343[%add3A, %dma_start3A_344, %dma_start3A_345] : memref<32x80x128xi32, #tpu.memory_space<hbm>> -> memref<1x80x128xi32, #tpu.memory_space<hbm>>
    %dma_start3A_347 = tpu.memref_squeeze %dma_start3A_346 : memref<1x80x128xi32, #tpu.memory_space<hbm>> -> memref<80x128xi32, #tpu.memory_space<hbm>>
    %dma_start3A_348 = arith.constant 48 : i32
    %dma_start3A_349 = arith.constant 0 : i32
    %dma_start3A_350 = tpu.memref_slice %dma_start3A_347[%dma_start3A_348, %dma_start3A_349] : memref<80x128xi32, #tpu.memory_space<hbm>> -> memref<16x128xi32, #tpu.memory_space<hbm>>
    tpu.enqueue_dma source(%dma_start3A_350 : memref<16x128xi32, #tpu.memory_space<hbm>>) target(%arg8 : memref<16x128xi32, #tpu.memory_space<vmem>>) target_semaphore(%arg16 : memref<!tpu.dma_semaphore, #tpu.memory_space<semaphore_mem>>)
    %dma_start3A_351 = arith.constant 1 : i32
    %dma_start3A_352 = arith.constant 0 : i32
    %dma_start3A_353 = arith.constant 0 : i32
    %dma_start3A_354 = arith.constant 0 : i32
    %dma_start3A_355 = tpu.memref_slice %arg3[%dma_start3A_351, %dma_start3A_352, %dma_start3A_353, %dma_start3A_354] : memref<2x32x80x128xi32, #tpu.memory_space<hbm>> -> memref<1x32x80x128xi32, #tpu.memory_space<hbm>>
    %dma_start3A_356 = tpu.memref_squeeze %dma_start3A_355 : memref<1x32x80x128xi32, #tpu.memory_space<hbm>> -> memref<32x80x128xi32, #tpu.memory_space<hbm>>
    %dma_start3A_357 = arith.constant 0 : i32
    %dma_start3A_358 = arith.constant 0 : i32
    %dma_start3A_359 = tpu.memref_slice %dma_start3A_356[%add3A, %dma_start3A_357, %dma_start3A_358] : memref<32x80x128xi32, #tpu.memory_space<hbm>> -> memref<1x80x128xi32, #tpu.memory_space<hbm>>
    %dma_start3A_360 = tpu.memref_squeeze %dma_start3A_359 : memref<1x80x128xi32, #tpu.memory_space<hbm>> -> memref<80x128xi32, #tpu.memory_space<hbm>>
    %dma_start3A_361 = arith.constant 48 : i32
    %dma_start3A_362 = arith.constant 0 : i32
    %dma_start3A_363 = tpu.memref_slice %dma_start3A_360[%dma_start3A_361, %dma_start3A_362] : memref<80x128xi32, #tpu.memory_space<hbm>> -> memref<16x128xi32, #tpu.memory_space<hbm>>
    %dma_start3A_364 = arith.constant 0 : i32
    %dma_start3A_365 = arith.constant 0 : i32
    %dma_start3A_366 = arith.constant 0 : i32
    %dma_start3A_367 = tpu.memref_slice %arg3[%dma_start3A_351, %dma_start3A_364, %dma_start3A_365, %dma_start3A_366] : memref<2x32x80x128xi32, #tpu.memory_space<hbm>> -> memref<1x32x80x128xi32, #tpu.memory_space<hbm>>
    %dma_start3A_368 = tpu.memref_squeeze %dma_start3A_367 : memref<1x32x80x128xi32, #tpu.memory_space<hbm>> -> memref<32x80x128xi32, #tpu.memory_space<hbm>>
    %dma_start3A_369 = arith.constant 0 : i32
    %dma_start3A_370 = arith.constant 0 : i32
    %dma_start3A_371 = tpu.memref_slice %dma_start3A_368[%add3A, %dma_start3A_369, %dma_start3A_370] : memref<32x80x128xi32, #tpu.memory_space<hbm>> -> memref<1x80x128xi32, #tpu.memory_space<hbm>>
    %dma_start3A_372 = tpu.memref_squeeze %dma_start3A_371 : memref<1x80x128xi32, #tpu.memory_space<hbm>> -> memref<80x128xi32, #tpu.memory_space<hbm>>
    %dma_start3A_373 = arith.constant 48 : i32
    %dma_start3A_374 = arith.constant 0 : i32
    %dma_start3A_375 = tpu.memref_slice %dma_start3A_372[%dma_start3A_373, %dma_start3A_374] : memref<80x128xi32, #tpu.memory_space<hbm>> -> memref<16x128xi32, #tpu.memory_space<hbm>>
    tpu.enqueue_dma source(%dma_start3A_375 : memref<16x128xi32, #tpu.memory_space<hbm>>) target(%arg9 : memref<16x128xi32, #tpu.memory_space<vmem>>) target_semaphore(%arg16 : memref<!tpu.dma_semaphore, #tpu.memory_space<semaphore_mem>>)
    %dma_start3A_376 = arith.constant 0 : i32
    %dma_start3A_377 = arith.constant 0 : i32
    %dma_start3A_378 = tpu.memref_slice %arg6[%dma_start3A_376, %dma_start3A_377] : memref<16x128xi32, #tpu.memory_space<vmem>> -> memref<1x128xi32, #tpu.memory_space<vmem>>
    %dma_start3A_379 = tpu.memref_squeeze %dma_start3A_378 : memref<1x128xi32, #tpu.memory_space<vmem>> -> memref<128xi32, #tpu.memory_space<vmem>>
    %dma_start3A_380 = arith.constant 0 : i32
    %dma_start3A_381 = arith.constant 0 : i32
    %dma_start3A_382 = tpu.memref_slice %arg2[%dma_start3A_380, %dma_start3A_381] : memref<10000x128xf32, #tpu.memory_space<hbm>> -> memref<10000x128xf32, #tpu.memory_space<hbm>>
    tpu.enqueue_indirect_dma source(%dma_start3A_382 : memref<10000x128xf32, #tpu.memory_space<hbm>>) target(%arg10 : memref<128x128xf32, #tpu.memory_space<vmem>>) offsets(%dma_start3A_379 : memref<128xi32, #tpu.memory_space<vmem>>) semaphore(%arg13 : memref<!tpu.dma_semaphore, #tpu.memory_space<semaphore_mem>>)
    %scan3A_383 = arith.constant 0 : i32
    %scan3A_384 = arith.constant 8 : i32
    %scan3A_385 = arith.addi %scan3A_383, %scan3A_384 : i32
    %scan3A_386 = arith.constant 1 : i32
    scf.for %scan3A_572 = %scan3A_383 to %scan3A_385 step %scan3A_386  : i32 {
      %mul3A_573 = arith.constant 2 : i32
      %mul3A_574 = arith.muli %scan3A_572, %mul3A_573 : i32
      %add3A_575 = arith.constant 0 : i32
      %add3A_576 = arith.addi %add3A_575, %mul3A_574 : i32
      %add3A_577 = arith.constant 1 : i32
      %add3A_578 = arith.addi %add3A_576, %add3A_577 : i32
      %dma_start3A_579 = arith.constant 0 : i32
      %dma_start3A_580 = tpu.memref_slice %arg6[%add3A_578, %dma_start3A_579] : memref<16x128xi32, #tpu.memory_space<vmem>> -> memref<1x128xi32, #tpu.memory_space<vmem>>
      %dma_start3A_581 = tpu.memref_squeeze %dma_start3A_580 : memref<1x128xi32, #tpu.memory_space<vmem>> -> memref<128xi32, #tpu.memory_space<vmem>>
      %dma_start3A_582 = arith.constant 0 : i32
      %dma_start3A_583 = arith.constant 0 : i32
      %dma_start3A_584 = tpu.memref_slice %arg2[%dma_start3A_582, %dma_start3A_583] : memref<10000x128xf32, #tpu.memory_space<hbm>> -> memref<10000x128xf32, #tpu.memory_space<hbm>>
      tpu.enqueue_indirect_dma source(%dma_start3A_584 : memref<10000x128xf32, #tpu.memory_space<hbm>>) target(%arg11 : memref<128x128xf32, #tpu.memory_space<vmem>>) offsets(%dma_start3A_581 : memref<128xi32, #tpu.memory_space<vmem>>) semaphore(%arg14 : memref<!tpu.dma_semaphore, #tpu.memory_space<semaphore_mem>>)
      %dma_wait3A_585 = arith.constant 0 : i32
      %dma_wait3A_586 = tpu.memref_slice %arg6[%add3A_576, %dma_wait3A_585] : memref<16x128xi32, #tpu.memory_space<vmem>> -> memref<1x128xi32, #tpu.memory_space<vmem>>
      %dma_wait3A_587 = tpu.memref_squeeze %dma_wait3A_586 : memref<1x128xi32, #tpu.memory_space<vmem>> -> memref<128xi32, #tpu.memory_space<vmem>>
      %dma_wait3A_588 = arith.constant 0 : i32
      %dma_wait3A_589 = arith.constant 0 : i32
      %dma_wait3A_590 = tpu.memref_slice %arg2[%dma_wait3A_588, %dma_wait3A_589] : memref<10000x128xf32, #tpu.memory_space<hbm>> -> memref<10000x128xf32, #tpu.memory_space<hbm>>
      tpu.wait_indirect_dma semaphore(%arg13 : memref<!tpu.dma_semaphore, #tpu.memory_space<semaphore_mem>>) src(%dma_wait3A_590 : memref<10000x128xf32, #tpu.memory_space<hbm>>) dst(%arg10 : memref<128x128xf32, #tpu.memory_space<vmem>>)
      "tpu.region"() ({
        %run_scoped3A = tpu.sem_alloc : memref<!tpu.dma_semaphore, #tpu.memory_space<semaphore_mem>>
        %dma_start3A_607 = arith.constant 0 : i32
        %dma_start3A_608 = tpu.memref_slice %arg7[%add3A_576, %dma_start3A_607] : memref<16x128xi32, #tpu.memory_space<vmem>> -> memref<1x128xi32, #tpu.memory_space<vmem>>
        %dma_start3A_609 = tpu.memref_squeeze %dma_start3A_608 : memref<1x128xi32, #tpu.memory_space<vmem>> -> memref<128xi32, #tpu.memory_space<vmem>>
        %dma_start3A_610 = arith.constant 0 : i32
        %dma_start3A_611 = arith.constant 0 : i32
        %dma_start3A_612 = tpu.memref_slice %arg12[%dma_start3A_610, %dma_start3A_611] : memref<10240x128xf32, #tpu.memory_space<vmem_shared>> -> memref<10240x128xf32, #tpu.memory_space<vmem_shared>>
        tpu.enqueue_indirect_dma source(%arg10 : memref<128x128xf32, #tpu.memory_space<vmem>>) target(%dma_start3A_612 : memref<10240x128xf32, #tpu.memory_space<vmem_shared>>) offsets(%dma_start3A_609 : memref<128xi32, #tpu.memory_space<vmem>>) semaphore(%run_scoped3A : memref<!tpu.dma_semaphore, #tpu.memory_space<semaphore_mem>>) {add = true}
        %dma_wait3A_613 = arith.constant 0 : i32
        %dma_wait3A_614 = tpu.memref_slice %arg7[%add3A_576, %dma_wait3A_613] : memref<16x128xi32, #tpu.memory_space<vmem>> -> memref<1x128xi32, #tpu.memory_space<vmem>>
        %dma_wait3A_615 = tpu.memref_squeeze %dma_wait3A_614 : memref<1x128xi32, #tpu.memory_space<vmem>> -> memref<128xi32, #tpu.memory_space<vmem>>
        %dma_wait3A_616 = arith.constant 0 : i32
        %dma_wait3A_617 = arith.constant 0 : i32
        %dma_wait3A_618 = tpu.memref_slice %arg12[%dma_wait3A_616, %dma_wait3A_617] : memref<10240x128xf32, #tpu.memory_space<vmem_shared>> -> memref<10240x128xf32, #tpu.memory_space<vmem_shared>>
        tpu.wait_indirect_dma semaphore(%run_scoped3A : memref<!tpu.dma_semaphore, #tpu.memory_space<semaphore_mem>>) src(%arg10 : memref<128x128xf32, #tpu.memory_space<vmem>>) dst(%dma_wait3A_618 : memref<10240x128xf32, #tpu.memory_space<vmem_shared>>)
        tpu.yield
      }) : () -> ()
      %add3A_591 = arith.constant 2 : i32
      %add3A_592 = arith.addi %add3A_576, %add3A_591 : i32
      %lt3A = arith.constant 16 : i32
      %lt3A_593 = arith.cmpi slt, %add3A_592, %lt3A : i32
      %convert_element_type3A_594 = arith.extui %lt3A_593 : i1 to i32
      %cond3A_595 = arith.constant 0 : i32
      %cond3A_596 = arith.cmpi ne, %convert_element_type3A_594, %cond3A_595 : i32
      scf.if %cond3A_596 {
        %add3A_607 = arith.constant 2 : i32
        %add3A_608 = arith.addi %add3A_576, %add3A_607 : i32
        %dma_start3A_609 = arith.constant 0 : i32
        %dma_start3A_610 = tpu.memref_slice %arg6[%add3A_608, %dma_start3A_609] : memref<16x128xi32, #tpu.memory_space<vmem>> -> memref<1x128xi32, #tpu.memory_space<vmem>>
        %dma_start3A_611 = tpu.memref_squeeze %dma_start3A_610 : memref<1x128xi32, #tpu.memory_space<vmem>> -> memref<128xi32, #tpu.memory_space<vmem>>
        %dma_start3A_612 = arith.constant 0 : i32
        %dma_start3A_613 = arith.constant 0 : i32
        %dma_start3A_614 = tpu.memref_slice %arg2[%dma_start3A_612, %dma_start3A_613] : memref<10000x128xf32, #tpu.memory_space<hbm>> -> memref<10000x128xf32, #tpu.memory_space<hbm>>
        tpu.enqueue_indirect_dma source(%dma_start3A_614 : memref<10000x128xf32, #tpu.memory_space<hbm>>) target(%arg10 : memref<128x128xf32, #tpu.memory_space<vmem>>) offsets(%dma_start3A_611 : memref<128xi32, #tpu.memory_space<vmem>>) semaphore(%arg13 : memref<!tpu.dma_semaphore, #tpu.memory_space<semaphore_mem>>)
      } else {
      }
      %add3A_597 = arith.constant 1 : i32
      %add3A_598 = arith.addi %add3A_576, %add3A_597 : i32
      %dma_wait3A_599 = arith.constant 0 : i32
      %dma_wait3A_600 = tpu.memref_slice %arg6[%add3A_598, %dma_wait3A_599] : memref<16x128xi32, #tpu.memory_space<vmem>> -> memref<1x128xi32, #tpu.memory_space<vmem>>
      %dma_wait3A_601 = tpu.memref_squeeze %dma_wait3A_600 : memref<1x128xi32, #tpu.memory_space<vmem>> -> memref<128xi32, #tpu.memory_space<vmem>>
      %dma_wait3A_602 = arith.constant 0 : i32
      %dma_wait3A_603 = arith.constant 0 : i32
      %dma_wait3A_604 = tpu.memref_slice %arg2[%dma_wait3A_602, %dma_wait3A_603] : memref<10000x128xf32, #tpu.memory_space<hbm>> -> memref<10000x128xf32, #tpu.memory_space<hbm>>
      tpu.wait_indirect_dma semaphore(%arg14 : memref<!tpu.dma_semaphore, #tpu.memory_space<semaphore_mem>>) src(%dma_wait3A_604 : memref<10000x128xf32, #tpu.memory_space<hbm>>) dst(%arg11 : memref<128x128xf32, #tpu.memory_space<vmem>>)
      %add3A_605 = arith.constant 1 : i32
      %add3A_606 = arith.addi %add3A_576, %add3A_605 : i32
      "tpu.region"() ({
        %run_scoped3A = tpu.sem_alloc : memref<!tpu.dma_semaphore, #tpu.memory_space<semaphore_mem>>
        %dma_start3A_607 = arith.constant 0 : i32
        %dma_start3A_608 = tpu.memref_slice %arg7[%add3A_606, %dma_start3A_607] : memref<16x128xi32, #tpu.memory_space<vmem>> -> memref<1x128xi32, #tpu.memory_space<vmem>>
        %dma_start3A_609 = tpu.memref_squeeze %dma_start3A_608 : memref<1x128xi32, #tpu.memory_space<vmem>> -> memref<128xi32, #tpu.memory_space<vmem>>
        %dma_start3A_610 = arith.constant 0 : i32
        %dma_start3A_611 = arith.constant 0 : i32
        %dma_start3A_612 = tpu.memref_slice %arg12[%dma_start3A_610, %dma_start3A_611] : memref<10240x128xf32, #tpu.memory_space<vmem_shared>> -> memref<10240x128xf32, #tpu.memory_space<vmem_shared>>
        tpu.enqueue_indirect_dma source(%arg11 : memref<128x128xf32, #tpu.memory_space<vmem>>) target(%dma_start3A_612 : memref<10240x128xf32, #tpu.memory_space<vmem_shared>>) offsets(%dma_start3A_609 : memref<128xi32, #tpu.memory_space<vmem>>) semaphore(%run_scoped3A : memref<!tpu.dma_semaphore, #tpu.memory_space<semaphore_mem>>) {add = true}
        %dma_wait3A_613 = arith.constant 0 : i32
        %dma_wait3A_614 = tpu.memref_slice %arg7[%add3A_606, %dma_wait3A_613] : memref<16x128xi32, #tpu.memory_space<vmem>> -> memref<1x128xi32, #tpu.memory_space<vmem>>
        %dma_wait3A_615 = tpu.memref_squeeze %dma_wait3A_614 : memref<1x128xi32, #tpu.memory_space<vmem>> -> memref<128xi32, #tpu.memory_space<vmem>>
        %dma_wait3A_616 = arith.constant 0 : i32
        %dma_wait3A_617 = arith.constant 0 : i32
        %dma_wait3A_618 = tpu.memref_slice %arg12[%dma_wait3A_616, %dma_wait3A_617] : memref<10240x128xf32, #tpu.memory_space<vmem_shared>> -> memref<10240x128xf32, #tpu.memory_space<vmem_shared>>
        tpu.wait_indirect_dma semaphore(%run_scoped3A : memref<!tpu.dma_semaphore, #tpu.memory_space<semaphore_mem>>) src(%arg11 : memref<128x128xf32, #tpu.memory_space<vmem>>) dst(%dma_wait3A_618 : memref<10240x128xf32, #tpu.memory_space<vmem_shared>>)
        tpu.yield
      }) : () -> ()
    }
    %scan3A_387 = arith.constant 8 : i32
    %dma_wait3A_388 = arith.constant 0 : i32
    %dma_wait3A_389 = arith.constant 0 : i32
    %dma_wait3A_390 = arith.constant 0 : i32
    %dma_wait3A_391 = arith.constant 0 : i32
    %dma_wait3A_392 = tpu.memref_slice %arg3[%dma_wait3A_388, %dma_wait3A_389, %dma_wait3A_390, %dma_wait3A_391] : memref<2x32x80x128xi32, #tpu.memory_space<hbm>> -> memref<1x32x80x128xi32, #tpu.memory_space<hbm>>
    %dma_wait3A_393 = tpu.memref_squeeze %dma_wait3A_392 : memref<1x32x80x128xi32, #tpu.memory_space<hbm>> -> memref<32x80x128xi32, #tpu.memory_space<hbm>>
    %dma_wait3A_394 = arith.constant 0 : i32
    %dma_wait3A_395 = arith.constant 0 : i32
    %dma_wait3A_396 = tpu.memref_slice %dma_wait3A_393[%add3A, %dma_wait3A_394, %dma_wait3A_395] : memref<32x80x128xi32, #tpu.memory_space<hbm>> -> memref<1x80x128xi32, #tpu.memory_space<hbm>>
    %dma_wait3A_397 = tpu.memref_squeeze %dma_wait3A_396 : memref<1x80x128xi32, #tpu.memory_space<hbm>> -> memref<80x128xi32, #tpu.memory_space<hbm>>
    %dma_wait3A_398 = arith.constant 48 : i32
    %dma_wait3A_399 = arith.constant 0 : i32
    %dma_wait3A_400 = tpu.memref_slice %dma_wait3A_397[%dma_wait3A_398, %dma_wait3A_399] : memref<80x128xi32, #tpu.memory_space<hbm>> -> memref<16x128xi32, #tpu.memory_space<hbm>>
    %dma_wait3A_401 = arith.constant 0 : i32
    %dma_wait3A_402 = arith.constant 0 : i32
    %dma_wait3A_403 = arith.constant 0 : i32
    %dma_wait3A_404 = tpu.memref_slice %arg3[%dma_wait3A_388, %dma_wait3A_401, %dma_wait3A_402, %dma_wait3A_403] : memref<2x32x80x128xi32, #tpu.memory_space<hbm>> -> memref<1x32x80x128xi32, #tpu.memory_space<hbm>>
    %dma_wait3A_405 = tpu.memref_squeeze %dma_wait3A_404 : memref<1x32x80x128xi32, #tpu.memory_space<hbm>> -> memref<32x80x128xi32, #tpu.memory_space<hbm>>
    %dma_wait3A_406 = arith.constant 0 : i32
    %dma_wait3A_407 = arith.constant 0 : i32
    %dma_wait3A_408 = tpu.memref_slice %dma_wait3A_405[%add3A, %dma_wait3A_406, %dma_wait3A_407] : memref<32x80x128xi32, #tpu.memory_space<hbm>> -> memref<1x80x128xi32, #tpu.memory_space<hbm>>
    %dma_wait3A_409 = tpu.memref_squeeze %dma_wait3A_408 : memref<1x80x128xi32, #tpu.memory_space<hbm>> -> memref<80x128xi32, #tpu.memory_space<hbm>>
    %dma_wait3A_410 = arith.constant 48 : i32
    %dma_wait3A_411 = arith.constant 0 : i32
    %dma_wait3A_412 = tpu.memref_slice %dma_wait3A_409[%dma_wait3A_410, %dma_wait3A_411] : memref<80x128xi32, #tpu.memory_space<hbm>> -> memref<16x128xi32, #tpu.memory_space<hbm>>
    tpu.wait_dma2 semaphore(%arg16 : memref<!tpu.dma_semaphore, #tpu.memory_space<semaphore_mem>>) src(%dma_wait3A_412 : memref<16x128xi32, #tpu.memory_space<hbm>>) dst(%arg8 : memref<16x128xi32, #tpu.memory_space<vmem>>)
    %dma_wait3A_413 = arith.constant 1 : i32
    %dma_wait3A_414 = arith.constant 0 : i32
    %dma_wait3A_415 = arith.constant 0 : i32
    %dma_wait3A_416 = arith.constant 0 : i32
    %dma_wait3A_417 = tpu.memref_slice %arg3[%dma_wait3A_413, %dma_wait3A_414, %dma_wait3A_415, %dma_wait3A_416] : memref<2x32x80x128xi32, #tpu.memory_space<hbm>> -> memref<1x32x80x128xi32, #tpu.memory_space<hbm>>
    %dma_wait3A_418 = tpu.memref_squeeze %dma_wait3A_417 : memref<1x32x80x128xi32, #tpu.memory_space<hbm>> -> memref<32x80x128xi32, #tpu.memory_space<hbm>>
    %dma_wait3A_419 = arith.constant 0 : i32
    %dma_wait3A_420 = arith.constant 0 : i32
    %dma_wait3A_421 = tpu.memref_slice %dma_wait3A_418[%add3A, %dma_wait3A_419, %dma_wait3A_420] : memref<32x80x128xi32, #tpu.memory_space<hbm>> -> memref<1x80x128xi32, #tpu.memory_space<hbm>>
    %dma_wait3A_422 = tpu.memref_squeeze %dma_wait3A_421 : memref<1x80x128xi32, #tpu.memory_space<hbm>> -> memref<80x128xi32, #tpu.memory_space<hbm>>
    %dma_wait3A_423 = arith.constant 48 : i32
    %dma_wait3A_424 = arith.constant 0 : i32
    %dma_wait3A_425 = tpu.memref_slice %dma_wait3A_422[%dma_wait3A_423, %dma_wait3A_424] : memref<80x128xi32, #tpu.memory_space<hbm>> -> memref<16x128xi32, #tpu.memory_space<hbm>>
    %dma_wait3A_426 = arith.constant 0 : i32
    %dma_wait3A_427 = arith.constant 0 : i32
    %dma_wait3A_428 = arith.constant 0 : i32
    %dma_wait3A_429 = tpu.memref_slice %arg3[%dma_wait3A_413, %dma_wait3A_426, %dma_wait3A_427, %dma_wait3A_428] : memref<2x32x80x128xi32, #tpu.memory_space<hbm>> -> memref<1x32x80x128xi32, #tpu.memory_space<hbm>>
    %dma_wait3A_430 = tpu.memref_squeeze %dma_wait3A_429 : memref<1x32x80x128xi32, #tpu.memory_space<hbm>> -> memref<32x80x128xi32, #tpu.memory_space<hbm>>
    %dma_wait3A_431 = arith.constant 0 : i32
    %dma_wait3A_432 = arith.constant 0 : i32
    %dma_wait3A_433 = tpu.memref_slice %dma_wait3A_430[%add3A, %dma_wait3A_431, %dma_wait3A_432] : memref<32x80x128xi32, #tpu.memory_space<hbm>> -> memref<1x80x128xi32, #tpu.memory_space<hbm>>
    %dma_wait3A_434 = tpu.memref_squeeze %dma_wait3A_433 : memref<1x80x128xi32, #tpu.memory_space<hbm>> -> memref<80x128xi32, #tpu.memory_space<hbm>>
    %dma_wait3A_435 = arith.constant 48 : i32
    %dma_wait3A_436 = arith.constant 0 : i32
    %dma_wait3A_437 = tpu.memref_slice %dma_wait3A_434[%dma_wait3A_435, %dma_wait3A_436] : memref<80x128xi32, #tpu.memory_space<hbm>> -> memref<16x128xi32, #tpu.memory_space<hbm>>
    tpu.wait_dma2 semaphore(%arg16 : memref<!tpu.dma_semaphore, #tpu.memory_space<semaphore_mem>>) src(%dma_wait3A_437 : memref<16x128xi32, #tpu.memory_space<hbm>>) dst(%arg9 : memref<16x128xi32, #tpu.memory_space<vmem>>)
    %dma_start3A_438 = arith.constant 0 : i32
    %dma_start3A_439 = arith.constant 0 : i32
    %dma_start3A_440 = arith.constant 0 : i32
    %dma_start3A_441 = arith.constant 0 : i32
    %dma_start3A_442 = tpu.memref_slice %arg3[%dma_start3A_438, %dma_start3A_439, %dma_start3A_440, %dma_start3A_441] : memref<2x32x80x128xi32, #tpu.memory_space<hbm>> -> memref<1x32x80x128xi32, #tpu.memory_space<hbm>>
    %dma_start3A_443 = tpu.memref_squeeze %dma_start3A_442 : memref<1x32x80x128xi32, #tpu.memory_space<hbm>> -> memref<32x80x128xi32, #tpu.memory_space<hbm>>
    %dma_start3A_444 = arith.constant 0 : i32
    %dma_start3A_445 = arith.constant 0 : i32
    %dma_start3A_446 = tpu.memref_slice %dma_start3A_443[%add3A, %dma_start3A_444, %dma_start3A_445] : memref<32x80x128xi32, #tpu.memory_space<hbm>> -> memref<1x80x128xi32, #tpu.memory_space<hbm>>
    %dma_start3A_447 = tpu.memref_squeeze %dma_start3A_446 : memref<1x80x128xi32, #tpu.memory_space<hbm>> -> memref<80x128xi32, #tpu.memory_space<hbm>>
    %dma_start3A_448 = arith.constant 64 : i32
    %dma_start3A_449 = arith.constant 0 : i32
    %dma_start3A_450 = tpu.memref_slice %dma_start3A_447[%dma_start3A_448, %dma_start3A_449] : memref<80x128xi32, #tpu.memory_space<hbm>> -> memref<16x128xi32, #tpu.memory_space<hbm>>
    %dma_start3A_451 = arith.constant 0 : i32
    %dma_start3A_452 = arith.constant 0 : i32
    %dma_start3A_453 = arith.constant 0 : i32
    %dma_start3A_454 = tpu.memref_slice %arg3[%dma_start3A_438, %dma_start3A_451, %dma_start3A_452, %dma_start3A_453] : memref<2x32x80x128xi32, #tpu.memory_space<hbm>> -> memref<1x32x80x128xi32, #tpu.memory_space<hbm>>
    %dma_start3A_455 = tpu.memref_squeeze %dma_start3A_454 : memref<1x32x80x128xi32, #tpu.memory_space<hbm>> -> memref<32x80x128xi32, #tpu.memory_space<hbm>>
    %dma_start3A_456 = arith.constant 0 : i32
    %dma_start3A_457 = arith.constant 0 : i32
    %dma_start3A_458 = tpu.memref_slice %dma_start3A_455[%add3A, %dma_start3A_456, %dma_start3A_457] : memref<32x80x128xi32, #tpu.memory_space<hbm>> -> memref<1x80x128xi32, #tpu.memory_space<hbm>>
    %dma_start3A_459 = tpu.memref_squeeze %dma_start3A_458 : memref<1x80x128xi32, #tpu.memory_space<hbm>> -> memref<80x128xi32, #tpu.memory_space<hbm>>
    %dma_start3A_460 = arith.constant 64 : i32
    %dma_start3A_461 = arith.constant 0 : i32
    %dma_start3A_462 = tpu.memref_slice %dma_start3A_459[%dma_start3A_460, %dma_start3A_461] : memref<80x128xi32, #tpu.memory_space<hbm>> -> memref<16x128xi32, #tpu.memory_space<hbm>>
    tpu.enqueue_dma source(%dma_start3A_462 : memref<16x128xi32, #tpu.memory_space<hbm>>) target(%arg6 : memref<16x128xi32, #tpu.memory_space<vmem>>) target_semaphore(%arg15 : memref<!tpu.dma_semaphore, #tpu.memory_space<semaphore_mem>>)
    %dma_start3A_463 = arith.constant 1 : i32
    %dma_start3A_464 = arith.constant 0 : i32
    %dma_start3A_465 = arith.constant 0 : i32
    %dma_start3A_466 = arith.constant 0 : i32
    %dma_start3A_467 = tpu.memref_slice %arg3[%dma_start3A_463, %dma_start3A_464, %dma_start3A_465, %dma_start3A_466] : memref<2x32x80x128xi32, #tpu.memory_space<hbm>> -> memref<1x32x80x128xi32, #tpu.memory_space<hbm>>
    %dma_start3A_468 = tpu.memref_squeeze %dma_start3A_467 : memref<1x32x80x128xi32, #tpu.memory_space<hbm>> -> memref<32x80x128xi32, #tpu.memory_space<hbm>>
    %dma_start3A_469 = arith.constant 0 : i32
    %dma_start3A_470 = arith.constant 0 : i32
    %dma_start3A_471 = tpu.memref_slice %dma_start3A_468[%add3A, %dma_start3A_469, %dma_start3A_470] : memref<32x80x128xi32, #tpu.memory_space<hbm>> -> memref<1x80x128xi32, #tpu.memory_space<hbm>>
    %dma_start3A_472 = tpu.memref_squeeze %dma_start3A_471 : memref<1x80x128xi32, #tpu.memory_space<hbm>> -> memref<80x128xi32, #tpu.memory_space<hbm>>
    %dma_start3A_473 = arith.constant 64 : i32
    %dma_start3A_474 = arith.constant 0 : i32
    %dma_start3A_475 = tpu.memref_slice %dma_start3A_472[%dma_start3A_473, %dma_start3A_474] : memref<80x128xi32, #tpu.memory_space<hbm>> -> memref<16x128xi32, #tpu.memory_space<hbm>>
    %dma_start3A_476 = arith.constant 0 : i32
    %dma_start3A_477 = arith.constant 0 : i32
    %dma_start3A_478 = arith.constant 0 : i32
    %dma_start3A_479 = tpu.memref_slice %arg3[%dma_start3A_463, %dma_start3A_476, %dma_start3A_477, %dma_start3A_478] : memref<2x32x80x128xi32, #tpu.memory_space<hbm>> -> memref<1x32x80x128xi32, #tpu.memory_space<hbm>>
    %dma_start3A_480 = tpu.memref_squeeze %dma_start3A_479 : memref<1x32x80x128xi32, #tpu.memory_space<hbm>> -> memref<32x80x128xi32, #tpu.memory_space<hbm>>
    %dma_start3A_481 = arith.constant 0 : i32
    %dma_start3A_482 = arith.constant 0 : i32
    %dma_start3A_483 = tpu.memref_slice %dma_start3A_480[%add3A, %dma_start3A_481, %dma_start3A_482] : memref<32x80x128xi32, #tpu.memory_space<hbm>> -> memref<1x80x128xi32, #tpu.memory_space<hbm>>
    %dma_start3A_484 = tpu.memref_squeeze %dma_start3A_483 : memref<1x80x128xi32, #tpu.memory_space<hbm>> -> memref<80x128xi32, #tpu.memory_space<hbm>>
    %dma_start3A_485 = arith.constant 64 : i32
    %dma_start3A_486 = arith.constant 0 : i32
    %dma_start3A_487 = tpu.memref_slice %dma_start3A_484[%dma_start3A_485, %dma_start3A_486] : memref<80x128xi32, #tpu.memory_space<hbm>> -> memref<16x128xi32, #tpu.memory_space<hbm>>
    tpu.enqueue_dma source(%dma_start3A_487 : memref<16x128xi32, #tpu.memory_space<hbm>>) target(%arg7 : memref<16x128xi32, #tpu.memory_space<vmem>>) target_semaphore(%arg15 : memref<!tpu.dma_semaphore, #tpu.memory_space<semaphore_mem>>)
    %dma_start3A_488 = arith.constant 0 : i32
    %dma_start3A_489 = arith.constant 0 : i32
    %dma_start3A_490 = tpu.memref_slice %arg8[%dma_start3A_488, %dma_start3A_489] : memref<16x128xi32, #tpu.memory_space<vmem>> -> memref<1x128xi32, #tpu.memory_space<vmem>>
    %dma_start3A_491 = tpu.memref_squeeze %dma_start3A_490 : memref<1x128xi32, #tpu.memory_space<vmem>> -> memref<128xi32, #tpu.memory_space<vmem>>
    %dma_start3A_492 = arith.constant 0 : i32
    %dma_start3A_493 = arith.constant 0 : i32
    %dma_start3A_494 = tpu.memref_slice %arg2[%dma_start3A_492, %dma_start3A_493] : memref<10000x128xf32, #tpu.memory_space<hbm>> -> memref<10000x128xf32, #tpu.memory_space<hbm>>
    tpu.enqueue_indirect_dma source(%dma_start3A_494 : memref<10000x128xf32, #tpu.memory_space<hbm>>) target(%arg10 : memref<128x128xf32, #tpu.memory_space<vmem>>) offsets(%dma_start3A_491 : memref<128xi32, #tpu.memory_space<vmem>>) semaphore(%arg13 : memref<!tpu.dma_semaphore, #tpu.memory_space<semaphore_mem>>)
    %scan3A_495 = arith.constant 0 : i32
    %scan3A_496 = arith.constant 8 : i32
    %scan3A_497 = arith.addi %scan3A_495, %scan3A_496 : i32
    %scan3A_498 = arith.constant 1 : i32
    scf.for %scan3A_572 = %scan3A_495 to %scan3A_497 step %scan3A_498  : i32 {
      %mul3A_573 = arith.constant 2 : i32
      %mul3A_574 = arith.muli %scan3A_572, %mul3A_573 : i32
      %add3A_575 = arith.constant 0 : i32
      %add3A_576 = arith.addi %add3A_575, %mul3A_574 : i32
      %add3A_577 = arith.constant 1 : i32
      %add3A_578 = arith.addi %add3A_576, %add3A_577 : i32
      %dma_start3A_579 = arith.constant 0 : i32
      %dma_start3A_580 = tpu.memref_slice %arg8[%add3A_578, %dma_start3A_579] : memref<16x128xi32, #tpu.memory_space<vmem>> -> memref<1x128xi32, #tpu.memory_space<vmem>>
      %dma_start3A_581 = tpu.memref_squeeze %dma_start3A_580 : memref<1x128xi32, #tpu.memory_space<vmem>> -> memref<128xi32, #tpu.memory_space<vmem>>
      %dma_start3A_582 = arith.constant 0 : i32
      %dma_start3A_583 = arith.constant 0 : i32
      %dma_start3A_584 = tpu.memref_slice %arg2[%dma_start3A_582, %dma_start3A_583] : memref<10000x128xf32, #tpu.memory_space<hbm>> -> memref<10000x128xf32, #tpu.memory_space<hbm>>
      tpu.enqueue_indirect_dma source(%dma_start3A_584 : memref<10000x128xf32, #tpu.memory_space<hbm>>) target(%arg11 : memref<128x128xf32, #tpu.memory_space<vmem>>) offsets(%dma_start3A_581 : memref<128xi32, #tpu.memory_space<vmem>>) semaphore(%arg14 : memref<!tpu.dma_semaphore, #tpu.memory_space<semaphore_mem>>)
      %dma_wait3A_585 = arith.constant 0 : i32
      %dma_wait3A_586 = tpu.memref_slice %arg8[%add3A_576, %dma_wait3A_585] : memref<16x128xi32, #tpu.memory_space<vmem>> -> memref<1x128xi32, #tpu.memory_space<vmem>>
      %dma_wait3A_587 = tpu.memref_squeeze %dma_wait3A_586 : memref<1x128xi32, #tpu.memory_space<vmem>> -> memref<128xi32, #tpu.memory_space<vmem>>
      %dma_wait3A_588 = arith.constant 0 : i32
      %dma_wait3A_589 = arith.constant 0 : i32
      %dma_wait3A_590 = tpu.memref_slice %arg2[%dma_wait3A_588, %dma_wait3A_589] : memref<10000x128xf32, #tpu.memory_space<hbm>> -> memref<10000x128xf32, #tpu.memory_space<hbm>>
      tpu.wait_indirect_dma semaphore(%arg13 : memref<!tpu.dma_semaphore, #tpu.memory_space<semaphore_mem>>) src(%dma_wait3A_590 : memref<10000x128xf32, #tpu.memory_space<hbm>>) dst(%arg10 : memref<128x128xf32, #tpu.memory_space<vmem>>)
      "tpu.region"() ({
        %run_scoped3A = tpu.sem_alloc : memref<!tpu.dma_semaphore, #tpu.memory_space<semaphore_mem>>
        %dma_start3A_607 = arith.constant 0 : i32
        %dma_start3A_608 = tpu.memref_slice %arg9[%add3A_576, %dma_start3A_607] : memref<16x128xi32, #tpu.memory_space<vmem>> -> memref<1x128xi32, #tpu.memory_space<vmem>>
        %dma_start3A_609 = tpu.memref_squeeze %dma_start3A_608 : memref<1x128xi32, #tpu.memory_space<vmem>> -> memref<128xi32, #tpu.memory_space<vmem>>
        %dma_start3A_610 = arith.constant 0 : i32
        %dma_start3A_611 = arith.constant 0 : i32
        %dma_start3A_612 = tpu.memref_slice %arg12[%dma_start3A_610, %dma_start3A_611] : memref<10240x128xf32, #tpu.memory_space<vmem_shared>> -> memref<10240x128xf32, #tpu.memory_space<vmem_shared>>
        tpu.enqueue_indirect_dma source(%arg10 : memref<128x128xf32, #tpu.memory_space<vmem>>) target(%dma_start3A_612 : memref<10240x128xf32, #tpu.memory_space<vmem_shared>>) offsets(%dma_start3A_609 : memref<128xi32, #tpu.memory_space<vmem>>) semaphore(%run_scoped3A : memref<!tpu.dma_semaphore, #tpu.memory_space<semaphore_mem>>) {add = true}
        %dma_wait3A_613 = arith.constant 0 : i32
        %dma_wait3A_614 = tpu.memref_slice %arg9[%add3A_576, %dma_wait3A_613] : memref<16x128xi32, #tpu.memory_space<vmem>> -> memref<1x128xi32, #tpu.memory_space<vmem>>
        %dma_wait3A_615 = tpu.memref_squeeze %dma_wait3A_614 : memref<1x128xi32, #tpu.memory_space<vmem>> -> memref<128xi32, #tpu.memory_space<vmem>>
        %dma_wait3A_616 = arith.constant 0 : i32
        %dma_wait3A_617 = arith.constant 0 : i32
        %dma_wait3A_618 = tpu.memref_slice %arg12[%dma_wait3A_616, %dma_wait3A_617] : memref<10240x128xf32, #tpu.memory_space<vmem_shared>> -> memref<10240x128xf32, #tpu.memory_space<vmem_shared>>
        tpu.wait_indirect_dma semaphore(%run_scoped3A : memref<!tpu.dma_semaphore, #tpu.memory_space<semaphore_mem>>) src(%arg10 : memref<128x128xf32, #tpu.memory_space<vmem>>) dst(%dma_wait3A_618 : memref<10240x128xf32, #tpu.memory_space<vmem_shared>>)
        tpu.yield
      }) : () -> ()
      %add3A_591 = arith.constant 2 : i32
      %add3A_592 = arith.addi %add3A_576, %add3A_591 : i32
      %lt3A = arith.constant 16 : i32
      %lt3A_593 = arith.cmpi slt, %add3A_592, %lt3A : i32
      %convert_element_type3A_594 = arith.extui %lt3A_593 : i1 to i32
      %cond3A_595 = arith.constant 0 : i32
      %cond3A_596 = arith.cmpi ne, %convert_element_type3A_594, %cond3A_595 : i32
      scf.if %cond3A_596 {
        %add3A_607 = arith.constant 2 : i32
        %add3A_608 = arith.addi %add3A_576, %add3A_607 : i32
        %dma_start3A_609 = arith.constant 0 : i32
        %dma_start3A_610 = tpu.memref_slice %arg8[%add3A_608, %dma_start3A_609] : memref<16x128xi32, #tpu.memory_space<vmem>> -> memref<1x128xi32, #tpu.memory_space<vmem>>
        %dma_start3A_611 = tpu.memref_squeeze %dma_start3A_610 : memref<1x128xi32, #tpu.memory_space<vmem>> -> memref<128xi32, #tpu.memory_space<vmem>>
        %dma_start3A_612 = arith.constant 0 : i32
        %dma_start3A_613 = arith.constant 0 : i32
        %dma_start3A_614 = tpu.memref_slice %arg2[%dma_start3A_612, %dma_start3A_613] : memref<10000x128xf32, #tpu.memory_space<hbm>> -> memref<10000x128xf32, #tpu.memory_space<hbm>>
        tpu.enqueue_indirect_dma source(%dma_start3A_614 : memref<10000x128xf32, #tpu.memory_space<hbm>>) target(%arg10 : memref<128x128xf32, #tpu.memory_space<vmem>>) offsets(%dma_start3A_611 : memref<128xi32, #tpu.memory_space<vmem>>) semaphore(%arg13 : memref<!tpu.dma_semaphore, #tpu.memory_space<semaphore_mem>>)
      } else {
      }
      %add3A_597 = arith.constant 1 : i32
      %add3A_598 = arith.addi %add3A_576, %add3A_597 : i32
      %dma_wait3A_599 = arith.constant 0 : i32
      %dma_wait3A_600 = tpu.memref_slice %arg8[%add3A_598, %dma_wait3A_599] : memref<16x128xi32, #tpu.memory_space<vmem>> -> memref<1x128xi32, #tpu.memory_space<vmem>>
      %dma_wait3A_601 = tpu.memref_squeeze %dma_wait3A_600 : memref<1x128xi32, #tpu.memory_space<vmem>> -> memref<128xi32, #tpu.memory_space<vmem>>
      %dma_wait3A_602 = arith.constant 0 : i32
      %dma_wait3A_603 = arith.constant 0 : i32
      %dma_wait3A_604 = tpu.memref_slice %arg2[%dma_wait3A_602, %dma_wait3A_603] : memref<10000x128xf32, #tpu.memory_space<hbm>> -> memref<10000x128xf32, #tpu.memory_space<hbm>>
      tpu.wait_indirect_dma semaphore(%arg14 : memref<!tpu.dma_semaphore, #tpu.memory_space<semaphore_mem>>) src(%dma_wait3A_604 : memref<10000x128xf32, #tpu.memory_space<hbm>>) dst(%arg11 : memref<128x128xf32, #tpu.memory_space<vmem>>)
      %add3A_605 = arith.constant 1 : i32
      %add3A_606 = arith.addi %add3A_576, %add3A_605 : i32
      "tpu.region"() ({
        %run_scoped3A = tpu.sem_alloc : memref<!tpu.dma_semaphore, #tpu.memory_space<semaphore_mem>>
        %dma_start3A_607 = arith.constant 0 : i32
        %dma_start3A_608 = tpu.memref_slice %arg9[%add3A_606, %dma_start3A_607] : memref<16x128xi32, #tpu.memory_space<vmem>> -> memref<1x128xi32, #tpu.memory_space<vmem>>
        %dma_start3A_609 = tpu.memref_squeeze %dma_start3A_608 : memref<1x128xi32, #tpu.memory_space<vmem>> -> memref<128xi32, #tpu.memory_space<vmem>>
        %dma_start3A_610 = arith.constant 0 : i32
        %dma_start3A_611 = arith.constant 0 : i32
        %dma_start3A_612 = tpu.memref_slice %arg12[%dma_start3A_610, %dma_start3A_611] : memref<10240x128xf32, #tpu.memory_space<vmem_shared>> -> memref<10240x128xf32, #tpu.memory_space<vmem_shared>>
        tpu.enqueue_indirect_dma source(%arg11 : memref<128x128xf32, #tpu.memory_space<vmem>>) target(%dma_start3A_612 : memref<10240x128xf32, #tpu.memory_space<vmem_shared>>) offsets(%dma_start3A_609 : memref<128xi32, #tpu.memory_space<vmem>>) semaphore(%run_scoped3A : memref<!tpu.dma_semaphore, #tpu.memory_space<semaphore_mem>>) {add = true}
        %dma_wait3A_613 = arith.constant 0 : i32
        %dma_wait3A_614 = tpu.memref_slice %arg9[%add3A_606, %dma_wait3A_613] : memref<16x128xi32, #tpu.memory_space<vmem>> -> memref<1x128xi32, #tpu.memory_space<vmem>>
        %dma_wait3A_615 = tpu.memref_squeeze %dma_wait3A_614 : memref<1x128xi32, #tpu.memory_space<vmem>> -> memref<128xi32, #tpu.memory_space<vmem>>
        %dma_wait3A_616 = arith.constant 0 : i32
        %dma_wait3A_617 = arith.constant 0 : i32
        %dma_wait3A_618 = tpu.memref_slice %arg12[%dma_wait3A_616, %dma_wait3A_617] : memref<10240x128xf32, #tpu.memory_space<vmem_shared>> -> memref<10240x128xf32, #tpu.memory_space<vmem_shared>>
        tpu.wait_indirect_dma semaphore(%run_scoped3A : memref<!tpu.dma_semaphore, #tpu.memory_space<semaphore_mem>>) src(%arg11 : memref<128x128xf32, #tpu.memory_space<vmem>>) dst(%dma_wait3A_618 : memref<10240x128xf32, #tpu.memory_space<vmem_shared>>)
        tpu.yield
      }) : () -> ()
    }
    %scan3A_499 = arith.constant 8 : i32
    %dma_wait3A_500 = arith.constant 0 : i32
    %dma_wait3A_501 = arith.constant 0 : i32
    %dma_wait3A_502 = arith.constant 0 : i32
    %dma_wait3A_503 = arith.constant 0 : i32
    %dma_wait3A_504 = tpu.memref_slice %arg3[%dma_wait3A_500, %dma_wait3A_501, %dma_wait3A_502, %dma_wait3A_503] : memref<2x32x80x128xi32, #tpu.memory_space<hbm>> -> memref<1x32x80x128xi32, #tpu.memory_space<hbm>>
    %dma_wait3A_505 = tpu.memref_squeeze %dma_wait3A_504 : memref<1x32x80x128xi32, #tpu.memory_space<hbm>> -> memref<32x80x128xi32, #tpu.memory_space<hbm>>
    %dma_wait3A_506 = arith.constant 0 : i32
    %dma_wait3A_507 = arith.constant 0 : i32
    %dma_wait3A_508 = tpu.memref_slice %dma_wait3A_505[%add3A, %dma_wait3A_506, %dma_wait3A_507] : memref<32x80x128xi32, #tpu.memory_space<hbm>> -> memref<1x80x128xi32, #tpu.memory_space<hbm>>
    %dma_wait3A_509 = tpu.memref_squeeze %dma_wait3A_508 : memref<1x80x128xi32, #tpu.memory_space<hbm>> -> memref<80x128xi32, #tpu.memory_space<hbm>>
    %dma_wait3A_510 = arith.constant 64 : i32
    %dma_wait3A_511 = arith.constant 0 : i32
    %dma_wait3A_512 = tpu.memref_slice %dma_wait3A_509[%dma_wait3A_510, %dma_wait3A_511] : memref<80x128xi32, #tpu.memory_space<hbm>> -> memref<16x128xi32, #tpu.memory_space<hbm>>
    %dma_wait3A_513 = arith.constant 0 : i32
    %dma_wait3A_514 = arith.constant 0 : i32
    %dma_wait3A_515 = arith.constant 0 : i32
    %dma_wait3A_516 = tpu.memref_slice %arg3[%dma_wait3A_500, %dma_wait3A_513, %dma_wait3A_514, %dma_wait3A_515] : memref<2x32x80x128xi32, #tpu.memory_space<hbm>> -> memref<1x32x80x128xi32, #tpu.memory_space<hbm>>
    %dma_wait3A_517 = tpu.memref_squeeze %dma_wait3A_516 : memref<1x32x80x128xi32, #tpu.memory_space<hbm>> -> memref<32x80x128xi32, #tpu.memory_space<hbm>>
    %dma_wait3A_518 = arith.constant 0 : i32
    %dma_wait3A_519 = arith.constant 0 : i32
    %dma_wait3A_520 = tpu.memref_slice %dma_wait3A_517[%add3A, %dma_wait3A_518, %dma_wait3A_519] : memref<32x80x128xi32, #tpu.memory_space<hbm>> -> memref<1x80x128xi32, #tpu.memory_space<hbm>>
    %dma_wait3A_521 = tpu.memref_squeeze %dma_wait3A_520 : memref<1x80x128xi32, #tpu.memory_space<hbm>> -> memref<80x128xi32, #tpu.memory_space<hbm>>
    %dma_wait3A_522 = arith.constant 64 : i32
    %dma_wait3A_523 = arith.constant 0 : i32
    %dma_wait3A_524 = tpu.memref_slice %dma_wait3A_521[%dma_wait3A_522, %dma_wait3A_523] : memref<80x128xi32, #tpu.memory_space<hbm>> -> memref<16x128xi32, #tpu.memory_space<hbm>>
    tpu.wait_dma2 semaphore(%arg15 : memref<!tpu.dma_semaphore, #tpu.memory_space<semaphore_mem>>) src(%dma_wait3A_524 : memref<16x128xi32, #tpu.memory_space<hbm>>) dst(%arg6 : memref<16x128xi32, #tpu.memory_space<vmem>>)
    %dma_wait3A_525 = arith.constant 1 : i32
    %dma_wait3A_526 = arith.constant 0 : i32
    %dma_wait3A_527 = arith.constant 0 : i32
    %dma_wait3A_528 = arith.constant 0 : i32
    %dma_wait3A_529 = tpu.memref_slice %arg3[%dma_wait3A_525, %dma_wait3A_526, %dma_wait3A_527, %dma_wait3A_528] : memref<2x32x80x128xi32, #tpu.memory_space<hbm>> -> memref<1x32x80x128xi32, #tpu.memory_space<hbm>>
    %dma_wait3A_530 = tpu.memref_squeeze %dma_wait3A_529 : memref<1x32x80x128xi32, #tpu.memory_space<hbm>> -> memref<32x80x128xi32, #tpu.memory_space<hbm>>
    %dma_wait3A_531 = arith.constant 0 : i32
    %dma_wait3A_532 = arith.constant 0 : i32
    %dma_wait3A_533 = tpu.memref_slice %dma_wait3A_530[%add3A, %dma_wait3A_531, %dma_wait3A_532] : memref<32x80x128xi32, #tpu.memory_space<hbm>> -> memref<1x80x128xi32, #tpu.memory_space<hbm>>
    %dma_wait3A_534 = tpu.memref_squeeze %dma_wait3A_533 : memref<1x80x128xi32, #tpu.memory_space<hbm>> -> memref<80x128xi32, #tpu.memory_space<hbm>>
    %dma_wait3A_535 = arith.constant 64 : i32
    %dma_wait3A_536 = arith.constant 0 : i32
    %dma_wait3A_537 = tpu.memref_slice %dma_wait3A_534[%dma_wait3A_535, %dma_wait3A_536] : memref<80x128xi32, #tpu.memory_space<hbm>> -> memref<16x128xi32, #tpu.memory_space<hbm>>
    %dma_wait3A_538 = arith.constant 0 : i32
    %dma_wait3A_539 = arith.constant 0 : i32
    %dma_wait3A_540 = arith.constant 0 : i32
    %dma_wait3A_541 = tpu.memref_slice %arg3[%dma_wait3A_525, %dma_wait3A_538, %dma_wait3A_539, %dma_wait3A_540] : memref<2x32x80x128xi32, #tpu.memory_space<hbm>> -> memref<1x32x80x128xi32, #tpu.memory_space<hbm>>
    %dma_wait3A_542 = tpu.memref_squeeze %dma_wait3A_541 : memref<1x32x80x128xi32, #tpu.memory_space<hbm>> -> memref<32x80x128xi32, #tpu.memory_space<hbm>>
    %dma_wait3A_543 = arith.constant 0 : i32
    %dma_wait3A_544 = arith.constant 0 : i32
    %dma_wait3A_545 = tpu.memref_slice %dma_wait3A_542[%add3A, %dma_wait3A_543, %dma_wait3A_544] : memref<32x80x128xi32, #tpu.memory_space<hbm>> -> memref<1x80x128xi32, #tpu.memory_space<hbm>>
    %dma_wait3A_546 = tpu.memref_squeeze %dma_wait3A_545 : memref<1x80x128xi32, #tpu.memory_space<hbm>> -> memref<80x128xi32, #tpu.memory_space<hbm>>
    %dma_wait3A_547 = arith.constant 64 : i32
    %dma_wait3A_548 = arith.constant 0 : i32
    %dma_wait3A_549 = tpu.memref_slice %dma_wait3A_546[%dma_wait3A_547, %dma_wait3A_548] : memref<80x128xi32, #tpu.memory_space<hbm>> -> memref<16x128xi32, #tpu.memory_space<hbm>>
    tpu.wait_dma2 semaphore(%arg15 : memref<!tpu.dma_semaphore, #tpu.memory_space<semaphore_mem>>) src(%dma_wait3A_549 : memref<16x128xi32, #tpu.memory_space<hbm>>) dst(%arg7 : memref<16x128xi32, #tpu.memory_space<vmem>>)
    %dma_start3A_550 = arith.constant 0 : i32
    %dma_start3A_551 = arith.constant 0 : i32
    %dma_start3A_552 = tpu.memref_slice %arg6[%dma_start3A_550, %dma_start3A_551] : memref<16x128xi32, #tpu.memory_space<vmem>> -> memref<1x128xi32, #tpu.memory_space<vmem>>
    %dma_start3A_553 = tpu.memref_squeeze %dma_start3A_552 : memref<1x128xi32, #tpu.memory_space<vmem>> -> memref<128xi32, #tpu.memory_space<vmem>>
    %dma_start3A_554 = arith.constant 0 : i32
    %dma_start3A_555 = arith.constant 0 : i32
    %dma_start3A_556 = tpu.memref_slice %arg2[%dma_start3A_554, %dma_start3A_555] : memref<10000x128xf32, #tpu.memory_space<hbm>> -> memref<10000x128xf32, #tpu.memory_space<hbm>>
    tpu.enqueue_indirect_dma source(%dma_start3A_556 : memref<10000x128xf32, #tpu.memory_space<hbm>>) target(%arg10 : memref<128x128xf32, #tpu.memory_space<vmem>>) offsets(%dma_start3A_553 : memref<128xi32, #tpu.memory_space<vmem>>) semaphore(%arg13 : memref<!tpu.dma_semaphore, #tpu.memory_space<semaphore_mem>>)
    %scan3A_557 = arith.constant 0 : i32
    %scan3A_558 = arith.constant 8 : i32
    %scan3A_559 = arith.addi %scan3A_557, %scan3A_558 : i32
    %scan3A_560 = arith.constant 1 : i32
    scf.for %scan3A_572 = %scan3A_557 to %scan3A_559 step %scan3A_560  : i32 {
      %mul3A_573 = arith.constant 2 : i32
      %mul3A_574 = arith.muli %scan3A_572, %mul3A_573 : i32
      %add3A_575 = arith.constant 0 : i32
      %add3A_576 = arith.addi %add3A_575, %mul3A_574 : i32
      %add3A_577 = arith.constant 1 : i32
      %add3A_578 = arith.addi %add3A_576, %add3A_577 : i32
      %dma_start3A_579 = arith.constant 0 : i32
      %dma_start3A_580 = tpu.memref_slice %arg6[%add3A_578, %dma_start3A_579] : memref<16x128xi32, #tpu.memory_space<vmem>> -> memref<1x128xi32, #tpu.memory_space<vmem>>
      %dma_start3A_581 = tpu.memref_squeeze %dma_start3A_580 : memref<1x128xi32, #tpu.memory_space<vmem>> -> memref<128xi32, #tpu.memory_space<vmem>>
      %dma_start3A_582 = arith.constant 0 : i32
      %dma_start3A_583 = arith.constant 0 : i32
      %dma_start3A_584 = tpu.memref_slice %arg2[%dma_start3A_582, %dma_start3A_583] : memref<10000x128xf32, #tpu.memory_space<hbm>> -> memref<10000x128xf32, #tpu.memory_space<hbm>>
      tpu.enqueue_indirect_dma source(%dma_start3A_584 : memref<10000x128xf32, #tpu.memory_space<hbm>>) target(%arg11 : memref<128x128xf32, #tpu.memory_space<vmem>>) offsets(%dma_start3A_581 : memref<128xi32, #tpu.memory_space<vmem>>) semaphore(%arg14 : memref<!tpu.dma_semaphore, #tpu.memory_space<semaphore_mem>>)
      %dma_wait3A_585 = arith.constant 0 : i32
      %dma_wait3A_586 = tpu.memref_slice %arg6[%add3A_576, %dma_wait3A_585] : memref<16x128xi32, #tpu.memory_space<vmem>> -> memref<1x128xi32, #tpu.memory_space<vmem>>
      %dma_wait3A_587 = tpu.memref_squeeze %dma_wait3A_586 : memref<1x128xi32, #tpu.memory_space<vmem>> -> memref<128xi32, #tpu.memory_space<vmem>>
      %dma_wait3A_588 = arith.constant 0 : i32
      %dma_wait3A_589 = arith.constant 0 : i32
      %dma_wait3A_590 = tpu.memref_slice %arg2[%dma_wait3A_588, %dma_wait3A_589] : memref<10000x128xf32, #tpu.memory_space<hbm>> -> memref<10000x128xf32, #tpu.memory_space<hbm>>
      tpu.wait_indirect_dma semaphore(%arg13 : memref<!tpu.dma_semaphore, #tpu.memory_space<semaphore_mem>>) src(%dma_wait3A_590 : memref<10000x128xf32, #tpu.memory_space<hbm>>) dst(%arg10 : memref<128x128xf32, #tpu.memory_space<vmem>>)
      "tpu.region"() ({
        %run_scoped3A = tpu.sem_alloc : memref<!tpu.dma_semaphore, #tpu.memory_space<semaphore_mem>>
        %dma_start3A_607 = arith.constant 0 : i32
        %dma_start3A_608 = tpu.memref_slice %arg7[%add3A_576, %dma_start3A_607] : memref<16x128xi32, #tpu.memory_space<vmem>> -> memref<1x128xi32, #tpu.memory_space<vmem>>
        %dma_start3A_609 = tpu.memref_squeeze %dma_start3A_608 : memref<1x128xi32, #tpu.memory_space<vmem>> -> memref<128xi32, #tpu.memory_space<vmem>>
        %dma_start3A_610 = arith.constant 0 : i32
        %dma_start3A_611 = arith.constant 0 : i32
        %dma_start3A_612 = tpu.memref_slice %arg12[%dma_start3A_610, %dma_start3A_611] : memref<10240x128xf32, #tpu.memory_space<vmem_shared>> -> memref<10240x128xf32, #tpu.memory_space<vmem_shared>>
        tpu.enqueue_indirect_dma source(%arg10 : memref<128x128xf32, #tpu.memory_space<vmem>>) target(%dma_start3A_612 : memref<10240x128xf32, #tpu.memory_space<vmem_shared>>) offsets(%dma_start3A_609 : memref<128xi32, #tpu.memory_space<vmem>>) semaphore(%run_scoped3A : memref<!tpu.dma_semaphore, #tpu.memory_space<semaphore_mem>>) {add = true}
        %dma_wait3A_613 = arith.constant 0 : i32
        %dma_wait3A_614 = tpu.memref_slice %arg7[%add3A_576, %dma_wait3A_613] : memref<16x128xi32, #tpu.memory_space<vmem>> -> memref<1x128xi32, #tpu.memory_space<vmem>>
        %dma_wait3A_615 = tpu.memref_squeeze %dma_wait3A_614 : memref<1x128xi32, #tpu.memory_space<vmem>> -> memref<128xi32, #tpu.memory_space<vmem>>
        %dma_wait3A_616 = arith.constant 0 : i32
        %dma_wait3A_617 = arith.constant 0 : i32
        %dma_wait3A_618 = tpu.memref_slice %arg12[%dma_wait3A_616, %dma_wait3A_617] : memref<10240x128xf32, #tpu.memory_space<vmem_shared>> -> memref<10240x128xf32, #tpu.memory_space<vmem_shared>>
        tpu.wait_indirect_dma semaphore(%run_scoped3A : memref<!tpu.dma_semaphore, #tpu.memory_space<semaphore_mem>>) src(%arg10 : memref<128x128xf32, #tpu.memory_space<vmem>>) dst(%dma_wait3A_618 : memref<10240x128xf32, #tpu.memory_space<vmem_shared>>)
        tpu.yield
      }) : () -> ()
      %add3A_591 = arith.constant 2 : i32
      %add3A_592 = arith.addi %add3A_576, %add3A_591 : i32
      %lt3A = arith.constant 16 : i32
      %lt3A_593 = arith.cmpi slt, %add3A_592, %lt3A : i32
      %convert_element_type3A_594 = arith.extui %lt3A_593 : i1 to i32
      %cond3A_595 = arith.constant 0 : i32
      %cond3A_596 = arith.cmpi ne, %convert_element_type3A_594, %cond3A_595 : i32
      scf.if %cond3A_596 {
        %add3A_607 = arith.constant 2 : i32
        %add3A_608 = arith.addi %add3A_576, %add3A_607 : i32
        %dma_start3A_609 = arith.constant 0 : i32
        %dma_start3A_610 = tpu.memref_slice %arg6[%add3A_608, %dma_start3A_609] : memref<16x128xi32, #tpu.memory_space<vmem>> -> memref<1x128xi32, #tpu.memory_space<vmem>>
        %dma_start3A_611 = tpu.memref_squeeze %dma_start3A_610 : memref<1x128xi32, #tpu.memory_space<vmem>> -> memref<128xi32, #tpu.memory_space<vmem>>
        %dma_start3A_612 = arith.constant 0 : i32
        %dma_start3A_613 = arith.constant 0 : i32
        %dma_start3A_614 = tpu.memref_slice %arg2[%dma_start3A_612, %dma_start3A_613] : memref<10000x128xf32, #tpu.memory_space<hbm>> -> memref<10000x128xf32, #tpu.memory_space<hbm>>
        tpu.enqueue_indirect_dma source(%dma_start3A_614 : memref<10000x128xf32, #tpu.memory_space<hbm>>) target(%arg10 : memref<128x128xf32, #tpu.memory_space<vmem>>) offsets(%dma_start3A_611 : memref<128xi32, #tpu.memory_space<vmem>>) semaphore(%arg13 : memref<!tpu.dma_semaphore, #tpu.memory_space<semaphore_mem>>)
      } else {
      }
      %add3A_597 = arith.constant 1 : i32
      %add3A_598 = arith.addi %add3A_576, %add3A_597 : i32
      %dma_wait3A_599 = arith.constant 0 : i32
      %dma_wait3A_600 = tpu.memref_slice %arg6[%add3A_598, %dma_wait3A_599] : memref<16x128xi32, #tpu.memory_space<vmem>> -> memref<1x128xi32, #tpu.memory_space<vmem>>
      %dma_wait3A_601 = tpu.memref_squeeze %dma_wait3A_600 : memref<1x128xi32, #tpu.memory_space<vmem>> -> memref<128xi32, #tpu.memory_space<vmem>>
      %dma_wait3A_602 = arith.constant 0 : i32
      %dma_wait3A_603 = arith.constant 0 : i32
      %dma_wait3A_604 = tpu.memref_slice %arg2[%dma_wait3A_602, %dma_wait3A_603] : memref<10000x128xf32, #tpu.memory_space<hbm>> -> memref<10000x128xf32, #tpu.memory_space<hbm>>
      tpu.wait_indirect_dma semaphore(%arg14 : memref<!tpu.dma_semaphore, #tpu.memory_space<semaphore_mem>>) src(%dma_wait3A_604 : memref<10000x128xf32, #tpu.memory_space<hbm>>) dst(%arg11 : memref<128x128xf32, #tpu.memory_space<vmem>>)
      %add3A_605 = arith.constant 1 : i32
      %add3A_606 = arith.addi %add3A_576, %add3A_605 : i32
      "tpu.region"() ({
        %run_scoped3A = tpu.sem_alloc : memref<!tpu.dma_semaphore, #tpu.memory_space<semaphore_mem>>
        %dma_start3A_607 = arith.constant 0 : i32
        %dma_start3A_608 = tpu.memref_slice %arg7[%add3A_606, %dma_start3A_607] : memref<16x128xi32, #tpu.memory_space<vmem>> -> memref<1x128xi32, #tpu.memory_space<vmem>>
        %dma_start3A_609 = tpu.memref_squeeze %dma_start3A_608 : memref<1x128xi32, #tpu.memory_space<vmem>> -> memref<128xi32, #tpu.memory_space<vmem>>
        %dma_start3A_610 = arith.constant 0 : i32
        %dma_start3A_611 = arith.constant 0 : i32
        %dma_start3A_612 = tpu.memref_slice %arg12[%dma_start3A_610, %dma_start3A_611] : memref<10240x128xf32, #tpu.memory_space<vmem_shared>> -> memref<10240x128xf32, #tpu.memory_space<vmem_shared>>
        tpu.enqueue_indirect_dma source(%arg11 : memref<128x128xf32, #tpu.memory_space<vmem>>) target(%dma_start3A_612 : memref<10240x128xf32, #tpu.memory_space<vmem_shared>>) offsets(%dma_start3A_609 : memref<128xi32, #tpu.memory_space<vmem>>) semaphore(%run_scoped3A : memref<!tpu.dma_semaphore, #tpu.memory_space<semaphore_mem>>) {add = true}
        %dma_wait3A_613 = arith.constant 0 : i32
        %dma_wait3A_614 = tpu.memref_slice %arg7[%add3A_606, %dma_wait3A_613] : memref<16x128xi32, #tpu.memory_space<vmem>> -> memref<1x128xi32, #tpu.memory_space<vmem>>
        %dma_wait3A_615 = tpu.memref_squeeze %dma_wait3A_614 : memref<1x128xi32, #tpu.memory_space<vmem>> -> memref<128xi32, #tpu.memory_space<vmem>>
        %dma_wait3A_616 = arith.constant 0 : i32
        %dma_wait3A_617 = arith.constant 0 : i32
        %dma_wait3A_618 = tpu.memref_slice %arg12[%dma_wait3A_616, %dma_wait3A_617] : memref<10240x128xf32, #tpu.memory_space<vmem_shared>> -> memref<10240x128xf32, #tpu.memory_space<vmem_shared>>
        tpu.wait_indirect_dma semaphore(%run_scoped3A : memref<!tpu.dma_semaphore, #tpu.memory_space<semaphore_mem>>) src(%arg11 : memref<128x128xf32, #tpu.memory_space<vmem>>) dst(%dma_wait3A_618 : memref<10240x128xf32, #tpu.memory_space<vmem_shared>>)
        tpu.yield
      }) : () -> ()
    }
    %scan3A_561 = arith.constant 8 : i32
    %barrier3A_562 = arith.constant 0 : index
    tpu.barrier barrier_id(%barrier3A_562)
    %mul3A_563 = arith.constant 624 : i32
    %mul3A_564 = arith.muli %arg1, %mul3A_563 : i32
    %mul3A_565 = arith.constant 624 : i32
    %mul3A_566 = arith.muli %arg1, %mul3A_565 : i32
    "tpu.region"() ({
      %run_scoped3A = tpu.sem_alloc : memref<!tpu.dma_semaphore, #tpu.memory_space<semaphore_mem>>
      %dma_start3A_572 = arith.constant 0 : i32
      %dma_start3A_573 = arith.constant 0 : i32
      %dma_start3A_574 = tpu.memref_slice %arg5[%arg0, %dma_start3A_572, %dma_start3A_573] : memref<2x10000x128xf32, #tpu.memory_space<hbm>> -> memref<1x10000x128xf32, #tpu.memory_space<hbm>>
      %dma_start3A_575 = tpu.memref_squeeze %dma_start3A_574 : memref<1x10000x128xf32, #tpu.memory_space<hbm>> -> memref<10000x128xf32, #tpu.memory_space<hbm>>
      %dma_start3A_576 = arith.constant 0 : i32
      %dma_start3A_577 = tpu.memref_slice %dma_start3A_575[%mul3A_566, %dma_start3A_576] : memref<10000x128xf32, #tpu.memory_space<hbm>> -> memref<624x128xf32, #tpu.memory_space<hbm>>
      %dma_start3A_578 = arith.constant 0 : i32
      %dma_start3A_579 = tpu.memref_slice %arg12[%mul3A_564, %dma_start3A_578] : memref<10240x128xf32, #tpu.memory_space<vmem_shared>> -> memref<624x128xf32, #tpu.memory_space<vmem_shared>>
      tpu.enqueue_dma source(%dma_start3A_579 : memref<624x128xf32, #tpu.memory_space<vmem_shared>>) target(%dma_start3A_577 : memref<624x128xf32, #tpu.memory_space<hbm>>) target_semaphore(%run_scoped3A : memref<!tpu.dma_semaphore, #tpu.memory_space<semaphore_mem>>)
      %dma_wait3A_580 = arith.constant 0 : i32
      %dma_wait3A_581 = arith.constant 0 : i32
      %dma_wait3A_582 = tpu.memref_slice %arg5[%arg0, %dma_wait3A_580, %dma_wait3A_581] : memref<2x10000x128xf32, #tpu.memory_space<hbm>> -> memref<1x10000x128xf32, #tpu.memory_space<hbm>>
      %dma_wait3A_583 = tpu.memref_squeeze %dma_wait3A_582 : memref<1x10000x128xf32, #tpu.memory_space<hbm>> -> memref<10000x128xf32, #tpu.memory_space<hbm>>
      %dma_wait3A_584 = arith.constant 0 : i32
      %dma_wait3A_585 = tpu.memref_slice %dma_wait3A_583[%mul3A_566, %dma_wait3A_584] : memref<10000x128xf32, #tpu.memory_space<hbm>> -> memref<624x128xf32, #tpu.memory_space<hbm>>
      %dma_wait3A_586 = arith.constant 0 : i32
      %dma_wait3A_587 = tpu.memref_slice %arg12[%mul3A_564, %dma_wait3A_586] : memref<10240x128xf32, #tpu.memory_space<vmem_shared>> -> memref<624x128xf32, #tpu.memory_space<vmem_shared>>
      tpu.wait_dma2 semaphore(%run_scoped3A : memref<!tpu.dma_semaphore, #tpu.memory_space<semaphore_mem>>) src(%dma_wait3A_587 : memref<624x128xf32, #tpu.memory_space<vmem_shared>>) dst(%dma_wait3A_585 : memref<624x128xf32, #tpu.memory_space<hbm>>)
      tpu.yield
    }) : () -> ()
    %eq3A_567 = arith.constant 15 : i32
    %eq3A_568 = arith.cmpi eq, %arg1, %eq3A_567 : i32
    %convert_element_type3A_569 = arith.extui %eq3A_568 : i1 to i32
    %cond3A_570 = arith.constant 0 : i32
    %cond3A_571 = arith.cmpi ne, %convert_element_type3A_569, %cond3A_570 : i32
    scf.if %cond3A_571 {
      "tpu.region"() ({
        %run_scoped3A = tpu.sem_alloc : memref<!tpu.dma_semaphore, #tpu.memory_space<semaphore_mem>>
        %dma_start3A_572 = arith.constant 0 : i32
        %dma_start3A_573 = arith.constant 0 : i32
        %dma_start3A_574 = tpu.memref_slice %arg5[%arg0, %dma_start3A_572, %dma_start3A_573] : memref<2x10000x128xf32, #tpu.memory_space<hbm>> -> memref<1x10000x128xf32, #tpu.memory_space<hbm>>
        %dma_start3A_575 = tpu.memref_squeeze %dma_start3A_574 : memref<1x10000x128xf32, #tpu.memory_space<hbm>> -> memref<10000x128xf32, #tpu.memory_space<hbm>>
        %dma_start3A_576 = arith.constant 9984 : i32
        %dma_start3A_577 = arith.constant 0 : i32
        %dma_start3A_578 = tpu.memref_slice %dma_start3A_575[%dma_start3A_576, %dma_start3A_577] : memref<10000x128xf32, #tpu.memory_space<hbm>> -> memref<16x128xf32, #tpu.memory_space<hbm>>
        %dma_start3A_579 = arith.constant 9984 : i32
        %dma_start3A_580 = arith.constant 0 : i32
        %dma_start3A_581 = tpu.memref_slice %arg12[%dma_start3A_579, %dma_start3A_580] : memref<10240x128xf32, #tpu.memory_space<vmem_shared>> -> memref<16x128xf32, #tpu.memory_space<vmem_shared>>
        tpu.enqueue_dma source(%dma_start3A_581 : memref<16x128xf32, #tpu.memory_space<vmem_shared>>) target(%dma_start3A_578 : memref<16x128xf32, #tpu.memory_space<hbm>>) target_semaphore(%run_scoped3A : memref<!tpu.dma_semaphore, #tpu.memory_space<semaphore_mem>>)
        %dma_wait3A_582 = arith.constant 0 : i32
        %dma_wait3A_583 = arith.constant 0 : i32
        %dma_wait3A_584 = tpu.memref_slice %arg5[%arg0, %dma_wait3A_582, %dma_wait3A_583] : memref<2x10000x128xf32, #tpu.memory_space<hbm>> -> memref<1x10000x128xf32, #tpu.memory_space<hbm>>
        %dma_wait3A_585 = tpu.memref_squeeze %dma_wait3A_584 : memref<1x10000x128xf32, #tpu.memory_space<hbm>> -> memref<10000x128xf32, #tpu.memory_space<hbm>>
        %dma_wait3A_586 = arith.constant 9984 : i32
        %dma_wait3A_587 = arith.constant 0 : i32
        %dma_wait3A_588 = tpu.memref_slice %dma_wait3A_585[%dma_wait3A_586, %dma_wait3A_587] : memref<10000x128xf32, #tpu.memory_space<hbm>> -> memref<16x128xf32, #tpu.memory_space<hbm>>
        %dma_wait3A_589 = arith.constant 9984 : i32
        %dma_wait3A_590 = arith.constant 0 : i32
        %dma_wait3A_591 = tpu.memref_slice %arg12[%dma_wait3A_589, %dma_wait3A_590] : memref<10240x128xf32, #tpu.memory_space<vmem_shared>> -> memref<16x128xf32, #tpu.memory_space<vmem_shared>>
        tpu.wait_dma2 semaphore(%run_scoped3A : memref<!tpu.dma_semaphore, #tpu.memory_space<semaphore_mem>>) src(%dma_wait3A_591 : memref<16x128xf32, #tpu.memory_space<vmem_shared>>) dst(%dma_wait3A_588 : memref<16x128xf32, #tpu.memory_space<hbm>>)
        tpu.yield
      }) : () -> ()
    } else {
    }
    return
  }
}

module attributes {stable_mosaic.version = 14 : i64} {
  func.func @body(%arg0: i32, %arg1: memref<2048x128xf32, #tpu.memory_space<vmem>>, %arg2: memref<128x128xf32, #tpu.memory_space<vmem>>, %arg3: memref<1x128xf32, #tpu.memory_space<vmem>>, %arg4: memref<2048x128xf32, #tpu.memory_space<vmem>>) attributes {dimension_semantics = [#tpu.dimension_semantics<arbitrary>], iteration_bounds = array<i64: 5>, scalar_prefetch = 0 : i64, scratch_operands = 0 : i64, tpu.core_type = #tpu.core_type<tc>, window_params = [{transform_indices = @transform_0, window_bounds = array<i64: 2048, 128>}, {pipeline_mode = #tpu.pipeline_mode<synchronous>, transform_indices = @transform_1, window_bounds = array<i64: 128, 128>}, {pipeline_mode = #tpu.pipeline_mode<synchronous>, transform_indices = @transform_2, window_bounds = array<i64: 1, 128>}, {transform_indices = @transform_3, window_bounds = array<i64: 2048, 128>}]} {
    %get3A = arith.constant 0 : index
    %get3A_0 = arith.constant 0 : index
    %get3A_1 = vector.load %arg1[%get3A, %get3A_0] : memref<2048x128xf32, #tpu.memory_space<vmem>>, vector<2048x128xf32>
    %get3A_2 = arith.constant 0 : index
    %get3A_3 = arith.constant 0 : index
    %get3A_4 = vector.load %arg2[%get3A_2, %get3A_3] : memref<128x128xf32, #tpu.memory_space<vmem>>, vector<128x128xf32>
    %dot_general3A = arith.constant dense<0.000000e+00> : vector<2048x128xf32>
    %dot_general3A_5 = tpu.matmul %get3A_1, %get3A_4, %dot_general3A {dimension_numbers = #tpu.dot_dimension_numbers<[1], [0], [0], [1], [0, 0, 1, 1], [], []>, transpose_lhs_hint = false} : vector<2048x128xf32>, vector<128x128xf32>, vector<2048x128xf32> -> vector<2048x128xf32>
    %get3A_6 = arith.constant 0 : index
    %get3A_7 = arith.constant 0 : index
    %get3A_8 = vector.load %arg3[%get3A_6, %get3A_7] : memref<1x128xf32, #tpu.memory_space<vmem>>, vector<1x128xf32>
    %add3A = vector.broadcast %get3A_8 : vector<1x128xf32> to vector<2048x128xf32>
    %add3A_9 = arith.addf %dot_general3A_5, %add3A : vector<2048x128xf32>
    %swap3A = arith.constant 0 : index
    %swap3A_10 = arith.constant 0 : index
    %swap3A_11 = vector.load %arg4[%swap3A, %swap3A_10] : memref<2048x128xf32, #tpu.memory_space<vmem>>, vector<2048x128xf32>
    tpu.vector_store %arg4[%swap3A, %swap3A_10], %add3A_9 {strides = array<i32>} : memref<2048x128xf32, #tpu.memory_space<vmem>>, vector<2048x128xf32>,
    return
  }
  func.func @transform_0(%arg0: i32) -> (i32, i32) {
    %c0_i32 = arith.constant 0 : i32
    %c0_i32_0 = arith.constant 0 : i32
    return %arg0, %c0_i32 : i32, i32
  }
  func.func @transform_1(%arg0: i32) -> (i32, i32) {
    %c0_i32 = arith.constant 0 : i32
    %c0_i32_0 = arith.constant 0 : i32
    %c0_i32_1 = arith.constant 0 : i32
    return %c0_i32, %c0_i32_0 : i32, i32
  }
  func.func @transform_2(%arg0: i32) -> (i32, i32) {
    %c0_i32 = arith.constant 0 : i32
    %c0_i32_0 = arith.constant 0 : i32
    %c0_i32_1 = arith.constant 0 : i32
    return %c0_i32, %c0_i32_0 : i32, i32
  }
  func.func @transform_3(%arg0: i32) -> (i32, i32) {
    %c0_i32 = arith.constant 0 : i32
    %c0_i32_0 = arith.constant 0 : i32
    return %arg0, %c0_i32 : i32, i32
  }
}

module attributes {stable_mosaic.version = 14 : i64} {
  func.func @body(%arg0: i32, %arg1: memref<2048x128xf32, #tpu.memory_space<vmem>>, %arg2: memref<2x2048x128xf32, #tpu.memory_space<vmem>>, %arg3: memref<128x128xf32, #tpu.memory_space<vmem>>, %arg4: memref<1x128xf32, #tpu.memory_space<vmem>>, %arg5: memref<128x128xf32, #tpu.memory_space<vmem>>, %arg6: memref<1x128xf32, #tpu.memory_space<vmem>>, %arg7: memref<128x128xf32, #tpu.memory_space<vmem>>, %arg8: memref<1x128xf32, #tpu.memory_space<vmem>>, %arg9: memref<2048x128xf32, #tpu.memory_space<vmem>>) attributes {dimension_semantics = [#tpu.dimension_semantics<arbitrary>], iteration_bounds = array<i64: 5>, scalar_prefetch = 0 : i64, scratch_operands = 0 : i64, tpu.core_type = #tpu.core_type<tc>, window_params = [{transform_indices = @transform_0, window_bounds = array<i64: 2048, 128>}, {transform_indices = @transform_1, window_bounds = array<i64: 2, 2048, 128>}, {pipeline_mode = #tpu.pipeline_mode<synchronous>, transform_indices = @transform_2, window_bounds = array<i64: 128, 128>}, {pipeline_mode = #tpu.pipeline_mode<synchronous>, transform_indices = @transform_3, window_bounds = array<i64: 1, 128>}, {pipeline_mode = #tpu.pipeline_mode<synchronous>, transform_indices = @transform_4, window_bounds = array<i64: 128, 128>}, {pipeline_mode = #tpu.pipeline_mode<synchronous>, transform_indices = @transform_5, window_bounds = array<i64: 1, 128>}, {pipeline_mode = #tpu.pipeline_mode<synchronous>, transform_indices = @transform_6, window_bounds = array<i64: 128, 128>}, {pipeline_mode = #tpu.pipeline_mode<synchronous>, transform_indices = @transform_7, window_bounds = array<i64: 1, 128>}, {transform_indices = @transform_8, window_bounds = array<i64: 2048, 128>}]} {
    %get3A = arith.constant 0 : index
    %get3A_0 = arith.constant 0 : index
    %get3A_1 = vector.load %arg1[%get3A, %get3A_0] : memref<2048x128xf32, #tpu.memory_space<vmem>>, vector<2048x128xf32>
    %get3A_2 = arith.constant 0 : index
    %get3A_3 = arith.constant 0 : index
    %get3A_4 = arith.constant 0 : index
    %get3A_5 = vector.load %arg2[%get3A_2, %get3A_3, %get3A_4] : memref<2x2048x128xf32, #tpu.memory_space<vmem>>, vector<1x2048x128xf32>
    %get3A_6 = vector.shape_cast %get3A_5 : vector<1x2048x128xf32> to vector<2048x128xf32>
    %add3A = arith.addf %get3A_1, %get3A_6 : vector<2048x128xf32>
    %get3A_7 = arith.constant 1 : index
    %get3A_8 = arith.constant 0 : index
    %get3A_9 = arith.constant 0 : index
    %get3A_10 = vector.load %arg2[%get3A_7, %get3A_8, %get3A_9] : memref<2x2048x128xf32, #tpu.memory_space<vmem>>, vector<1x2048x128xf32>
    %get3A_11 = vector.shape_cast %get3A_10 : vector<1x2048x128xf32> to vector<2048x128xf32>
    %add3A_12 = arith.addf %add3A, %get3A_11 : vector<2048x128xf32>
    %get3A_13 = arith.constant 0 : index
    %get3A_14 = arith.constant 0 : index
    %get3A_15 = vector.load %arg3[%get3A_13, %get3A_14] : memref<128x128xf32, #tpu.memory_space<vmem>>, vector<128x128xf32>
    %dot_general3A = arith.constant dense<0.000000e+00> : vector<2048x128xf32>
    %dot_general3A_16 = tpu.matmul %add3A_12, %get3A_15, %dot_general3A {dimension_numbers = #tpu.dot_dimension_numbers<[1], [0], [0], [1], [0, 0, 1, 1], [], []>, transpose_lhs_hint = false} : vector<2048x128xf32>, vector<128x128xf32>, vector<2048x128xf32> -> vector<2048x128xf32>
    %get3A_17 = arith.constant 0 : index
    %get3A_18 = arith.constant 0 : index
    %get3A_19 = vector.load %arg4[%get3A_17, %get3A_18] : memref<1x128xf32, #tpu.memory_space<vmem>>, vector<1x128xf32>
    %add3A_20 = vector.broadcast %get3A_19 : vector<1x128xf32> to vector<2048x128xf32>
    %add3A_21 = arith.addf %dot_general3A_16, %add3A_20 : vector<2048x128xf32>
    %max3A = arith.constant 0.000000e+00 : f32
    %max3A_22 = vector.broadcast %max3A : f32 to vector<2048x128xf32>
    %max3A_23 = arith.maximumf %add3A_21, %max3A_22 : vector<2048x128xf32>
    %get3A_24 = arith.constant 0 : index
    %get3A_25 = arith.constant 0 : index
    %get3A_26 = vector.load %arg5[%get3A_24, %get3A_25] : memref<128x128xf32, #tpu.memory_space<vmem>>, vector<128x128xf32>
    %dot_general3A_27 = arith.constant dense<0.000000e+00> : vector<2048x128xf32>
    %dot_general3A_28 = tpu.matmul %max3A_23, %get3A_26, %dot_general3A_27 {dimension_numbers = #tpu.dot_dimension_numbers<[1], [0], [0], [1], [0, 0, 1, 1], [], []>, transpose_lhs_hint = false} : vector<2048x128xf32>, vector<128x128xf32>, vector<2048x128xf32> -> vector<2048x128xf32>
    %get3A_29 = arith.constant 0 : index
    %get3A_30 = arith.constant 0 : index
    %get3A_31 = vector.load %arg6[%get3A_29, %get3A_30] : memref<1x128xf32, #tpu.memory_space<vmem>>, vector<1x128xf32>
    %add3A_32 = vector.broadcast %get3A_31 : vector<1x128xf32> to vector<2048x128xf32>
    %add3A_33 = arith.addf %dot_general3A_28, %add3A_32 : vector<2048x128xf32>
    %max3A_34 = arith.constant 0.000000e+00 : f32
    %max3A_35 = vector.broadcast %max3A_34 : f32 to vector<2048x128xf32>
    %max3A_36 = arith.maximumf %add3A_33, %max3A_35 : vector<2048x128xf32>
    %get3A_37 = arith.constant 0 : index
    %get3A_38 = arith.constant 0 : index
    %get3A_39 = vector.load %arg7[%get3A_37, %get3A_38] : memref<128x128xf32, #tpu.memory_space<vmem>>, vector<128x128xf32>
    %dot_general3A_40 = arith.constant dense<0.000000e+00> : vector<2048x128xf32>
    %dot_general3A_41 = tpu.matmul %max3A_36, %get3A_39, %dot_general3A_40 {dimension_numbers = #tpu.dot_dimension_numbers<[1], [0], [0], [1], [0, 0, 1, 1], [], []>, transpose_lhs_hint = false} : vector<2048x128xf32>, vector<128x128xf32>, vector<2048x128xf32> -> vector<2048x128xf32>
    %get3A_42 = arith.constant 0 : index
    %get3A_43 = arith.constant 0 : index
    %get3A_44 = vector.load %arg8[%get3A_42, %get3A_43] : memref<1x128xf32, #tpu.memory_space<vmem>>, vector<1x128xf32>
    %add3A_45 = vector.broadcast %get3A_44 : vector<1x128xf32> to vector<2048x128xf32>
    %add3A_46 = arith.addf %dot_general3A_41, %add3A_45 : vector<2048x128xf32>
    %max3A_47 = arith.constant 0.000000e+00 : f32
    %max3A_48 = vector.broadcast %max3A_47 : f32 to vector<2048x128xf32>
    %max3A_49 = arith.maximumf %add3A_46, %max3A_48 : vector<2048x128xf32>
    %swap3A = arith.constant 0 : index
    %swap3A_50 = arith.constant 0 : index
    %swap3A_51 = vector.load %arg9[%swap3A, %swap3A_50] : memref<2048x128xf32, #tpu.memory_space<vmem>>, vector<2048x128xf32>
    tpu.vector_store %arg9[%swap3A, %swap3A_50], %max3A_49 {strides = array<i32>} : memref<2048x128xf32, #tpu.memory_space<vmem>>, vector<2048x128xf32>,
    return
  }
  func.func @transform_0(%arg0: i32) -> (i32, i32) {
    %c0_i32 = arith.constant 0 : i32
    %c0_i32_0 = arith.constant 0 : i32
    return %arg0, %c0_i32 : i32, i32
  }
  func.func @transform_1(%arg0: i32) -> (i32, i32, i32) {
    %c0_i32 = arith.constant 0 : i32
    %c0_i32_0 = arith.constant 0 : i32
    %c0_i32_1 = arith.constant 0 : i32
    return %c0_i32, %arg0, %c0_i32_0 : i32, i32, i32
  }
  func.func @transform_2(%arg0: i32) -> (i32, i32) {
    %c0_i32 = arith.constant 0 : i32
    %c0_i32_0 = arith.constant 0 : i32
    %c0_i32_1 = arith.constant 0 : i32
    return %c0_i32, %c0_i32_0 : i32, i32
  }
  func.func @transform_3(%arg0: i32) -> (i32, i32) {
    %c0_i32 = arith.constant 0 : i32
    %c0_i32_0 = arith.constant 0 : i32
    %c0_i32_1 = arith.constant 0 : i32
    return %c0_i32, %c0_i32_0 : i32, i32
  }
  func.func @transform_4(%arg0: i32) -> (i32, i32) {
    %c0_i32 = arith.constant 0 : i32
    %c0_i32_0 = arith.constant 0 : i32
    %c0_i32_1 = arith.constant 0 : i32
    return %c0_i32, %c0_i32_0 : i32, i32
  }
  func.func @transform_5(%arg0: i32) -> (i32, i32) {
    %c0_i32 = arith.constant 0 : i32
    %c0_i32_0 = arith.constant 0 : i32
    %c0_i32_1 = arith.constant 0 : i32
    return %c0_i32, %c0_i32_0 : i32, i32
  }
  func.func @transform_6(%arg0: i32) -> (i32, i32) {
    %c0_i32 = arith.constant 0 : i32
    %c0_i32_0 = arith.constant 0 : i32
    %c0_i32_1 = arith.constant 0 : i32
    return %c0_i32, %c0_i32_0 : i32, i32
  }
  func.func @transform_7(%arg0: i32) -> (i32, i32) {
    %c0_i32 = arith.constant 0 : i32
    %c0_i32_0 = arith.constant 0 : i32
    %c0_i32_1 = arith.constant 0 : i32
    return %c0_i32, %c0_i32_0 : i32, i32
  }
  func.func @transform_8(%arg0: i32) -> (i32, i32) {
    %c0_i32 = arith.constant 0 : i32
    %c0_i32_0 = arith.constant 0 : i32
    return %arg0, %c0_i32 : i32, i32
  }
}

</mosaic_0001>

<sc_bundles>
// kernel: kernel.5.cloned.1.call-start
scs
__scs_entry_jumppad:
0x0: {  	(pc) =	sbr.rel $0x88, $3  }
0x1: {  	(tag) =	ssettag $0x0;
	lr =	simm.s32 $0x1  }
0x2: {  	[smem:$0x3F97] =	sst lr;
	_ =	strace $0xD0000000  }
0x3: {  	_ = 	snop  }
0x4: {  	_ = 	snop  }
0x5: {  	_ = 	snop  }
0x6: {  	_ = 	snop  }
0x7: {  	_ = 	snop  }
__scs_overlays_trampoline_lowered:
0x8: {  	[smem:$0x3FA6] =	sst s0  }
0x9: {  	[smem:$0x3FA7] =	sst s1  }
0xa: {  	[smem:$0x3FA8] =	sst s2  }
0xb: {  	[smem:$0x3FA9] =	sst s3  }
0xc: {  	[smem:$0x3FAA] =	sst s4  }
0xd: {  	[smem:$0x3FAB] =	sst s5  }
0xe: {  	[smem:$0x3FAC] =	sst s6  }
0xf: {  	[smem:$0x3FAD] =	sst s7  }
0x10: {  	[smem:$0x3FAE] =	sst s8  }
0x11: {  	[smem:$0x3FAF] =	sst s9;
	s0 =	simm.s32 @!p0 $0x0  }
0x12: {  	s1 =	sld [smem:$0x3F95];
	s0 =	simm.s32 @p0 $0x1  }
0x13: {  	[smem:$0x3FB0] =	sst s0;
	s0 =	simm.s32 @!p1 $0x0  }
0x14: {  	s2 =	sld [smem:$0x3F94];
	s0 =	simm.s32 @p1 $0x1  }
0x15: {  	[smem:$0x3FB1] =	sst s0;
	s0 =	simm.s32 @!p2 $0x0  }
0x16: {  	s3 =	sld [smem:$0x3FDB];
	s0 =	simm.s32 @p2 $0x1  }
0x17: {  	s4 =	simm.s32 $0x1BF5;
	[smem:$0x3FB3] =	sst s0  }
0x18: {  	s0 =	sld [smem:$0x3F96];
	_ =	swait.ge [sflag:s4], $0x0  }
0x19: {  	s7 =	sld [smem:$0x3F97]  }
0x1a: {  	s8 =	sadd.s32 $0xFFFFE003, lr  }
0x1b: {  	s9 =	sadd.s32 $0xFFFFFEF7, lr;
	s5 =	simm.s32 $0xFFFFFFFF;
	p2 =	slt.u32 s8, $0xFFFFF086  }
0x1c: {  	p1 =	slt.u32 s9, $0xF7A;
	s5 =	simm.s32 @!p2 $0x0  }
0x1d: {  	s5 =	simm.s32 @p1 $0x1;
	p0 =	seq.s32 s7, s2  }
0x1e: {  	s7 =	smul.u32 @!p0 $0xF7A, s2;
	p2 =	seq.s32 @!p0 s5, $0x0  }
0x1f: {  	s9 =	smul.u32 $0xF7A, s1;
	s8 =	simm.s32 @!p0 $0x1BF5;
	p2 =	por !p2, p0  }
0x20: {  	[sflag:s8] =	ssyncset.s32 @!p0 $0xFFFFF086;
	s6 =	sadd.s32 @!p0 s3, s7;
	s7 =	simm.s32 @!p0 $0x108  }
0x21: {  	s3 =	sadd.s32 s3, s9;
	s6 =	sadd.s32 @!p0 $0x88, s6;
	s7 =	simm.s32 @p2 $0x1082  }
0x22: {  	[simem:s7], [sflag:s8] =	dma.local @!p0 [hbm:s6], $0xF7A  }
0x23: {  	s9 =	sor.u32 $0xD0000000, s2;
	s6 =	simm.s32 $0x108;
	_ =	swait.ge @!p0 [sflag:s8], $0x0  }
0x24: {  	s3 =	sadd.s32 $0x88, s3;
	s6 =	simm.s32 @!p1 $0x1082;
	[sflag:s4] =	ssyncset.s32 $0xFFFFF086  }
0x25: {  	[simem:s6], [sflag:s4] =	dma.local [hbm:s3], $0xF7A  }
0x26: {  	[smem:$0x3F97] =	sst s1;
	(tag) =	ssettag s2;
	_ =	strace s9  }
0x27: {  	s1 =	sld [smem:$0x3FA7]  }
0x28: {  	s2 =	sld [smem:$0x3FA8]  }
0x29: {  	s4 =	sld [smem:$0x3FAA]  }
0x2a: {  	p0 =	seq.s32 s5, $0x0;
	s5 =	sld [smem:$0x3FAB]  }
0x2b: {  	s6 =	sld [smem:$0x3FAC]  }
0x2c: {  	s7 =	sld [smem:$0x3FAD]  }
0x2d: {  	s3 =	simm.s32 $0x108;
	s8 =	sld [smem:$0x3FAE]  }
0x2e: {  	s3 =	simm.s32 @!p0 $0x1082;
	s9 =	sld [smem:$0x3FAF]  }
0x2f: {  	lr =	sadd.s32 s0, s3;
	s0 =	sld [smem:$0x3FA6]  }
0x30: {  	s3 =	sld [smem:$0x3FA9]  }
0x31: {  	[smem:$0x3FB2] =	sst s10  }
0x32: {  	s10 =	sld [smem:$0x3FB0];
	_ =	sdelay $0x3  }
0x33: {  	p0 =	seq.s32 s10, $0x1;
	s10 =	sld [smem:$0x3FB2];
	_ =	sdelay $0x3  }
0x34: {  	[smem:$0x3FB2] =	sst s10  }
0x35: {  	s10 =	sld [smem:$0x3FB1];
	_ =	sdelay $0x3  }
0x36: {  	p1 =	seq.s32 s10, $0x1;
	s10 =	sld [smem:$0x3FB2];
	_ =	sdelay $0x3  }
0x37: {  	[smem:$0x3FB2] =	sst s10  }
0x38: {  	s10 =	sld [smem:$0x3FB3]  }
0x39: {  	_ = 	snop;
	(pc) =	sbr.ind lr, $3  }
0x3a: {  	_ = 	snop  }
0x3b: {  	_ = 	snop  }
0x3c: {  	p2 =	seq.s32 s10, $0x1;
	s10 =	sld [smem:$0x3FB2]  }
0x3d: {  	_ =	shalt  }
0x3e: {  	_ =	shalt  }
0x3f: {  	_ =	shalt  }
0x40: {  	_ =	shalt  }
0x41: {  	_ =	shalt  }
0x42: {  	_ =	shalt  }
0x43: {  	_ =	shalt  }
0x44: {  	_ =	shalt  }
0x45: {  	_ =	shalt  }
0x46: {  	_ =	shalt  }
0x47: {  	_ =	shalt  }
0x48: {  	_ =	shalt  }
0x49: {  	_ =	shalt  }
0x4a: {  	_ =	shalt  }
0x4b: {  	_ =	shalt  }
0x4c: {  	_ =	shalt  }
0x4d: {  	_ =	shalt  }
0x4e: {  	_ =	shalt  }
0x4f: {  	_ =	shalt  }
0x50: {  	_ =	shalt  }
0x51: {  	_ =	shalt  }
0x52: {  	_ =	shalt  }
0x53: {  	_ =	shalt  }
0x54: {  	_ =	shalt  }
0x55: {  	_ =	shalt  }
0x56: {  	_ =	shalt  }
0x57: {  	_ =	shalt  }
0x58: {  	_ =	shalt  }
0x59: {  	_ =	shalt  }
0x5a: {  	_ =	shalt  }
0x5b: {  	_ =	shalt  }
0x5c: {  	_ =	shalt  }
0x5d: {  	_ =	shalt  }
0x5e: {  	_ =	shalt  }
0x5f: {  	_ =	shalt  }
0x60: {  	_ =	shalt  }
0x61: {  	_ =	shalt  }
0x62: {  	_ =	shalt  }
0x63: {  	_ =	shalt  }
0x64: {  	_ =	shalt  }
0x65: {  	_ =	shalt  }
0x66: {  	_ =	shalt  }
0x67: {  	_ =	shalt  }
0x68: {  	_ =	shalt  }
0x69: {  	_ =	shalt  }
0x6a: {  	_ =	shalt  }
0x6b: {  	_ =	shalt  }
0x6c: {  	_ =	shalt  }
0x6d: {  	_ =	shalt  }
0x6e: {  	_ =	shalt  }
0x6f: {  	_ =	shalt  }
0x70: {  	_ =	shalt  }
0x71: {  	_ =	shalt  }
0x72: {  	_ =	shalt  }
0x73: {  	_ =	shalt  }
0x74: {  	_ =	shalt  }
0x75: {  	_ =	shalt  }
0x76: {  	_ =	shalt  }
0x77: {  	_ =	shalt  }
0x78: {  	_ =	shalt  }
0x79: {  	_ =	shalt  }
0x7a: {  	_ =	shalt  }
0x7b: {  	_ =	shalt  }
0x7c: {  	_ =	shalt  }
0x7d: {  	_ =	shalt  }
0x7e: {  	_ =	shalt  }
0x7f: {  	_ =	shalt  }
0x80: {  	_ =	shalt  }
0x81: {  	_ =	shalt  }
0x82: {  	_ =	shalt  }
0x83: {  	_ =	shalt  }
0x84: {  	_ =	shalt  }
0x85: {  	_ =	shalt  }
0x86: {  	_ =	shalt  }
0x87: {  	_ =	shalt  }
.Lfunc_end0:
.L_simem_size_0:
called_computation_lowered:
.L_overlay_start_0:
0x88: {  	s2 =	sld [smem:$0x3FD9]  }
0x89: {  	s3 =	sld [smem:$0x3FFE];
	_ =	sdelay $0x1  }
0x8a: {  	s1 =	srdreg.scid  }
0x8b: {  	s0 =	sand.u32 $0x1, s1  }
0x8c: {  	s17 =	sshll.u32 s0, $0xA;
	s2 =	sadd.s32 s3, s2  }
0x8d: {  	s2 =	sadd.s32 s2, s17  }
0x8e: {  	[smem:$0x3FBE] =	sst s2  }
0x8f: {  	_ = 	snop  }
0x90: {  	s2 =	sld [smem:$0x3FD0];
	(tm) =	ssettm $0x1  }
0x91: {  	s18 =	sld [smem:$0x3FFB];
	_ =	sdelay $0x3  }
0x92: {  	_ =	strace s18  }
0x93: {  	s3 =	sld [smem:$0x3FFC];
	_ =	sdelay $0x3  }
0x94: {  	_ =	strace s3  }
0x95: {  	s3 =	sld [smem:$0x3FFD];
	_ =	sdelay $0x3  }
0x96: {  	_ =	strace s3  }
0x97: {  	_ =	strace $0x8FFFFFFF  }
0x98: {  	s19 =	sld [smem:$0x3FDB];
	_ =	sdelay $0x1  }
0x99: {  	s4 =	simm.s32 $_scs_section_size  }
0x9a: {  	s5 =	simm.s32 $_size__tile_overlayer_lowered;
	s6 =	simm.s32 $_tile_overlayer_lowered  }
0x9b: {  	s22 =	simm.s32 $0x1BFF;
	s21 =	sshll.u32 s6, $0x1;
	s3 =	sadd.s32 s4, s19  }
0x9c: {  	s7 =	simm.s32 $0x0;
	s20 =	sshll.u32 s5, $0x1;
	s5 =	sadd.s32 s21, s3  }
0x9d: {  	[timem:s7], [sflag:s22] =	dma.local [hbm:s5], s20  }
0x9e: {  	_ =	swait.ge [sflag:s22], s20  }
0x9f: {  	s4 =	ssub.s32 $0x0, s20;
	[sflag:s22] =	ssyncset.done $0x0  }
0xa0: {  	[sflag:s22] =	ssyncadd.s32 s4;
	_ =	sdelay $0x1  }
0xa1: {  	s23 =	simm.s32 $0x1B8B  }
0xa2: {  	_ =	swait.ge [sflag:s23], $0x1  }
0xa3: {  	[sflag:s23] =	ssyncset.done $0x0  }
0xa4: {  	s25 =	simm.s32 $0x1B8E;
	s24 =	sld [smem:$0x3FFE];
	[sflag:s23] =	ssyncadd.s32 $0xFFFFFFFF  }
0xa5: {  	s26 =	simm.s32 $execute0_lowered;
	[smem:$0x3FD2] =	sst s25  }
0xa6: {  	s5 =	sshll.u32 s26, $0x1;
	_ =	strace $0x80000046;
	[dreg:$0x1] =	wrdreg $0xFFFFFFFF  }
0xa7: {  	s28 =	simm.s32 $_size_execute0_lowered;
	s3 =	sadd.s32 s3, s5;
	[dreg:$0x0] =	wrdreg $0x0  }
0xa8: {  	s5 =	sshll.u32 s28, $0x1;
	[dreg:$0x2] =	wrdreg s3  }
0xa9: {  	[dreg:$0x3] =	wrdreg s5  }
0xaa: {  	[dreg:$0x4] =	wrdreg $0xC0  }
0xab: {  	_ =	task [dreg:s7], $0x5FFFF  }
0xac: {  	[dreg:$0x1] =	wrdreg $0xFFFFFFFF  }
0xad: {  	[dreg:$0x0] =	wrdreg $0x60  }
0xae: {  	[dreg:$0x2] =	wrdreg s2  }
0xaf: {  	[dreg:$0x3] =	wrdreg s24  }
0xb0: {  	[dreg:$0x4] =	wrdreg $0xA0000  }
0xb1: {  	[dreg:$0x5] =	wrdreg $0x9  }
0xb2: {  	_ =	task.clear_ibuf [dreg:s7], $0x6FFFF;
	_ =	strace $0x90000046  }
0xb3: {  	s29 =	simm.s32 $0x9;
	_ =	strace $0x80000048  }
0xb4: {  	_ =	swait.ge [sflag:s29], $0x1  }
0xb5: {  	[sflag:s29] =	ssyncadd.s32 $0xFFFFFFFF  }
0xb6: {  	_ =	strace $0x90000048  }
0xb7: {  	_ =	sfence  }
0xb8: {  	s30 =	sld [smem:$0x0];
	_ =	sdelay $0x2  }
0xb9: {  	s31 =	sshll.u32 s1, $0xD;
	s1 =	sshrl.u32 s1, $0x2  }
0xba: {  	s3 =	sand.u32 $0x4000, s31;
	s1 =	sadd.s32 s1, s30  }
0xbb: {  	s0 =	sor.u32 s3, s0;
	s1 =	sshll.u32 s1, $0x11  }
0xbc: {  	s0 =	sor.u32 s1, s0  }
0xbd: {  	s0 =	sadd.s32 $0x8F2B, s0  }
0xbe: {  	[sflag:s0] =	ssyncadd.remote.s32 $0x1  }
0xbf: {  	_ =	sfence.sel $0xFFFF  }
0xc0: {  	[dreg:$0x0] =	wrdreg $0xFFFFFFFF;
	(pc) =	sbr.abs _section_cstart, $3  }
0xc1: {  	[dreg:$0x1] =	wrdreg $0xFFFFFFFF  }
0xc2: {  	_ =	task.clear_ibuf [dreg:s7], $0x2FFFF;
	_ =	strace $0x9FFFFFFF  }
0xc3: {  	(tm) =	ssettm $0x7FFFFFFF  }
tec
execute0_lowered:
.L_overlay_start_1:
0x0: {  	(tag) =	ssettag $0x1  }
0x1: {  	s0 =	srdreg.scid  }
0x2: {  	s4 =	sand.u32 $0x1, s0  }
0x3: {  	s13 =	stileid.u32;
	s0 =	sshll.u32 s4, $0x4  }
0x4: {  	s2 =	rddreg [dreg:$0x0];
	s0 =	sor.u32 s13, s0  }
0x5: {  	s1 =	rddreg [dreg:$0x1];
	s0 =	smul.u32 $0x500, s0  }
0x6: {  	s3 =	rddreg [dreg:$0x2];
	s11 =	simm.s32 $0x0  }
0x7: {  	[smem:$0x7FF] =	sst s11;
	s0 =	sadd.s32 s0, s1  }
0x8: {  	[dreg:$0x14] =	wrdreg s4;
	s5 =	sadd.s32 $0x2800, s0  }
0x9: {  	_ =	strace $0x80000047;
	s16 =	sadd.s32 $0xC800, s0;
	[dreg:$0x4] =	wrdreg s5  }
0xa: {  	s17 =	sadd.s32 $0x2900, s0;
	[dreg:$0x5] =	wrdreg s16  }
0xb: {  	s6 =	sadd.s32 $0xC900, s0;
	[dreg:$0x6] =	wrdreg s17  }
0xc: {  	s18 =	sadd.s32 $0x2A00, s0;
	[dreg:$0x7] =	wrdreg s6  }
0xd: {  	s19 =	sadd.s32 $0xCA00, s0;
	[dreg:$0x8] =	wrdreg s18  }
0xe: {  	s14 =	simm.s32 $0x800;
	s20 =	sadd.s32 $0x2B00, s0;
	[dreg:$0x9] =	wrdreg s19  }
0xf: {  	s8 =	smul.u32 $0x4E000, s13;
	s21 =	sadd.s32 $0xCB00, s0;
	[dreg:$0xa] =	wrdreg s20  }
0x10: {  	s24 =	sshll.u32 s13, $0x6;
	s23 =	sadd.s32 $0x2C00, s0;
	[dreg:$0xb] =	wrdreg s21  }
0x11: {  	s7 =	smul.u32 $0x27100, s4;
	s0 =	sadd.s32 $0xCC00, s0;
	[dreg:$0xc] =	wrdreg s23  }
0x12: {  	s9 =	smul.u32 $0x2700, s13;
	s4 =	sor.u32 $0x1C05, s24;
	[dreg:$0xd] =	wrdreg s0  }
0x13: {  	s5 =	sadd.s32 $0x16800, s1;
	s1 =	sadd.s32 s7, s1;
	s10 =	rddreg [dreg:$0x4]  }
0x14: {  	s22 =	sshrl.u32 s8, $0x2;
	s25 =	sadd.s32 $0x19000, s1;
	s26 =	rddreg [dreg:$0x5]  }
0x15: {  	s12 =	sadd.s32 s22, s3;
	[dreg:$0x15] =	wrdreg s25;
	s0 =	sadd.s32 s9, s25  }
0x16: {  	[tilespmem:s11], [sflag:$0x3] =	stream.linear.gather [hbm4b:s10+s11], $0x800, $0x38;
	[tilespmem:$0x1E000] =	vst v63  }
0x17: {  	s29 =	sshrl.u32 s12, $0x3;
	s9 =	simm.s32 $0x5;
	[dreg:$0xe] =	wrdreg s0  }
0x18: {  	[tilespmem:s14], [sflag:$0x3] =	stream.linear.gather [hbm4b:s26+s11], $0x800, $0x38;
	[tilespmem:$0x1E000] =	vst v63  }
0x19: {  	[spmem:s29], [sflag:s4] =	dma.local [hbm:s5], $0x2700  }
0x1a: {  	p0 =	sne.s32 s13, $0xF;
	_ =	swait.ge [sflag:s9], $0x2700  }
0x1b: {  	s10 =	simm.s32 @!p0 $0x5;
	s0 =	sadd.s32 $0x138000, s3;
	[sflag:s9] =	ssyncset.done $0x0  }
0x1c: {  	s6 =	sshrl.u32 @!p0 s0, $0x3;
	[dreg:$0xf] =	wrdreg s5;
	[sflag:s9] =	ssyncadd.s32 $0xFFFFD900  }
0x1d: {  	[spmem:s6], [sflag:s4] =	dma.local @!p0 [hbm:s5], $0x1000  }
0x1e: {  	_ =	swait.ge @!p0 [sflag:s10], $0x1000  }
0x1f: {  	[sflag:s10] =	ssyncset.done @!p0 $0x0  }
0x20: {  	[sflag:s10] =	ssyncadd.s32 @!p0 $0xFFFFF000  }
0x21: {  	s12 =	simm.s32 $0x3;
	[bflag:$0x0] =	sbarrier.arrive $0xFFFF  }
0x22: {  	_ =	swait.ge [sflag:s12], $0x800  }
0x23: {  	[sflag:s12] =	ssyncset.done $0x0  }
0x24: {  	[sflag:s12] =	ssyncadd.s32 $0xFFFFF800  }
0x25: {  	_ =	swait.ge [sflag:s12], $0x800  }
0x26: {  	[sflag:s12] =	ssyncset.done $0x0  }
0x27: {  	s30 =	simm.s32 $0x1000;
	s28 =	rddreg [dreg:$0x6];
	[sflag:s12] =	ssyncadd.s32 $0xFFFFF800  }
0x28: {  	[tilespmem:s30], [sflag:$0x4] =	stream.linear.gather [hbm4b:s28+s11], $0x800, $0x38;
	[tilespmem:$0x1E000] =	vst v63  }
0x29: {  	s7 =	simm.s32 $0x1800;
	s31 =	rddreg [dreg:$0x7]  }
0x2a: {  	[tilespmem:s7], [sflag:$0x4] =	stream.linear.gather [hbm4b:s31+s11], $0x800, $0x38;
	[tilespmem:$0x1E000] =	vst v63  }
0x2b: {  	s15 =	simm.s32 $0x80;
	s16 =	simm.s32 $0x2000  }
0x2c: {  	[tilespmem:s16], [sflag:$0x1] =	stream.indirect.gather [hbm4b:s2+s15], $0x80, s11, s15, $0xb8;
	[tilespmem:$0x1E000] =	vst v63  }
0x2d: {  	s17 =	simm.s32 $0x6000;
	s18 =	simm.s32 $0x1  }
0x2e: {  	[tilespmem:s17], [sflag:$0x2] =	stream.indirect.gather [hbm4b:s2+s15], $0x80, s15, s15, $0xb8;
	[tilespmem:$0x1E000] =	vst v63  }
0x2f: {  	_ =	swait.ge [sflag:s18], $0x4000  }
0x30: {  	[sflag:s18] =	ssyncset.done $0x0  }
0x31: {  	[sflag:s18] =	ssyncadd.s32 $0xFFFFC000  }
0x32: {  	[spmem:s3] =	stream.indirect.scatter.add.f32 [tilespmem:s16], [sflag:$0x5], $0x80, s14, s15, $0xb8;
	[tilespmem:$0x1E000] =	vst v63  }
0x33: {  	_ =	swait.ge [sflag:s9], $0x4000  }
0x34: {  	[sflag:s9] =	ssyncset.done $0x0  }
0x35: {  	s8 =	simm.s32 $0x100;
	s20 =	simm.s32 $0x2;
	[sflag:s9] =	ssyncadd.s32 $0xFFFFC000  }
0x36: {  	[tilespmem:s16], [sflag:$0x1] =	stream.indirect.gather [hbm4b:s2+s15], $0x80, s8, s15, $0xb8;
	[tilespmem:$0x1E000] =	vst v63  }
0x37: {  	_ =	swait.ge [sflag:s20], $0x4000  }
0x38: {  	[sflag:s20] =	ssyncset.done $0x0  }
0x39: {  	s13 =	simm.s32 $0x880;
	[sflag:s20] =	ssyncadd.s32 $0xFFFFC000  }
0x3a: {  	[spmem:s3] =	stream.indirect.scatter.add.f32 [tilespmem:s17], [sflag:$0x5], $0x80, s13, s15, $0xb8;
	[tilespmem:$0x1E000] =	vst v63  }
0x3b: {  	_ =	swait.ge [sflag:s9], $0x4000  }
0x3c: {  	[sflag:s9] =	ssyncset.done $0x0  }
0x3d: {  	s19 =	simm.s32 $0x180;
	[sflag:s9] =	ssyncadd.s32 $0xFFFFC000  }
0x3e: {  	[tilespmem:s17], [sflag:$0x2] =	stream.indirect.gather [hbm4b:s2+s15], $0x80, s19, s15, $0xb8;
	[tilespmem:$0x1E000] =	vst v63  }
0x3f: {  	_ =	swait.ge [sflag:s18], $0x4000  }
0x40: {  	[sflag:s18] =	ssyncset.done $0x0  }
0x41: {  	s21 =	simm.s32 $0x900;
	[sflag:s18] =	ssyncadd.s32 $0xFFFFC000  }
0x42: {  	[spmem:s3] =	stream.indirect.scatter.add.f32 [tilespmem:s16], [sflag:$0x5], $0x80, s21, s15, $0xb8;
	[tilespmem:$0x1E000] =	vst v63  }
0x43: {  	_ =	swait.ge [sflag:s9], $0x4000  }
0x44: {  	[sflag:s9] =	ssyncset.done $0x0  }
0x45: {  	s22 =	simm.s32 $0x200;
	[sflag:s9] =	ssyncadd.s32 $0xFFFFC000  }
0x46: {  	[tilespmem:s16], [sflag:$0x1] =	stream.indirect.gather [hbm4b:s2+s15], $0x80, s22, s15, $0xb8;
	[tilespmem:$0x1E000] =	vst v63  }
0x47: {  	_ =	swait.ge [sflag:s20], $0x4000  }
0x48: {  	[sflag:s20] =	ssyncset.done $0x0  }
0x49: {  	s23 =	simm.s32 $0x980;
	[sflag:s20] =	ssyncadd.s32 $0xFFFFC000  }
0x4a: {  	[spmem:s3] =	stream.indirect.scatter.add.f32 [tilespmem:s17], [sflag:$0x5], $0x80, s23, s15, $0xb8;
	[tilespmem:$0x1E000] =	vst v63  }
0x4b: {  	_ =	swait.ge [sflag:s9], $0x4000  }
0x4c: {  	[sflag:s9] =	ssyncset.done $0x0  }
0x4d: {  	s24 =	simm.s32 $0x280;
	[sflag:s9] =	ssyncadd.s32 $0xFFFFC000  }
0x4e: {  	[tilespmem:s17], [sflag:$0x2] =	stream.indirect.gather [hbm4b:s2+s15], $0x80, s24, s15, $0xb8;
	[tilespmem:$0x1E000] =	vst v63  }
0x4f: {  	_ =	swait.ge [sflag:s18], $0x4000  }
0x50: {  	[sflag:s18] =	ssyncset.done $0x0  }
0x51: {  	s25 =	simm.s32 $0xA00;
	[sflag:s18] =	ssyncadd.s32 $0xFFFFC000  }
0x52: {  	[spmem:s3] =	stream.indirect.scatter.add.f32 [tilespmem:s16], [sflag:$0x5], $0x80, s25, s15, $0xb8;
	[tilespmem:$0x1E000] =	vst v63  }
0x53: {  	_ =	swait.ge [sflag:s9], $0x4000  }
0x54: {  	[sflag:s9] =	ssyncset.done $0x0  }
0x55: {  	s26 =	simm.s32 $0x300;
	[sflag:s9] =	ssyncadd.s32 $0xFFFFC000  }
0x56: {  	[tilespmem:s16], [sflag:$0x1] =	stream.indirect.gather [hbm4b:s2+s15], $0x80, s26, s15, $0xb8;
	[tilespmem:$0x1E000] =	vst v63  }
0x57: {  	_ =	swait.ge [sflag:s20], $0x4000  }
0x58: {  	[sflag:s20] =	ssyncset.done $0x0  }
0x59: {  	s28 =	simm.s32 $0xA80;
	[sflag:s20] =	ssyncadd.s32 $0xFFFFC000  }
0x5a: {  	[spmem:s3] =	stream.indirect.scatter.add.f32 [tilespmem:s17], [sflag:$0x5], $0x80, s28, s15, $0xb8;
	[tilespmem:$0x1E000] =	vst v63  }
0x5b: {  	_ =	swait.ge [sflag:s9], $0x4000  }
0x5c: {  	[sflag:s9] =	ssyncset.done $0x0  }
0x5d: {  	s30 =	simm.s32 $0x380;
	[sflag:s9] =	ssyncadd.s32 $0xFFFFC000  }
0x5e: {  	[tilespmem:s17], [sflag:$0x2] =	stream.indirect.gather [hbm4b:s2+s15], $0x80, s30, s15, $0xb8;
	[tilespmem:$0x1E000] =	vst v63  }
0x5f: {  	_ =	swait.ge [sflag:s18], $0x4000  }
0x60: {  	[sflag:s18] =	ssyncset.done $0x0  }
0x61: {  	s31 =	simm.s32 $0xB00;
	[sflag:s18] =	ssyncadd.s32 $0xFFFFC000  }
0x62: {  	[spmem:s3] =	stream.indirect.scatter.add.f32 [tilespmem:s16], [sflag:$0x5], $0x80, s31, s15, $0xb8;
	[tilespmem:$0x1E000] =	vst v63  }
0x63: {  	_ =	swait.ge [sflag:s9], $0x4000  }
0x64: {  	[sflag:s9] =	ssyncset.done $0x0  }
0x65: {  	s1 =	simm.s32 $0x400;
	[sflag:s9] =	ssyncadd.s32 $0xFFFFC000  }
0x66: {  	[tilespmem:s16], [sflag:$0x1] =	stream.indirect.gather [hbm4b:s2+s15], $0x80, s1, s15, $0xb8;
	[tilespmem:$0x1E000] =	vst v63  }
0x67: {  	_ =	swait.ge [sflag:s20], $0x4000  }
0x68: {  	[sflag:s20] =	ssyncset.done $0x0  }
0x69: {  	s5 =	simm.s32 $0xB80;
	[sflag:s20] =	ssyncadd.s32 $0xFFFFC000  }
0x6a: {  	[spmem:s3] =	stream.indirect.scatter.add.f32 [tilespmem:s17], [sflag:$0x5], $0x80, s5, s15, $0xb8;
	[tilespmem:$0x1E000] =	vst v63  }
0x6b: {  	_ =	swait.ge [sflag:s9], $0x4000  }
0x6c: {  	[sflag:s9] =	ssyncset.done $0x0  }
0x6d: {  	s7 =	simm.s32 $0x480;
	[sflag:s9] =	ssyncadd.s32 $0xFFFFC000  }
0x6e: {  	[tilespmem:s17], [sflag:$0x2] =	stream.indirect.gather [hbm4b:s2+s15], $0x80, s7, s15, $0xb8;
	[tilespmem:$0x1E000] =	vst v63  }
0x6f: {  	_ =	swait.ge [sflag:s18], $0x4000  }
0x70: {  	[sflag:s18] =	ssyncset.done $0x0  }
0x71: {  	s8 =	simm.s32 $0xC00;
	[sflag:s18] =	ssyncadd.s32 $0xFFFFC000  }
0x72: {  	[spmem:s3] =	stream.indirect.scatter.add.f32 [tilespmem:s16], [sflag:$0x5], $0x80, s8, s15, $0xb8;
	[tilespmem:$0x1E000] =	vst v63  }
0x73: {  	_ =	swait.ge [sflag:s9], $0x4000  }
0x74: {  	[sflag:s9] =	ssyncset.done $0x0  }
0x75: {  	s13 =	simm.s32 $0x500;
	[sflag:s9] =	ssyncadd.s32 $0xFFFFC000  }
0x76: {  	[tilespmem:s16], [sflag:$0x1] =	stream.indirect.gather [hbm4b:s2+s15], $0x80, s13, s15, $0xb8;
	[tilespmem:$0x1E000] =	vst v63  }
0x77: {  	_ =	swait.ge [sflag:s20], $0x4000  }
0x78: {  	[sflag:s20] =	ssyncset.done $0x0  }
0x79: {  	s19 =	simm.s32 $0xC80;
	[sflag:s20] =	ssyncadd.s32 $0xFFFFC000  }
0x7a: {  	[spmem:s3] =	stream.indirect.scatter.add.f32 [tilespmem:s17], [sflag:$0x5], $0x80, s19, s15, $0xb8;
	[tilespmem:$0x1E000] =	vst v63  }
0x7b: {  	_ =	swait.ge [sflag:s9], $0x4000  }
0x7c: {  	[sflag:s9] =	ssyncset.done $0x0  }
0x7d: {  	s21 =	simm.s32 $0x580;
	[sflag:s9] =	ssyncadd.s32 $0xFFFFC000  }
0x7e: {  	[tilespmem:s17], [sflag:$0x2] =	stream.indirect.gather [hbm4b:s2+s15], $0x80, s21, s15, $0xb8;
	[tilespmem:$0x1E000] =	vst v63  }
0x7f: {  	_ =	swait.ge [sflag:s18], $0x4000  }
0x80: {  	[sflag:s18] =	ssyncset.done $0x0  }
0x81: {  	s22 =	simm.s32 $0xD00;
	[sflag:s18] =	ssyncadd.s32 $0xFFFFC000  }
0x82: {  	[spmem:s3] =	stream.indirect.scatter.add.f32 [tilespmem:s16], [sflag:$0x5], $0x80, s22, s15, $0xb8;
	[tilespmem:$0x1E000] =	vst v63  }
0x83: {  	_ =	swait.ge [sflag:s9], $0x4000  }
0x84: {  	[sflag:s9] =	ssyncset.done $0x0  }
0x85: {  	s23 =	simm.s32 $0x600;
	[sflag:s9] =	ssyncadd.s32 $0xFFFFC000  }
0x86: {  	[tilespmem:s16], [sflag:$0x1] =	stream.indirect.gather [hbm4b:s2+s15], $0x80, s23, s15, $0xb8;
	[tilespmem:$0x1E000] =	vst v63  }
0x87: {  	_ =	swait.ge [sflag:s20], $0x4000  }
0x88: {  	[sflag:s20] =	ssyncset.done $0x0  }
0x89: {  	s24 =	simm.s32 $0xD80;
	[sflag:s20] =	ssyncadd.s32 $0xFFFFC000  }
0x8a: {  	[spmem:s3] =	stream.indirect.scatter.add.f32 [tilespmem:s17], [sflag:$0x5], $0x80, s24, s15, $0xb8;
	[tilespmem:$0x1E000] =	vst v63  }
0x8b: {  	_ =	swait.ge [sflag:s9], $0x4000  }
0x8c: {  	[sflag:s9] =	ssyncset.done $0x0  }
0x8d: {  	s25 =	simm.s32 $0x680;
	[sflag:s9] =	ssyncadd.s32 $0xFFFFC000  }
0x8e: {  	[tilespmem:s17], [sflag:$0x2] =	stream.indirect.gather [hbm4b:s2+s15], $0x80, s25, s15, $0xb8;
	[tilespmem:$0x1E000] =	vst v63  }
0x8f: {  	_ =	swait.ge [sflag:s18], $0x4000  }
0x90: {  	[sflag:s18] =	ssyncset.done $0x0  }
0x91: {  	s26 =	simm.s32 $0xE00;
	[sflag:s18] =	ssyncadd.s32 $0xFFFFC000  }
0x92: {  	[spmem:s3] =	stream.indirect.scatter.add.f32 [tilespmem:s16], [sflag:$0x5], $0x80, s26, s15, $0xb8;
	[tilespmem:$0x1E000] =	vst v63  }
0x93: {  	_ =	swait.ge [sflag:s9], $0x4000  }
0x94: {  	[sflag:s9] =	ssyncset.done $0x0  }
0x95: {  	s28 =	simm.s32 $0x700;
	[sflag:s9] =	ssyncadd.s32 $0xFFFFC000  }
0x96: {  	[tilespmem:s16], [sflag:$0x1] =	stream.indirect.gather [hbm4b:s2+s15], $0x80, s28, s15, $0xb8;
	[tilespmem:$0x1E000] =	vst v63  }
0x97: {  	_ =	swait.ge [sflag:s20], $0x4000  }
0x98: {  	[sflag:s20] =	ssyncset.done $0x0  }
0x99: {  	s30 =	simm.s32 $0xE80;
	[sflag:s20] =	ssyncadd.s32 $0xFFFFC000  }
0x9a: {  	[spmem:s3] =	stream.indirect.scatter.add.f32 [tilespmem:s17], [sflag:$0x5], $0x80, s30, s15, $0xb8;
	[tilespmem:$0x1E000] =	vst v63  }
0x9b: {  	_ =	swait.ge [sflag:s9], $0x4000  }
0x9c: {  	[sflag:s9] =	ssyncset.done $0x0  }
0x9d: {  	s31 =	simm.s32 $0x780;
	[sflag:s9] =	ssyncadd.s32 $0xFFFFC000  }
0x9e: {  	[tilespmem:s17], [sflag:$0x2] =	stream.indirect.gather [hbm4b:s2+s15], $0x80, s31, s15, $0xb8;
	[tilespmem:$0x1E000] =	vst v63  }
0x9f: {  	_ =	swait.ge [sflag:s18], $0x4000  }
0xa0: {  	[sflag:s18] =	ssyncset.done $0x0  }
0xa1: {  	s1 =	simm.s32 $0xF00;
	[sflag:s18] =	ssyncadd.s32 $0xFFFFC000  }
0xa2: {  	[spmem:s3] =	stream.indirect.scatter.add.f32 [tilespmem:s16], [sflag:$0x5], $0x80, s1, s15, $0xb8;
	[tilespmem:$0x1E000] =	vst v63  }
0xa3: {  	_ =	swait.ge [sflag:s9], $0x4000  }
0xa4: {  	[sflag:s9] =	ssyncset.done $0x0  }
0xa5: {  	[sflag:s9] =	ssyncadd.s32 $0xFFFFC000  }
0xa6: {  	_ =	swait.ge [sflag:s20], $0x4000  }
0xa7: {  	[sflag:s20] =	ssyncset.done $0x0  }
0xa8: {  	s5 =	simm.s32 $0xF80;
	[sflag:s20] =	ssyncadd.s32 $0xFFFFC000  }
0xa9: {  	[spmem:s3] =	stream.indirect.scatter.add.f32 [tilespmem:s17], [sflag:$0x5], $0x80, s5, s15, $0xb8;
	[tilespmem:$0x1E000] =	vst v63  }
0xaa: {  	_ =	swait.ge [sflag:s9], $0x4000  }
0xab: {  	[sflag:s9] =	ssyncset.done $0x0  }
0xac: {  	s23 =	simm.s32 $0x4;
	[sflag:s9] =	ssyncadd.s32 $0xFFFFC000  }
0xad: {  	_ =	swait.ge [sflag:s23], $0x800  }
0xae: {  	[sflag:s23] =	ssyncset.done $0x0  }
0xaf: {  	[sflag:s23] =	ssyncadd.s32 $0xFFFFF800  }
0xb0: {  	_ =	swait.ge [sflag:s23], $0x800  }
0xb1: {  	[sflag:s23] =	ssyncset.done $0x0  }
0xb2: {  	s7 =	rddreg [dreg:$0x8];
	[sflag:s23] =	ssyncadd.s32 $0xFFFFF800  }
0xb3: {  	[tilespmem:s11], [sflag:$0x3] =	stream.linear.gather [hbm4b:s7+s11], $0x800, $0x38;
	[tilespmem:$0x1E000] =	vst v63  }
0xb4: {  	s24 =	rddreg [dreg:$0x9]  }
0xb5: {  	[tilespmem:s14], [sflag:$0x3] =	stream.linear.gather [hbm4b:s24+s11], $0x800, $0x38;
	[tilespmem:$0x1E000] =	vst v63  }
0xb6: {  	s1 =	simm.s32 $0x1000  }
0xb7: {  	[tilespmem:s16], [sflag:$0x1] =	stream.indirect.gather [hbm4b:s2+s15], $0x80, s1, s15, $0xb8;
	[tilespmem:$0x1E000] =	vst v63  }
0xb8: {  	s8 =	simm.s32 $0x1080  }
0xb9: {  	[tilespmem:s17], [sflag:$0x2] =	stream.indirect.gather [hbm4b:s2+s15], $0x80, s8, s15, $0xb8;
	[tilespmem:$0x1E000] =	vst v63  }
0xba: {  	_ =	swait.ge [sflag:s18], $0x4000  }
0xbb: {  	[sflag:s18] =	ssyncset.done $0x0  }
0xbc: {  	s0 =	simm.s32 $0x1800;
	[sflag:s18] =	ssyncadd.s32 $0xFFFFC000  }
0xbd: {  	[spmem:s3] =	stream.indirect.scatter.add.f32 [tilespmem:s16], [sflag:$0x5], $0x80, s0, s15, $0xb8;
	[tilespmem:$0x1E000] =	vst v63  }
0xbe: {  	_ =	swait.ge [sflag:s9], $0x4000  }
0xbf: {  	[sflag:s9] =	ssyncset.done $0x0  }
0xc0: {  	s13 =	simm.s32 $0x1100;
	[sflag:s9] =	ssyncadd.s32 $0xFFFFC000  }
0xc1: {  	[tilespmem:s16], [sflag:$0x1] =	stream.indirect.gather [hbm4b:s2+s15], $0x80, s13, s15, $0xb8;
	[tilespmem:$0x1E000] =	vst v63  }
0xc2: {  	_ =	swait.ge [sflag:s20], $0x4000  }
0xc3: {  	[sflag:s20] =	ssyncset.done $0x0  }
0xc4: {  	s19 =	simm.s32 $0x1880;
	[sflag:s20] =	ssyncadd.s32 $0xFFFFC000  }
0xc5: {  	[spmem:s3] =	stream.indirect.scatter.add.f32 [tilespmem:s17], [sflag:$0x5], $0x80, s19, s15, $0xb8;
	[tilespmem:$0x1E000] =	vst v63  }
0xc6: {  	_ =	swait.ge [sflag:s9], $0x4000  }
0xc7: {  	[sflag:s9] =	ssyncset.done $0x0  }
0xc8: {  	s21 =	simm.s32 $0x1180;
	[sflag:s9] =	ssyncadd.s32 $0xFFFFC000  }
0xc9: {  	[tilespmem:s17], [sflag:$0x2] =	stream.indirect.gather [hbm4b:s2+s15], $0x80, s21, s15, $0xb8;
	[tilespmem:$0x1E000] =	vst v63  }
0xca: {  	_ =	swait.ge [sflag:s18], $0x4000  }
0xcb: {  	[sflag:s18] =	ssyncset.done $0x0  }
0xcc: {  	s22 =	simm.s32 $0x1900;
	[sflag:s18] =	ssyncadd.s32 $0xFFFFC000  }
0xcd: {  	[spmem:s3] =	stream.indirect.scatter.add.f32 [tilespmem:s16], [sflag:$0x5], $0x80, s22, s15, $0xb8;
	[tilespmem:$0x1E000] =	vst v63  }
0xce: {  	_ =	swait.ge [sflag:s9], $0x4000  }
0xcf: {  	[sflag:s9] =	ssyncset.done $0x0  }
0xd0: {  	s24 =	simm.s32 $0x1200;
	[sflag:s9] =	ssyncadd.s32 $0xFFFFC000  }
0xd1: {  	[tilespmem:s16], [sflag:$0x1] =	stream.indirect.gather [hbm4b:s2+s15], $0x80, s24, s15, $0xb8;
	[tilespmem:$0x1E000] =	vst v63  }
0xd2: {  	_ =	swait.ge [sflag:s20], $0x4000  }
0xd3: {  	[sflag:s20] =	ssyncset.done $0x0  }
0xd4: {  	s25 =	simm.s32 $0x1980;
	[sflag:s20] =	ssyncadd.s32 $0xFFFFC000  }
0xd5: {  	[spmem:s3] =	stream.indirect.scatter.add.f32 [tilespmem:s17], [sflag:$0x5], $0x80, s25, s15, $0xb8;
	[tilespmem:$0x1E000] =	vst v63  }
0xd6: {  	_ =	swait.ge [sflag:s9], $0x4000  }
0xd7: {  	[sflag:s9] =	ssyncset.done $0x0  }
0xd8: {  	s26 =	simm.s32 $0x1280;
	[sflag:s9] =	ssyncadd.s32 $0xFFFFC000  }
0xd9: {  	[tilespmem:s17], [sflag:$0x2] =	stream.indirect.gather [hbm4b:s2+s15], $0x80, s26, s15, $0xb8;
	[tilespmem:$0x1E000] =	vst v63  }
0xda: {  	_ =	swait.ge [sflag:s18], $0x4000  }
0xdb: {  	[sflag:s18] =	ssyncset.done $0x0  }
0xdc: {  	s28 =	simm.s32 $0x1A00;
	[sflag:s18] =	ssyncadd.s32 $0xFFFFC000  }
0xdd: {  	[spmem:s3] =	stream.indirect.scatter.add.f32 [tilespmem:s16], [sflag:$0x5], $0x80, s28, s15, $0xb8;
	[tilespmem:$0x1E000] =	vst v63  }
0xde: {  	_ =	swait.ge [sflag:s9], $0x4000  }
0xdf: {  	[sflag:s9] =	ssyncset.done $0x0  }
0xe0: {  	s30 =	simm.s32 $0x1300;
	[sflag:s9] =	ssyncadd.s32 $0xFFFFC000  }
0xe1: {  	[tilespmem:s16], [sflag:$0x1] =	stream.indirect.gather [hbm4b:s2+s15], $0x80, s30, s15, $0xb8;
	[tilespmem:$0x1E000] =	vst v63  }
0xe2: {  	_ =	swait.ge [sflag:s20], $0x4000  }
0xe3: {  	[sflag:s20] =	ssyncset.done $0x0  }
0xe4: {  	s31 =	simm.s32 $0x1A80;
	[sflag:s20] =	ssyncadd.s32 $0xFFFFC000  }
0xe5: {  	[spmem:s3] =	stream.indirect.scatter.add.f32 [tilespmem:s17], [sflag:$0x5], $0x80, s31, s15, $0xb8;
	[tilespmem:$0x1E000] =	vst v63  }
0xe6: {  	_ =	swait.ge [sflag:s9], $0x4000  }
0xe7: {  	[sflag:s9] =	ssyncset.done $0x0  }
0xe8: {  	s7 =	simm.s32 $0x1380;
	[sflag:s9] =	ssyncadd.s32 $0xFFFFC000  }
0xe9: {  	[tilespmem:s17], [sflag:$0x2] =	stream.indirect.gather [hbm4b:s2+s15], $0x80, s7, s15, $0xb8;
	[tilespmem:$0x1E000] =	vst v63  }
0xea: {  	_ =	swait.ge [sflag:s18], $0x4000  }
0xeb: {  	[sflag:s18] =	ssyncset.done $0x0  }
0xec: {  	s8 =	simm.s32 $0x1B00;
	[sflag:s18] =	ssyncadd.s32 $0xFFFFC000  }
0xed: {  	[spmem:s3] =	stream.indirect.scatter.add.f32 [tilespmem:s16], [sflag:$0x5], $0x80, s8, s15, $0xb8;
	[tilespmem:$0x1E000] =	vst v63  }
0xee: {  	_ =	swait.ge [sflag:s9], $0x4000  }
0xef: {  	[sflag:s9] =	ssyncset.done $0x0  }
0xf0: {  	s13 =	simm.s32 $0x1400;
	[sflag:s9] =	ssyncadd.s32 $0xFFFFC000  }
0xf1: {  	[tilespmem:s16], [sflag:$0x1] =	stream.indirect.gather [hbm4b:s2+s15], $0x80, s13, s15, $0xb8;
	[tilespmem:$0x1E000] =	vst v63  }
0xf2: {  	_ =	swait.ge [sflag:s20], $0x4000  }
0xf3: {  	[sflag:s20] =	ssyncset.done $0x0  }
0xf4: {  	s19 =	simm.s32 $0x1B80;
	[sflag:s20] =	ssyncadd.s32 $0xFFFFC000  }
0xf5: {  	[spmem:s3] =	stream.indirect.scatter.add.f32 [tilespmem:s17], [sflag:$0x5], $0x80, s19, s15, $0xb8;
	[tilespmem:$0x1E000] =	vst v63  }
0xf6: {  	_ =	swait.ge [sflag:s9], $0x4000  }
0xf7: {  	[sflag:s9] =	ssyncset.done $0x0  }
0xf8: {  	s21 =	simm.s32 $0x1480;
	[sflag:s9] =	ssyncadd.s32 $0xFFFFC000  }
0xf9: {  	[tilespmem:s17], [sflag:$0x2] =	stream.indirect.gather [hbm4b:s2+s15], $0x80, s21, s15, $0xb8;
	[tilespmem:$0x1E000] =	vst v63  }
0xfa: {  	_ =	swait.ge [sflag:s18], $0x4000  }
0xfb: {  	[sflag:s18] =	ssyncset.done $0x0  }
0xfc: {  	s22 =	simm.s32 $0x1C00;
	[sflag:s18] =	ssyncadd.s32 $0xFFFFC000  }
0xfd: {  	[spmem:s3] =	stream.indirect.scatter.add.f32 [tilespmem:s16], [sflag:$0x5], $0x80, s22, s15, $0xb8;
	[tilespmem:$0x1E000] =	vst v63  }
0xfe: {  	_ =	swait.ge [sflag:s9], $0x4000  }
0xff: {  	[sflag:s9] =	ssyncset.done $0x0  }
0x100: {  	s24 =	simm.s32 $0x1500;
	[sflag:s9] =	ssyncadd.s32 $0xFFFFC000  }
0x101: {  	[tilespmem:s16], [sflag:$0x1] =	stream.indirect.gather [hbm4b:s2+s15], $0x80, s24, s15, $0xb8;
	[tilespmem:$0x1E000] =	vst v63  }
0x102: {  	_ =	swait.ge [sflag:s20], $0x4000  }
0x103: {  	[sflag:s20] =	ssyncset.done $0x0  }
0x104: {  	s25 =	simm.s32 $0x1C80;
	[sflag:s20] =	ssyncadd.s32 $0xFFFFC000  }
0x105: {  	[spmem:s3] =	stream.indirect.scatter.add.f32 [tilespmem:s17], [sflag:$0x5], $0x80, s25, s15, $0xb8;
	[tilespmem:$0x1E000] =	vst v63  }
0x106: {  	_ =	swait.ge [sflag:s9], $0x4000  }
0x107: {  	[sflag:s9] =	ssyncset.done $0x0  }
0x108: {  	s26 =	simm.s32 $0x1580;
	[sflag:s9] =	ssyncadd.s32 $0xFFFFC000  }
0x109: {  	[tilespmem:s17], [sflag:$0x2] =	stream.indirect.gather [hbm4b:s2+s15], $0x80, s26, s15, $0xb8;
	[tilespmem:$0x1E000] =	vst v63  }
0x10a: {  	_ =	swait.ge [sflag:s18], $0x4000  }
0x10b: {  	[sflag:s18] =	ssyncset.done $0x0  }
0x10c: {  	s28 =	simm.s32 $0x1D00;
	[sflag:s18] =	ssyncadd.s32 $0xFFFFC000  }
0x10d: {  	[spmem:s3] =	stream.indirect.scatter.add.f32 [tilespmem:s16], [sflag:$0x5], $0x80, s28, s15, $0xb8;
	[tilespmem:$0x1E000] =	vst v63  }
0x10e: {  	_ =	swait.ge [sflag:s9], $0x4000  }
0x10f: {  	[sflag:s9] =	ssyncset.done $0x0  }
0x110: {  	s30 =	simm.s32 $0x1600;
	[sflag:s9] =	ssyncadd.s32 $0xFFFFC000  }
0x111: {  	[tilespmem:s16], [sflag:$0x1] =	stream.indirect.gather [hbm4b:s2+s15], $0x80, s30, s15, $0xb8;
	[tilespmem:$0x1E000] =	vst v63  }
0x112: {  	_ =	swait.ge [sflag:s20], $0x4000  }
0x113: {  	[sflag:s20] =	ssyncset.done $0x0  }
0x114: {  	s31 =	simm.s32 $0x1D80;
	[sflag:s20] =	ssyncadd.s32 $0xFFFFC000  }
0x115: {  	[spmem:s3] =	stream.indirect.scatter.add.f32 [tilespmem:s17], [sflag:$0x5], $0x80, s31, s15, $0xb8;
	[tilespmem:$0x1E000] =	vst v63  }
0x116: {  	_ =	swait.ge [sflag:s9], $0x4000  }
0x117: {  	[sflag:s9] =	ssyncset.done $0x0  }
0x118: {  	s7 =	simm.s32 $0x1680;
	[sflag:s9] =	ssyncadd.s32 $0xFFFFC000  }
0x119: {  	[tilespmem:s17], [sflag:$0x2] =	stream.indirect.gather [hbm4b:s2+s15], $0x80, s7, s15, $0xb8;
	[tilespmem:$0x1E000] =	vst v63  }
0x11a: {  	_ =	swait.ge [sflag:s18], $0x4000  }
0x11b: {  	[sflag:s18] =	ssyncset.done $0x0  }
0x11c: {  	s8 =	simm.s32 $0x1E00;
	[sflag:s18] =	ssyncadd.s32 $0xFFFFC000  }
0x11d: {  	[spmem:s3] =	stream.indirect.scatter.add.f32 [tilespmem:s16], [sflag:$0x5], $0x80, s8, s15, $0xb8;
	[tilespmem:$0x1E000] =	vst v63  }
0x11e: {  	_ =	swait.ge [sflag:s9], $0x4000  }
0x11f: {  	[sflag:s9] =	ssyncset.done $0x0  }
0x120: {  	s13 =	simm.s32 $0x1700;
	[sflag:s9] =	ssyncadd.s32 $0xFFFFC000  }
0x121: {  	[tilespmem:s16], [sflag:$0x1] =	stream.indirect.gather [hbm4b:s2+s15], $0x80, s13, s15, $0xb8;
	[tilespmem:$0x1E000] =	vst v63  }
0x122: {  	_ =	swait.ge [sflag:s20], $0x4000  }
0x123: {  	[sflag:s20] =	ssyncset.done $0x0  }
0x124: {  	s19 =	simm.s32 $0x1E80;
	[sflag:s20] =	ssyncadd.s32 $0xFFFFC000  }
0x125: {  	[spmem:s3] =	stream.indirect.scatter.add.f32 [tilespmem:s17], [sflag:$0x5], $0x80, s19, s15, $0xb8;
	[tilespmem:$0x1E000] =	vst v63  }
0x126: {  	_ =	swait.ge [sflag:s9], $0x4000  }
0x127: {  	[sflag:s9] =	ssyncset.done $0x0  }
0x128: {  	s21 =	simm.s32 $0x1780;
	[sflag:s9] =	ssyncadd.s32 $0xFFFFC000  }
0x129: {  	[tilespmem:s17], [sflag:$0x2] =	stream.indirect.gather [hbm4b:s2+s15], $0x80, s21, s15, $0xb8;
	[tilespmem:$0x1E000] =	vst v63  }
0x12a: {  	_ =	swait.ge [sflag:s18], $0x4000  }
0x12b: {  	[sflag:s18] =	ssyncset.done $0x0  }
0x12c: {  	s22 =	simm.s32 $0x1F00;
	[sflag:s18] =	ssyncadd.s32 $0xFFFFC000  }
0x12d: {  	[spmem:s3] =	stream.indirect.scatter.add.f32 [tilespmem:s16], [sflag:$0x5], $0x80, s22, s15, $0xb8;
	[tilespmem:$0x1E000] =	vst v63  }
0x12e: {  	_ =	swait.ge [sflag:s9], $0x4000  }
0x12f: {  	[sflag:s9] =	ssyncset.done $0x0  }
0x130: {  	[sflag:s9] =	ssyncadd.s32 $0xFFFFC000  }
0x131: {  	_ =	swait.ge [sflag:s20], $0x4000  }
0x132: {  	[sflag:s20] =	ssyncset.done $0x0  }
0x133: {  	s24 =	simm.s32 $0x1F80;
	[sflag:s20] =	ssyncadd.s32 $0xFFFFC000  }
0x134: {  	[spmem:s3] =	stream.indirect.scatter.add.f32 [tilespmem:s17], [sflag:$0x5], $0x80, s24, s15, $0xb8;
	[tilespmem:$0x1E000] =	vst v63  }
0x135: {  	_ =	swait.ge [sflag:s9], $0x4000  }
0x136: {  	[sflag:s9] =	ssyncset.done $0x0  }
0x137: {  	[sflag:s9] =	ssyncadd.s32 $0xFFFFC000  }
0x138: {  	_ =	swait.ge [sflag:s12], $0x800  }
0x139: {  	[sflag:s12] =	ssyncset.done $0x0  }
0x13a: {  	[sflag:s12] =	ssyncadd.s32 $0xFFFFF800  }
0x13b: {  	_ =	swait.ge [sflag:s12], $0x800  }
0x13c: {  	[sflag:s12] =	ssyncset.done $0x0  }
0x13d: {  	s25 =	rddreg [dreg:$0xa];
	[sflag:s12] =	ssyncadd.s32 $0xFFFFF800  }
0x13e: {  	[tilespmem:s1], [sflag:$0x4] =	stream.linear.gather [hbm4b:s25+s11], $0x800, $0x38;
	[tilespmem:$0x1E000] =	vst v63  }
0x13f: {  	s26 =	rddreg [dreg:$0xb]  }
0x140: {  	[tilespmem:s0], [sflag:$0x4] =	stream.linear.gather [hbm4b:s26+s11], $0x800, $0x38;
	[tilespmem:$0x1E000] =	vst v63  }
0x141: {  	_ = 	snop  }
0x142: {  	[tilespmem:s16], [sflag:$0x1] =	stream.indirect.gather [hbm4b:s2+s15], $0x80, s11, s15, $0xb8;
	[tilespmem:$0x1E000] =	vst v63  }
0x143: {  	_ = 	snop  }
0x144: {  	[tilespmem:s17], [sflag:$0x2] =	stream.indirect.gather [hbm4b:s2+s15], $0x80, s15, s15, $0xb8;
	[tilespmem:$0x1E000] =	vst v63  }
0x145: {  	_ =	swait.ge [sflag:s18], $0x4000  }
0x146: {  	[sflag:s18] =	ssyncset.done $0x0  }
0x147: {  	[sflag:s18] =	ssyncadd.s32 $0xFFFFC000  }
0x148: {  	[spmem:s3] =	stream.indirect.scatter.add.f32 [tilespmem:s16], [sflag:$0x5], $0x80, s14, s15, $0xb8;
	[tilespmem:$0x1E000] =	vst v63  }
0x149: {  	_ =	swait.ge [sflag:s9], $0x4000  }
0x14a: {  	[sflag:s9] =	ssyncset.done $0x0  }
0x14b: {  	s28 =	simm.s32 $0x100;
	[sflag:s9] =	ssyncadd.s32 $0xFFFFC000  }
0x14c: {  	[tilespmem:s16], [sflag:$0x1] =	stream.indirect.gather [hbm4b:s2+s15], $0x80, s28, s15, $0xb8;
	[tilespmem:$0x1E000] =	vst v63  }
0x14d: {  	_ =	swait.ge [sflag:s20], $0x4000  }
0x14e: {  	[sflag:s20] =	ssyncset.done $0x0  }
0x14f: {  	s30 =	simm.s32 $0x880;
	[sflag:s20] =	ssyncadd.s32 $0xFFFFC000  }
0x150: {  	[spmem:s3] =	stream.indirect.scatter.add.f32 [tilespmem:s17], [sflag:$0x5], $0x80, s30, s15, $0xb8;
	[tilespmem:$0x1E000] =	vst v63  }
0x151: {  	_ =	swait.ge [sflag:s9], $0x4000  }
0x152: {  	[sflag:s9] =	ssyncset.done $0x0  }
0x153: {  	s31 =	simm.s32 $0x180;
	[sflag:s9] =	ssyncadd.s32 $0xFFFFC000  }
0x154: {  	[tilespmem:s17], [sflag:$0x2] =	stream.indirect.gather [hbm4b:s2+s15], $0x80, s31, s15, $0xb8;
	[tilespmem:$0x1E000] =	vst v63  }
0x155: {  	_ =	swait.ge [sflag:s18], $0x4000  }
0x156: {  	[sflag:s18] =	ssyncset.done $0x0  }
0x157: {  	s7 =	simm.s32 $0x900;
	[sflag:s18] =	ssyncadd.s32 $0xFFFFC000  }
0x158: {  	[spmem:s3] =	stream.indirect.scatter.add.f32 [tilespmem:s16], [sflag:$0x5], $0x80, s7, s15, $0xb8;
	[tilespmem:$0x1E000] =	vst v63  }
0x159: {  	_ =	swait.ge [sflag:s9], $0x4000  }
0x15a: {  	[sflag:s9] =	ssyncset.done $0x0  }
0x15b: {  	s8 =	simm.s32 $0x200;
	[sflag:s9] =	ssyncadd.s32 $0xFFFFC000  }
0x15c: {  	[tilespmem:s16], [sflag:$0x1] =	stream.indirect.gather [hbm4b:s2+s15], $0x80, s8, s15, $0xb8;
	[tilespmem:$0x1E000] =	vst v63  }
0x15d: {  	_ =	swait.ge [sflag:s20], $0x4000  }
0x15e: {  	[sflag:s20] =	ssyncset.done $0x0  }
0x15f: {  	s13 =	simm.s32 $0x980;
	[sflag:s20] =	ssyncadd.s32 $0xFFFFC000  }
0x160: {  	[spmem:s3] =	stream.indirect.scatter.add.f32 [tilespmem:s17], [sflag:$0x5], $0x80, s13, s15, $0xb8;
	[tilespmem:$0x1E000] =	vst v63  }
0x161: {  	_ =	swait.ge [sflag:s9], $0x4000  }
0x162: {  	[sflag:s9] =	ssyncset.done $0x0  }
0x163: {  	s19 =	simm.s32 $0x280;
	[sflag:s9] =	ssyncadd.s32 $0xFFFFC000  }
0x164: {  	[tilespmem:s17], [sflag:$0x2] =	stream.indirect.gather [hbm4b:s2+s15], $0x80, s19, s15, $0xb8;
	[tilespmem:$0x1E000] =	vst v63  }
0x165: {  	_ =	swait.ge [sflag:s18], $0x4000  }
0x166: {  	[sflag:s18] =	ssyncset.done $0x0  }
0x167: {  	s21 =	simm.s32 $0xA00;
	[sflag:s18] =	ssyncadd.s32 $0xFFFFC000  }
0x168: {  	[spmem:s3] =	stream.indirect.scatter.add.f32 [tilespmem:s16], [sflag:$0x5], $0x80, s21, s15, $0xb8;
	[tilespmem:$0x1E000] =	vst v63  }
0x169: {  	_ =	swait.ge [sflag:s9], $0x4000  }
0x16a: {  	[sflag:s9] =	ssyncset.done $0x0  }
0x16b: {  	s22 =	simm.s32 $0x300;
	[sflag:s9] =	ssyncadd.s32 $0xFFFFC000  }
0x16c: {  	[tilespmem:s16], [sflag:$0x1] =	stream.indirect.gather [hbm4b:s2+s15], $0x80, s22, s15, $0xb8;
	[tilespmem:$0x1E000] =	vst v63  }
0x16d: {  	_ =	swait.ge [sflag:s20], $0x4000  }
0x16e: {  	[sflag:s20] =	ssyncset.done $0x0  }
0x16f: {  	s25 =	simm.s32 $0xA80;
	[sflag:s20] =	ssyncadd.s32 $0xFFFFC000  }
0x170: {  	[spmem:s3] =	stream.indirect.scatter.add.f32 [tilespmem:s17], [sflag:$0x5], $0x80, s25, s15, $0xb8;
	[tilespmem:$0x1E000] =	vst v63  }
0x171: {  	_ =	swait.ge [sflag:s9], $0x4000  }
0x172: {  	[sflag:s9] =	ssyncset.done $0x0  }
0x173: {  	s26 =	simm.s32 $0x380;
	[sflag:s9] =	ssyncadd.s32 $0xFFFFC000  }
0x174: {  	[tilespmem:s17], [sflag:$0x2] =	stream.indirect.gather [hbm4b:s2+s15], $0x80, s26, s15, $0xb8;
	[tilespmem:$0x1E000] =	vst v63  }
0x175: {  	_ =	swait.ge [sflag:s18], $0x4000  }
0x176: {  	[sflag:s18] =	ssyncset.done $0x0  }
0x177: {  	s28 =	simm.s32 $0xB00;
	[sflag:s18] =	ssyncadd.s32 $0xFFFFC000  }
0x178: {  	[spmem:s3] =	stream.indirect.scatter.add.f32 [tilespmem:s16], [sflag:$0x5], $0x80, s28, s15, $0xb8;
	[tilespmem:$0x1E000] =	vst v63  }
0x179: {  	_ =	swait.ge [sflag:s9], $0x4000  }
0x17a: {  	[sflag:s9] =	ssyncset.done $0x0  }
0x17b: {  	s30 =	simm.s32 $0x400;
	[sflag:s9] =	ssyncadd.s32 $0xFFFFC000  }
0x17c: {  	[tilespmem:s16], [sflag:$0x1] =	stream.indirect.gather [hbm4b:s2+s15], $0x80, s30, s15, $0xb8;
	[tilespmem:$0x1E000] =	vst v63  }
0x17d: {  	_ =	swait.ge [sflag:s20], $0x4000  }
0x17e: {  	[sflag:s20] =	ssyncset.done $0x0  }
0x17f: {  	s31 =	simm.s32 $0xB80;
	[sflag:s20] =	ssyncadd.s32 $0xFFFFC000  }
0x180: {  	[spmem:s3] =	stream.indirect.scatter.add.f32 [tilespmem:s17], [sflag:$0x5], $0x80, s31, s15, $0xb8;
	[tilespmem:$0x1E000] =	vst v63  }
0x181: {  	_ =	swait.ge [sflag:s9], $0x4000  }
0x182: {  	[sflag:s9] =	ssyncset.done $0x0  }
0x183: {  	s1 =	simm.s32 $0x480;
	[sflag:s9] =	ssyncadd.s32 $0xFFFFC000  }
0x184: {  	[tilespmem:s17], [sflag:$0x2] =	stream.indirect.gather [hbm4b:s2+s15], $0x80, s1, s15, $0xb8;
	[tilespmem:$0x1E000] =	vst v63  }
0x185: {  	_ =	swait.ge [sflag:s18], $0x4000  }
0x186: {  	[sflag:s18] =	ssyncset.done $0x0  }
0x187: {  	s1 =	simm.s32 $0xC00;
	[sflag:s18] =	ssyncadd.s32 $0xFFFFC000  }
0x188: {  	[spmem:s3] =	stream.indirect.scatter.add.f32 [tilespmem:s16], [sflag:$0x5], $0x80, s1, s15, $0xb8;
	[tilespmem:$0x1E000] =	vst v63  }
0x189: {  	_ =	swait.ge [sflag:s9], $0x4000  }
0x18a: {  	[sflag:s9] =	ssyncset.done $0x0  }
0x18b: {  	s1 =	simm.s32 $0x500;
	[sflag:s9] =	ssyncadd.s32 $0xFFFFC000  }
0x18c: {  	[tilespmem:s16], [sflag:$0x1] =	stream.indirect.gather [hbm4b:s2+s15], $0x80, s1, s15, $0xb8;
	[tilespmem:$0x1E000] =	vst v63  }
0x18d: {  	_ =	swait.ge [sflag:s20], $0x4000  }
0x18e: {  	[sflag:s20] =	ssyncset.done $0x0  }
0x18f: {  	s1 =	simm.s32 $0xC80;
	[sflag:s20] =	ssyncadd.s32 $0xFFFFC000  }
0x190: {  	[spmem:s3] =	stream.indirect.scatter.add.f32 [tilespmem:s17], [sflag:$0x5], $0x80, s1, s15, $0xb8;
	[tilespmem:$0x1E000] =	vst v63  }
0x191: {  	_ =	swait.ge [sflag:s9], $0x4000  }
0x192: {  	[sflag:s9] =	ssyncset.done $0x0  }
0x193: {  	s1 =	simm.s32 $0x580;
	[sflag:s9] =	ssyncadd.s32 $0xFFFFC000  }
0x194: {  	[tilespmem:s17], [sflag:$0x2] =	stream.indirect.gather [hbm4b:s2+s15], $0x80, s1, s15, $0xb8;
	[tilespmem:$0x1E000] =	vst v63  }
0x195: {  	_ =	swait.ge [sflag:s18], $0x4000  }
0x196: {  	[sflag:s18] =	ssyncset.done $0x0  }
0x197: {  	s1 =	simm.s32 $0xD00;
	[sflag:s18] =	ssyncadd.s32 $0xFFFFC000  }
0x198: {  	[spmem:s3] =	stream.indirect.scatter.add.f32 [tilespmem:s16], [sflag:$0x5], $0x80, s1, s15, $0xb8;
	[tilespmem:$0x1E000] =	vst v63  }
0x199: {  	_ =	swait.ge [sflag:s9], $0x4000  }
0x19a: {  	[sflag:s9] =	ssyncset.done $0x0  }
0x19b: {  	s1 =	simm.s32 $0x600;
	[sflag:s9] =	ssyncadd.s32 $0xFFFFC000  }
0x19c: {  	[tilespmem:s16], [sflag:$0x1] =	stream.indirect.gather [hbm4b:s2+s15], $0x80, s1, s15, $0xb8;
	[tilespmem:$0x1E000] =	vst v63  }
0x19d: {  	_ =	swait.ge [sflag:s20], $0x4000  }
0x19e: {  	[sflag:s20] =	ssyncset.done $0x0  }
0x19f: {  	s1 =	simm.s32 $0xD80;
	[sflag:s20] =	ssyncadd.s32 $0xFFFFC000  }
0x1a0: {  	[spmem:s3] =	stream.indirect.scatter.add.f32 [tilespmem:s17], [sflag:$0x5], $0x80, s1, s15, $0xb8;
	[tilespmem:$0x1E000] =	vst v63  }
0x1a1: {  	_ =	swait.ge [sflag:s9], $0x4000  }
0x1a2: {  	[sflag:s9] =	ssyncset.done $0x0  }
0x1a3: {  	s1 =	simm.s32 $0x680;
	[sflag:s9] =	ssyncadd.s32 $0xFFFFC000  }
0x1a4: {  	[tilespmem:s17], [sflag:$0x2] =	stream.indirect.gather [hbm4b:s2+s15], $0x80, s1, s15, $0xb8;
	[tilespmem:$0x1E000] =	vst v63  }
0x1a5: {  	_ =	swait.ge [sflag:s18], $0x4000  }
0x1a6: {  	[sflag:s18] =	ssyncset.done $0x0  }
0x1a7: {  	s1 =	simm.s32 $0xE00;
	[sflag:s18] =	ssyncadd.s32 $0xFFFFC000  }
0x1a8: {  	[spmem:s3] =	stream.indirect.scatter.add.f32 [tilespmem:s16], [sflag:$0x5], $0x80, s1, s15, $0xb8;
	[tilespmem:$0x1E000] =	vst v63  }
0x1a9: {  	_ =	swait.ge [sflag:s9], $0x4000  }
0x1aa: {  	[sflag:s9] =	ssyncset.done $0x0  }
0x1ab: {  	s1 =	simm.s32 $0x700;
	[sflag:s9] =	ssyncadd.s32 $0xFFFFC000  }
0x1ac: {  	[tilespmem:s16], [sflag:$0x1] =	stream.indirect.gather [hbm4b:s2+s15], $0x80, s1, s15, $0xb8;
	[tilespmem:$0x1E000] =	vst v63  }
0x1ad: {  	_ =	swait.ge [sflag:s20], $0x4000  }
0x1ae: {  	[sflag:s20] =	ssyncset.done $0x0  }
0x1af: {  	s1 =	simm.s32 $0xE80;
	[sflag:s20] =	ssyncadd.s32 $0xFFFFC000  }
0x1b0: {  	[spmem:s3] =	stream.indirect.scatter.add.f32 [tilespmem:s17], [sflag:$0x5], $0x80, s1, s15, $0xb8;
	[tilespmem:$0x1E000] =	vst v63  }
0x1b1: {  	_ =	swait.ge [sflag:s9], $0x4000  }
0x1b2: {  	[sflag:s9] =	ssyncset.done $0x0  }
0x1b3: {  	s1 =	simm.s32 $0x780;
	[sflag:s9] =	ssyncadd.s32 $0xFFFFC000  }
0x1b4: {  	[tilespmem:s17], [sflag:$0x2] =	stream.indirect.gather [hbm4b:s2+s15], $0x80, s1, s15, $0xb8;
	[tilespmem:$0x1E000] =	vst v63  }
0x1b5: {  	_ =	swait.ge [sflag:s18], $0x4000  }
0x1b6: {  	[sflag:s18] =	ssyncset.done $0x0  }
0x1b7: {  	s1 =	simm.s32 $0xF00;
	[sflag:s18] =	ssyncadd.s32 $0xFFFFC000  }
0x1b8: {  	[spmem:s3] =	stream.indirect.scatter.add.f32 [tilespmem:s16], [sflag:$0x5], $0x80, s1, s15, $0xb8;
	[tilespmem:$0x1E000] =	vst v63  }
0x1b9: {  	_ =	swait.ge [sflag:s9], $0x4000  }
0x1ba: {  	[sflag:s9] =	ssyncset.done $0x0  }
0x1bb: {  	[sflag:s9] =	ssyncadd.s32 $0xFFFFC000  }
0x1bc: {  	_ =	swait.ge [sflag:s20], $0x4000  }
0x1bd: {  	[sflag:s20] =	ssyncset.done $0x0  }
0x1be: {  	s1 =	simm.s32 $0xF80;
	[sflag:s20] =	ssyncadd.s32 $0xFFFFC000  }
0x1bf: {  	[spmem:s3] =	stream.indirect.scatter.add.f32 [tilespmem:s17], [sflag:$0x5], $0x80, s1, s15, $0xb8;
	[tilespmem:$0x1E000] =	vst v63  }
0x1c0: {  	_ =	swait.ge [sflag:s9], $0x4000  }
0x1c1: {  	[sflag:s9] =	ssyncset.done $0x0  }
0x1c2: {  	[sflag:s9] =	ssyncadd.s32 $0xFFFFC000  }
0x1c3: {  	_ =	swait.ge [sflag:s23], $0x800  }
0x1c4: {  	[sflag:s23] =	ssyncset.done $0x0  }
0x1c5: {  	[sflag:s23] =	ssyncadd.s32 $0xFFFFF800  }
0x1c6: {  	_ =	swait.ge [sflag:s23], $0x800  }
0x1c7: {  	s1 =	rddreg [dreg:$0xc]  }
0x1c8: {  	[sflag:s23] =	ssyncset.done $0x0;
	[dreg:$0x16] =	wrdreg s1  }
0x1c9: {  	[sflag:s23] =	ssyncadd.s32 $0xFFFFF800;
	s1 =	rddreg [dreg:$0x16]  }
0x1ca: {  	[tilespmem:s11], [sflag:$0x3] =	stream.linear.gather [hbm4b:s1+s11], $0x800, $0x38;
	[tilespmem:$0x1E000] =	vst v63  }
0x1cb: {  	s24 =	rddreg [dreg:$0xd]  }
0x1cc: {  	[tilespmem:s14], [sflag:$0x3] =	stream.linear.gather [hbm4b:s24+s11], $0x800, $0x38;
	[tilespmem:$0x1E000] =	vst v63  }
0x1cd: {  	s5 =	simm.s32 $0x1000  }
0x1ce: {  	[tilespmem:s16], [sflag:$0x1] =	stream.indirect.gather [hbm4b:s2+s15], $0x80, s5, s15, $0xb8;
	[tilespmem:$0x1E000] =	vst v63  }
0x1cf: {  	s1 =	simm.s32 $0x1080  }
0x1d0: {  	[tilespmem:s17], [sflag:$0x2] =	stream.indirect.gather [hbm4b:s2+s15], $0x80, s1, s15, $0xb8;
	[tilespmem:$0x1E000] =	vst v63  }
0x1d1: {  	_ =	swait.ge [sflag:s18], $0x4000  }
0x1d2: {  	[sflag:s18] =	ssyncset.done $0x0  }
0x1d3: {  	s0 =	simm.s32 $0x1800;
	[sflag:s18] =	ssyncadd.s32 $0xFFFFC000  }
0x1d4: {  	[spmem:s3] =	stream.indirect.scatter.add.f32 [tilespmem:s16], [sflag:$0x5], $0x80, s0, s15, $0xb8;
	[tilespmem:$0x1E000] =	vst v63  }
0x1d5: {  	_ =	swait.ge [sflag:s9], $0x4000  }
0x1d6: {  	[sflag:s9] =	ssyncset.done $0x0  }
0x1d7: {  	s24 =	simm.s32 $0x1100;
	[sflag:s9] =	ssyncadd.s32 $0xFFFFC000  }
0x1d8: {  	[tilespmem:s16], [sflag:$0x1] =	stream.indirect.gather [hbm4b:s2+s15], $0x80, s24, s15, $0xb8;
	[tilespmem:$0x1E000] =	vst v63  }
0x1d9: {  	_ =	swait.ge [sflag:s20], $0x4000  }
0x1da: {  	[sflag:s20] =	ssyncset.done $0x0  }
0x1db: {  	s1 =	simm.s32 $0x1880;
	[sflag:s20] =	ssyncadd.s32 $0xFFFFC000  }
0x1dc: {  	[spmem:s3] =	stream.indirect.scatter.add.f32 [tilespmem:s17], [sflag:$0x5], $0x80, s1, s15, $0xb8;
	[tilespmem:$0x1E000] =	vst v63  }
0x1dd: {  	_ =	swait.ge [sflag:s9], $0x4000  }
0x1de: {  	[sflag:s9] =	ssyncset.done $0x0  }
0x1df: {  	s5 =	simm.s32 $0x1180;
	[sflag:s9] =	ssyncadd.s32 $0xFFFFC000  }
0x1e0: {  	[tilespmem:s17], [sflag:$0x2] =	stream.indirect.gather [hbm4b:s2+s15], $0x80, s5, s15, $0xb8;
	[tilespmem:$0x1E000] =	vst v63  }
0x1e1: {  	_ =	swait.ge [sflag:s18], $0x4000  }
0x1e2: {  	[sflag:s18] =	ssyncset.done $0x0  }
0x1e3: {  	s24 =	simm.s32 $0x1900;
	[sflag:s18] =	ssyncadd.s32 $0xFFFFC000  }
0x1e4: {  	[spmem:s3] =	stream.indirect.scatter.add.f32 [tilespmem:s16], [sflag:$0x5], $0x80, s24, s15, $0xb8;
	[tilespmem:$0x1E000] =	vst v63  }
0x1e5: {  	_ =	swait.ge [sflag:s9], $0x4000  }
0x1e6: {  	[sflag:s9] =	ssyncset.done $0x0  }
0x1e7: {  	s1 =	simm.s32 $0x1200;
	[sflag:s9] =	ssyncadd.s32 $0xFFFFC000  }
0x1e8: {  	[tilespmem:s16], [sflag:$0x1] =	stream.indirect.gather [hbm4b:s2+s15], $0x80, s1, s15, $0xb8;
	[tilespmem:$0x1E000] =	vst v63  }
0x1e9: {  	_ =	swait.ge [sflag:s20], $0x4000  }
0x1ea: {  	[sflag:s20] =	ssyncset.done $0x0  }
0x1eb: {  	s5 =	simm.s32 $0x1980;
	[sflag:s20] =	ssyncadd.s32 $0xFFFFC000  }
0x1ec: {  	[spmem:s3] =	stream.indirect.scatter.add.f32 [tilespmem:s17], [sflag:$0x5], $0x80, s5, s15, $0xb8;
	[tilespmem:$0x1E000] =	vst v63  }
0x1ed: {  	_ =	swait.ge [sflag:s9], $0x4000  }
0x1ee: {  	[sflag:s9] =	ssyncset.done $0x0  }
0x1ef: {  	s24 =	simm.s32 $0x1280;
	[sflag:s9] =	ssyncadd.s32 $0xFFFFC000  }
0x1f0: {  	[tilespmem:s17], [sflag:$0x2] =	stream.indirect.gather [hbm4b:s2+s15], $0x80, s24, s15, $0xb8;
	[tilespmem:$0x1E000] =	vst v63  }
0x1f1: {  	_ =	swait.ge [sflag:s18], $0x4000  }
0x1f2: {  	[sflag:s18] =	ssyncset.done $0x0  }
0x1f3: {  	s1 =	simm.s32 $0x1A00;
	[sflag:s18] =	ssyncadd.s32 $0xFFFFC000  }
0x1f4: {  	[spmem:s3] =	stream.indirect.scatter.add.f32 [tilespmem:s16], [sflag:$0x5], $0x80, s1, s15, $0xb8;
	[tilespmem:$0x1E000] =	vst v63  }
0x1f5: {  	_ =	swait.ge [sflag:s9], $0x4000  }
0x1f6: {  	[sflag:s9] =	ssyncset.done $0x0  }
0x1f7: {  	s5 =	simm.s32 $0x1300;
	[sflag:s9] =	ssyncadd.s32 $0xFFFFC000  }
0x1f8: {  	[tilespmem:s16], [sflag:$0x1] =	stream.indirect.gather [hbm4b:s2+s15], $0x80, s5, s15, $0xb8;
	[tilespmem:$0x1E000] =	vst v63  }
0x1f9: {  	_ =	swait.ge [sflag:s20], $0x4000  }
0x1fa: {  	[sflag:s20] =	ssyncset.done $0x0  }
0x1fb: {  	s24 =	simm.s32 $0x1A80;
	[sflag:s20] =	ssyncadd.s32 $0xFFFFC000  }
0x1fc: {  	[spmem:s3] =	stream.indirect.scatter.add.f32 [tilespmem:s17], [sflag:$0x5], $0x80, s24, s15, $0xb8;
	[tilespmem:$0x1E000] =	vst v63  }
0x1fd: {  	_ =	swait.ge [sflag:s9], $0x4000  }
0x1fe: {  	[sflag:s9] =	ssyncset.done $0x0  }
0x1ff: {  	s1 =	simm.s32 $0x1380;
	[sflag:s9] =	ssyncadd.s32 $0xFFFFC000  }
0x200: {  	[tilespmem:s17], [sflag:$0x2] =	stream.indirect.gather [hbm4b:s2+s15], $0x80, s1, s15, $0xb8;
	[tilespmem:$0x1E000] =	vst v63  }
0x201: {  	_ =	swait.ge [sflag:s18], $0x4000  }
0x202: {  	[sflag:s18] =	ssyncset.done $0x0  }
0x203: {  	s5 =	simm.s32 $0x1B00;
	[sflag:s18] =	ssyncadd.s32 $0xFFFFC000  }
0x204: {  	[spmem:s3] =	stream.indirect.scatter.add.f32 [tilespmem:s16], [sflag:$0x5], $0x80, s5, s15, $0xb8;
	[tilespmem:$0x1E000] =	vst v63  }
0x205: {  	_ =	swait.ge [sflag:s9], $0x4000  }
0x206: {  	[sflag:s9] =	ssyncset.done $0x0  }
0x207: {  	s24 =	simm.s32 $0x1400;
	[sflag:s9] =	ssyncadd.s32 $0xFFFFC000  }
0x208: {  	[tilespmem:s16], [sflag:$0x1] =	stream.indirect.gather [hbm4b:s2+s15], $0x80, s24, s15, $0xb8;
	[tilespmem:$0x1E000] =	vst v63  }
0x209: {  	_ =	swait.ge [sflag:s20], $0x4000  }
0x20a: {  	[sflag:s20] =	ssyncset.done $0x0  }
0x20b: {  	s1 =	simm.s32 $0x1B80;
	[sflag:s20] =	ssyncadd.s32 $0xFFFFC000  }
0x20c: {  	[spmem:s3] =	stream.indirect.scatter.add.f32 [tilespmem:s17], [sflag:$0x5], $0x80, s1, s15, $0xb8;
	[tilespmem:$0x1E000] =	vst v63  }
0x20d: {  	_ =	swait.ge [sflag:s9], $0x4000  }
0x20e: {  	[sflag:s9] =	ssyncset.done $0x0  }
0x20f: {  	s5 =	simm.s32 $0x1480;
	[sflag:s9] =	ssyncadd.s32 $0xFFFFC000  }
0x210: {  	[tilespmem:s17], [sflag:$0x2] =	stream.indirect.gather [hbm4b:s2+s15], $0x80, s5, s15, $0xb8;
	[tilespmem:$0x1E000] =	vst v63  }
0x211: {  	_ =	swait.ge [sflag:s18], $0x4000  }
0x212: {  	[sflag:s18] =	ssyncset.done $0x0  }
0x213: {  	s24 =	simm.s32 $0x1C00;
	[sflag:s18] =	ssyncadd.s32 $0xFFFFC000  }
0x214: {  	[spmem:s3] =	stream.indirect.scatter.add.f32 [tilespmem:s16], [sflag:$0x5], $0x80, s24, s15, $0xb8;
	[tilespmem:$0x1E000] =	vst v63  }
0x215: {  	_ =	swait.ge [sflag:s9], $0x4000  }
0x216: {  	[sflag:s9] =	ssyncset.done $0x0  }
0x217: {  	s1 =	simm.s32 $0x1500;
	[sflag:s9] =	ssyncadd.s32 $0xFFFFC000  }
0x218: {  	[tilespmem:s16], [sflag:$0x1] =	stream.indirect.gather [hbm4b:s2+s15], $0x80, s1, s15, $0xb8;
	[tilespmem:$0x1E000] =	vst v63  }
0x219: {  	_ =	swait.ge [sflag:s20], $0x4000  }
0x21a: {  	[sflag:s20] =	ssyncset.done $0x0  }
0x21b: {  	s5 =	simm.s32 $0x1C80;
	[sflag:s20] =	ssyncadd.s32 $0xFFFFC000  }
0x21c: {  	[spmem:s3] =	stream.indirect.scatter.add.f32 [tilespmem:s17], [sflag:$0x5], $0x80, s5, s15, $0xb8;
	[tilespmem:$0x1E000] =	vst v63  }
0x21d: {  	_ =	swait.ge [sflag:s9], $0x4000  }
0x21e: {  	[sflag:s9] =	ssyncset.done $0x0  }
0x21f: {  	s24 =	simm.s32 $0x1580;
	[sflag:s9] =	ssyncadd.s32 $0xFFFFC000  }
0x220: {  	[tilespmem:s17], [sflag:$0x2] =	stream.indirect.gather [hbm4b:s2+s15], $0x80, s24, s15, $0xb8;
	[tilespmem:$0x1E000] =	vst v63  }
0x221: {  	_ =	swait.ge [sflag:s18], $0x4000  }
0x222: {  	[sflag:s18] =	ssyncset.done $0x0  }
0x223: {  	s1 =	simm.s32 $0x1D00;
	[sflag:s18] =	ssyncadd.s32 $0xFFFFC000  }
0x224: {  	[spmem:s3] =	stream.indirect.scatter.add.f32 [tilespmem:s16], [sflag:$0x5], $0x80, s1, s15, $0xb8;
	[tilespmem:$0x1E000] =	vst v63  }
0x225: {  	_ =	swait.ge [sflag:s9], $0x4000  }
0x226: {  	[sflag:s9] =	ssyncset.done $0x0  }
0x227: {  	s5 =	simm.s32 $0x1600;
	[sflag:s9] =	ssyncadd.s32 $0xFFFFC000  }
0x228: {  	[tilespmem:s16], [sflag:$0x1] =	stream.indirect.gather [hbm4b:s2+s15], $0x80, s5, s15, $0xb8;
	[tilespmem:$0x1E000] =	vst v63  }
0x229: {  	_ =	swait.ge [sflag:s20], $0x4000  }
0x22a: {  	[sflag:s20] =	ssyncset.done $0x0  }
0x22b: {  	s24 =	simm.s32 $0x1D80;
	[sflag:s20] =	ssyncadd.s32 $0xFFFFC000  }
0x22c: {  	[spmem:s3] =	stream.indirect.scatter.add.f32 [tilespmem:s17], [sflag:$0x5], $0x80, s24, s15, $0xb8;
	[tilespmem:$0x1E000] =	vst v63  }
0x22d: {  	_ =	swait.ge [sflag:s9], $0x4000  }
0x22e: {  	[sflag:s9] =	ssyncset.done $0x0  }
0x22f: {  	s1 =	simm.s32 $0x1680;
	[sflag:s9] =	ssyncadd.s32 $0xFFFFC000  }
0x230: {  	[tilespmem:s17], [sflag:$0x2] =	stream.indirect.gather [hbm4b:s2+s15], $0x80, s1, s15, $0xb8;
	[tilespmem:$0x1E000] =	vst v63  }
0x231: {  	_ =	swait.ge [sflag:s18], $0x4000  }
0x232: {  	[sflag:s18] =	ssyncset.done $0x0  }
0x233: {  	s5 =	simm.s32 $0x1E00;
	[sflag:s18] =	ssyncadd.s32 $0xFFFFC000  }
0x234: {  	[spmem:s3] =	stream.indirect.scatter.add.f32 [tilespmem:s16], [sflag:$0x5], $0x80, s5, s15, $0xb8;
	[tilespmem:$0x1E000] =	vst v63  }
0x235: {  	_ =	swait.ge [sflag:s9], $0x4000  }
0x236: {  	[sflag:s9] =	ssyncset.done $0x0  }
0x237: {  	s24 =	simm.s32 $0x1700;
	[sflag:s9] =	ssyncadd.s32 $0xFFFFC000  }
0x238: {  	[tilespmem:s16], [sflag:$0x1] =	stream.indirect.gather [hbm4b:s2+s15], $0x80, s24, s15, $0xb8;
	[tilespmem:$0x1E000] =	vst v63  }
0x239: {  	_ =	swait.ge [sflag:s20], $0x4000  }
0x23a: {  	[sflag:s20] =	ssyncset.done $0x0  }
0x23b: {  	s1 =	simm.s32 $0x1E80;
	[sflag:s20] =	ssyncadd.s32 $0xFFFFC000  }
0x23c: {  	[spmem:s3] =	stream.indirect.scatter.add.f32 [tilespmem:s17], [sflag:$0x5], $0x80, s1, s15, $0xb8;
	[tilespmem:$0x1E000] =	vst v63  }
0x23d: {  	_ =	swait.ge [sflag:s9], $0x4000  }
0x23e: {  	[sflag:s9] =	ssyncset.done $0x0  }
0x23f: {  	s5 =	simm.s32 $0x1780;
	[sflag:s9] =	ssyncadd.s32 $0xFFFFC000  }
0x240: {  	[tilespmem:s17], [sflag:$0x2] =	stream.indirect.gather [hbm4b:s2+s15], $0x80, s5, s15, $0xb8;
	[tilespmem:$0x1E000] =	vst v63  }
0x241: {  	_ =	swait.ge [sflag:s18], $0x4000  }
0x242: {  	[sflag:s18] =	ssyncset.done $0x0  }
0x243: {  	s24 =	simm.s32 $0x1F00;
	[sflag:s18] =	ssyncadd.s32 $0xFFFFC000  }
0x244: {  	[spmem:s3] =	stream.indirect.scatter.add.f32 [tilespmem:s16], [sflag:$0x5], $0x80, s24, s15, $0xb8;
	[tilespmem:$0x1E000] =	vst v63  }
0x245: {  	_ =	swait.ge [sflag:s9], $0x4000  }
0x246: {  	[sflag:s9] =	ssyncset.done $0x0  }
0x247: {  	[sflag:s9] =	ssyncadd.s32 $0xFFFFC000  }
0x248: {  	_ =	swait.ge [sflag:s20], $0x4000  }
0x249: {  	[sflag:s20] =	ssyncset.done $0x0  }
0x24a: {  	s1 =	simm.s32 $0x1F80;
	[sflag:s20] =	ssyncadd.s32 $0xFFFFC000  }
0x24b: {  	[spmem:s3] =	stream.indirect.scatter.add.f32 [tilespmem:s17], [sflag:$0x5], $0x80, s1, s15, $0xb8;
	[tilespmem:$0x1E000] =	vst v63  }
0x24c: {  	_ =	swait.ge [sflag:s9], $0x4000  }
0x24d: {  	[sflag:s9] =	ssyncset.done $0x0  }
0x24e: {  	[sflag:s9] =	ssyncadd.s32 $0xFFFFC000  }
0x24f: {  	_ =	swait.ge [sflag:s12], $0x800  }
0x250: {  	[sflag:s12] =	ssyncset.done $0x0  }
0x251: {  	[sflag:s12] =	ssyncadd.s32 $0xFFFFF800  }
0x252: {  	_ =	swait.ge [sflag:s12], $0x800  }
0x253: {  	[sflag:s12] =	ssyncset.done $0x0  }
0x254: {  	[sflag:s12] =	ssyncadd.s32 $0xFFFFF800  }
0x255: {  	[tilespmem:s16], [sflag:$0x1] =	stream.indirect.gather [hbm4b:s2+s15], $0x80, s11, s15, $0xb8;
	[tilespmem:$0x1E000] =	vst v63  }
0x256: {  	_ = 	snop  }
0x257: {  	[tilespmem:s17], [sflag:$0x2] =	stream.indirect.gather [hbm4b:s2+s15], $0x80, s15, s15, $0xb8;
	[tilespmem:$0x1E000] =	vst v63  }
0x258: {  	_ =	swait.ge [sflag:s18], $0x4000  }
0x259: {  	[sflag:s18] =	ssyncset.done $0x0  }
0x25a: {  	[sflag:s18] =	ssyncadd.s32 $0xFFFFC000  }
0x25b: {  	[spmem:s3] =	stream.indirect.scatter.add.f32 [tilespmem:s16], [sflag:$0x5], $0x80, s14, s15, $0xb8;
	[tilespmem:$0x1E000] =	vst v63  }
0x25c: {  	_ =	swait.ge [sflag:s9], $0x4000  }
0x25d: {  	[sflag:s9] =	ssyncset.done $0x0  }
0x25e: {  	s5 =	simm.s32 $0x100;
	[sflag:s9] =	ssyncadd.s32 $0xFFFFC000  }
0x25f: {  	[tilespmem:s16], [sflag:$0x1] =	stream.indirect.gather [hbm4b:s2+s15], $0x80, s5, s15, $0xb8;
	[tilespmem:$0x1E000] =	vst v63  }
0x260: {  	_ =	swait.ge [sflag:s20], $0x4000  }
0x261: {  	[sflag:s20] =	ssyncset.done $0x0  }
0x262: {  	s14 =	simm.s32 $0x880;
	[sflag:s20] =	ssyncadd.s32 $0xFFFFC000  }
0x263: {  	[spmem:s3] =	stream.indirect.scatter.add.f32 [tilespmem:s17], [sflag:$0x5], $0x80, s14, s15, $0xb8;
	[tilespmem:$0x1E000] =	vst v63  }
0x264: {  	_ =	swait.ge [sflag:s9], $0x4000  }
0x265: {  	[sflag:s9] =	ssyncset.done $0x0  }
0x266: {  	s24 =	simm.s32 $0x180;
	[sflag:s9] =	ssyncadd.s32 $0xFFFFC000  }
0x267: {  	[tilespmem:s17], [sflag:$0x2] =	stream.indirect.gather [hbm4b:s2+s15], $0x80, s24, s15, $0xb8;
	[tilespmem:$0x1E000] =	vst v63  }
0x268: {  	_ =	swait.ge [sflag:s18], $0x4000  }
0x269: {  	[sflag:s18] =	ssyncset.done $0x0  }
0x26a: {  	[sflag:s18] =	ssyncadd.s32 $0xFFFFC000  }
0x26b: {  	[spmem:s3] =	stream.indirect.scatter.add.f32 [tilespmem:s16], [sflag:$0x5], $0x80, s7, s15, $0xb8;
	[tilespmem:$0x1E000] =	vst v63  }
0x26c: {  	_ =	swait.ge [sflag:s9], $0x4000  }
0x26d: {  	[sflag:s9] =	ssyncset.done $0x0  }
0x26e: {  	[sflag:s9] =	ssyncadd.s32 $0xFFFFC000  }
0x26f: {  	[tilespmem:s16], [sflag:$0x1] =	stream.indirect.gather [hbm4b:s2+s15], $0x80, s8, s15, $0xb8;
	[tilespmem:$0x1E000] =	vst v63  }
0x270: {  	_ =	swait.ge [sflag:s20], $0x4000  }
0x271: {  	[sflag:s20] =	ssyncset.done $0x0  }
0x272: {  	[sflag:s20] =	ssyncadd.s32 $0xFFFFC000  }
0x273: {  	[spmem:s3] =	stream.indirect.scatter.add.f32 [tilespmem:s17], [sflag:$0x5], $0x80, s13, s15, $0xb8;
	[tilespmem:$0x1E000] =	vst v63  }
0x274: {  	_ =	swait.ge [sflag:s9], $0x4000  }
0x275: {  	[sflag:s9] =	ssyncset.done $0x0  }
0x276: {  	[sflag:s9] =	ssyncadd.s32 $0xFFFFC000  }
0x277: {  	[tilespmem:s17], [sflag:$0x2] =	stream.indirect.gather [hbm4b:s2+s15], $0x80, s19, s15, $0xb8;
	[tilespmem:$0x1E000] =	vst v63  }
0x278: {  	_ =	swait.ge [sflag:s18], $0x4000  }
0x279: {  	[sflag:s18] =	ssyncset.done $0x0  }
0x27a: {  	[sflag:s18] =	ssyncadd.s32 $0xFFFFC000  }
0x27b: {  	[spmem:s3] =	stream.indirect.scatter.add.f32 [tilespmem:s16], [sflag:$0x5], $0x80, s21, s15, $0xb8;
	[tilespmem:$0x1E000] =	vst v63  }
0x27c: {  	_ =	swait.ge [sflag:s9], $0x4000  }
0x27d: {  	[sflag:s9] =	ssyncset.done $0x0  }
0x27e: {  	[sflag:s9] =	ssyncadd.s32 $0xFFFFC000  }
0x27f: {  	[tilespmem:s16], [sflag:$0x1] =	stream.indirect.gather [hbm4b:s2+s15], $0x80, s22, s15, $0xb8;
	[tilespmem:$0x1E000] =	vst v63  }
0x280: {  	_ =	swait.ge [sflag:s20], $0x4000  }
0x281: {  	[sflag:s20] =	ssyncset.done $0x0  }
0x282: {  	[sflag:s20] =	ssyncadd.s32 $0xFFFFC000  }
0x283: {  	[spmem:s3] =	stream.indirect.scatter.add.f32 [tilespmem:s17], [sflag:$0x5], $0x80, s25, s15, $0xb8;
	[tilespmem:$0x1E000] =	vst v63  }
0x284: {  	_ =	swait.ge [sflag:s9], $0x4000  }
0x285: {  	[sflag:s9] =	ssyncset.done $0x0  }
0x286: {  	[sflag:s9] =	ssyncadd.s32 $0xFFFFC000  }
0x287: {  	[tilespmem:s17], [sflag:$0x2] =	stream.indirect.gather [hbm4b:s2+s15], $0x80, s26, s15, $0xb8;
	[tilespmem:$0x1E000] =	vst v63  }
0x288: {  	_ =	swait.ge [sflag:s18], $0x4000  }
0x289: {  	[sflag:s18] =	ssyncset.done $0x0  }
0x28a: {  	[sflag:s18] =	ssyncadd.s32 $0xFFFFC000  }
0x28b: {  	[spmem:s3] =	stream.indirect.scatter.add.f32 [tilespmem:s16], [sflag:$0x5], $0x80, s28, s15, $0xb8;
	[tilespmem:$0x1E000] =	vst v63  }
0x28c: {  	_ =	swait.ge [sflag:s9], $0x4000  }
0x28d: {  	[sflag:s9] =	ssyncset.done $0x0  }
0x28e: {  	[sflag:s9] =	ssyncadd.s32 $0xFFFFC000  }
0x28f: {  	[tilespmem:s16], [sflag:$0x1] =	stream.indirect.gather [hbm4b:s2+s15], $0x80, s30, s15, $0xb8;
	[tilespmem:$0x1E000] =	vst v63  }
0x290: {  	_ =	swait.ge [sflag:s20], $0x4000  }
0x291: {  	[sflag:s20] =	ssyncset.done $0x0  }
0x292: {  	[sflag:s20] =	ssyncadd.s32 $0xFFFFC000  }
0x293: {  	[spmem:s3] =	stream.indirect.scatter.add.f32 [tilespmem:s17], [sflag:$0x5], $0x80, s31, s15, $0xb8;
	[tilespmem:$0x1E000] =	vst v63  }
0x294: {  	_ =	swait.ge [sflag:s9], $0x4000  }
0x295: {  	[sflag:s9] =	ssyncset.done $0x0  }
0x296: {  	s28 =	simm.s32 $0x480;
	[sflag:s9] =	ssyncadd.s32 $0xFFFFC000  }
0x297: {  	[tilespmem:s17], [sflag:$0x2] =	stream.indirect.gather [hbm4b:s2+s15], $0x80, s28, s15, $0xb8;
	[tilespmem:$0x1E000] =	vst v63  }
0x298: {  	_ =	swait.ge [sflag:s18], $0x4000  }
0x299: {  	[sflag:s18] =	ssyncset.done $0x0  }
0x29a: {  	s30 =	simm.s32 $0xC00;
	[sflag:s18] =	ssyncadd.s32 $0xFFFFC000  }
0x29b: {  	[spmem:s3] =	stream.indirect.scatter.add.f32 [tilespmem:s16], [sflag:$0x5], $0x80, s30, s15, $0xb8;
	[tilespmem:$0x1E000] =	vst v63  }
0x29c: {  	_ =	swait.ge [sflag:s9], $0x4000  }
0x29d: {  	[sflag:s9] =	ssyncset.done $0x0  }
0x29e: {  	s31 =	simm.s32 $0x500;
	[sflag:s9] =	ssyncadd.s32 $0xFFFFC000  }
0x29f: {  	[tilespmem:s16], [sflag:$0x1] =	stream.indirect.gather [hbm4b:s2+s15], $0x80, s31, s15, $0xb8;
	[tilespmem:$0x1E000] =	vst v63  }
0x2a0: {  	_ =	swait.ge [sflag:s20], $0x4000  }
0x2a1: {  	[sflag:s20] =	ssyncset.done $0x0  }
0x2a2: {  	s1 =	simm.s32 $0xC80;
	[sflag:s20] =	ssyncadd.s32 $0xFFFFC000  }
0x2a3: {  	[spmem:s3] =	stream.indirect.scatter.add.f32 [tilespmem:s17], [sflag:$0x5], $0x80, s1, s15, $0xb8;
	[tilespmem:$0x1E000] =	vst v63  }
0x2a4: {  	_ =	swait.ge [sflag:s9], $0x4000  }
0x2a5: {  	[sflag:s9] =	ssyncset.done $0x0  }
0x2a6: {  	s5 =	simm.s32 $0x580;
	[sflag:s9] =	ssyncadd.s32 $0xFFFFC000  }
0x2a7: {  	[tilespmem:s17], [sflag:$0x2] =	stream.indirect.gather [hbm4b:s2+s15], $0x80, s5, s15, $0xb8;
	[tilespmem:$0x1E000] =	vst v63  }
0x2a8: {  	_ =	swait.ge [sflag:s18], $0x4000  }
0x2a9: {  	[sflag:s18] =	ssyncset.done $0x0  }
0x2aa: {  	s7 =	simm.s32 $0xD00;
	[sflag:s18] =	ssyncadd.s32 $0xFFFFC000  }
0x2ab: {  	[spmem:s3] =	stream.indirect.scatter.add.f32 [tilespmem:s16], [sflag:$0x5], $0x80, s7, s15, $0xb8;
	[tilespmem:$0x1E000] =	vst v63  }
0x2ac: {  	_ =	swait.ge [sflag:s9], $0x4000  }
0x2ad: {  	[sflag:s9] =	ssyncset.done $0x0  }
0x2ae: {  	s8 =	simm.s32 $0x600;
	[sflag:s9] =	ssyncadd.s32 $0xFFFFC000  }
0x2af: {  	[tilespmem:s16], [sflag:$0x1] =	stream.indirect.gather [hbm4b:s2+s15], $0x80, s8, s15, $0xb8;
	[tilespmem:$0x1E000] =	vst v63  }
0x2b0: {  	_ =	swait.ge [sflag:s20], $0x4000  }
0x2b1: {  	[sflag:s20] =	ssyncset.done $0x0  }
0x2b2: {  	s13 =	simm.s32 $0xD80;
	[sflag:s20] =	ssyncadd.s32 $0xFFFFC000  }
0x2b3: {  	[spmem:s3] =	stream.indirect.scatter.add.f32 [tilespmem:s17], [sflag:$0x5], $0x80, s13, s15, $0xb8;
	[tilespmem:$0x1E000] =	vst v63  }
0x2b4: {  	_ =	swait.ge [sflag:s9], $0x4000  }
0x2b5: {  	[sflag:s9] =	ssyncset.done $0x0  }
0x2b6: {  	s14 =	simm.s32 $0x680;
	[sflag:s9] =	ssyncadd.s32 $0xFFFFC000  }
0x2b7: {  	[tilespmem:s17], [sflag:$0x2] =	stream.indirect.gather [hbm4b:s2+s15], $0x80, s14, s15, $0xb8;
	[tilespmem:$0x1E000] =	vst v63  }
0x2b8: {  	_ =	swait.ge [sflag:s18], $0x4000  }
0x2b9: {  	[sflag:s18] =	ssyncset.done $0x0  }
0x2ba: {  	s19 =	simm.s32 $0xE00;
	[sflag:s18] =	ssyncadd.s32 $0xFFFFC000  }
0x2bb: {  	[spmem:s3] =	stream.indirect.scatter.add.f32 [tilespmem:s16], [sflag:$0x5], $0x80, s19, s15, $0xb8;
	[tilespmem:$0x1E000] =	vst v63  }
0x2bc: {  	_ =	swait.ge [sflag:s9], $0x4000  }
0x2bd: {  	[sflag:s9] =	ssyncset.done $0x0  }
0x2be: {  	s21 =	simm.s32 $0x700;
	[sflag:s9] =	ssyncadd.s32 $0xFFFFC000  }
0x2bf: {  	[tilespmem:s16], [sflag:$0x1] =	stream.indirect.gather [hbm4b:s2+s15], $0x80, s21, s15, $0xb8;
	[tilespmem:$0x1E000] =	vst v63  }
0x2c0: {  	_ =	swait.ge [sflag:s20], $0x4000  }
0x2c1: {  	[sflag:s20] =	ssyncset.done $0x0  }
0x2c2: {  	s22 =	simm.s32 $0xE80;
	[sflag:s20] =	ssyncadd.s32 $0xFFFFC000  }
0x2c3: {  	[spmem:s3] =	stream.indirect.scatter.add.f32 [tilespmem:s17], [sflag:$0x5], $0x80, s22, s15, $0xb8;
	[tilespmem:$0x1E000] =	vst v63  }
0x2c4: {  	_ =	swait.ge [sflag:s9], $0x4000  }
0x2c5: {  	[sflag:s9] =	ssyncset.done $0x0  }
0x2c6: {  	s24 =	simm.s32 $0x780;
	[sflag:s9] =	ssyncadd.s32 $0xFFFFC000  }
0x2c7: {  	[tilespmem:s17], [sflag:$0x2] =	stream.indirect.gather [hbm4b:s2+s15], $0x80, s24, s15, $0xb8;
	[tilespmem:$0x1E000] =	vst v63  }
0x2c8: {  	_ =	swait.ge [sflag:s18], $0x4000  }
0x2c9: {  	[sflag:s18] =	ssyncset.done $0x0  }
0x2ca: {  	s25 =	simm.s32 $0xF00;
	[sflag:s18] =	ssyncadd.s32 $0xFFFFC000  }
0x2cb: {  	[spmem:s3] =	stream.indirect.scatter.add.f32 [tilespmem:s16], [sflag:$0x5], $0x80, s25, s15, $0xb8;
	[tilespmem:$0x1E000] =	vst v63  }
0x2cc: {  	_ =	swait.ge [sflag:s9], $0x4000  }
0x2cd: {  	[sflag:s9] =	ssyncset.done $0x0  }
0x2ce: {  	[sflag:s9] =	ssyncadd.s32 $0xFFFFC000  }
0x2cf: {  	_ =	swait.ge [sflag:s20], $0x4000  }
0x2d0: {  	[sflag:s20] =	ssyncset.done $0x0  }
0x2d1: {  	s26 =	simm.s32 $0xF80;
	[sflag:s20] =	ssyncadd.s32 $0xFFFFC000  }
0x2d2: {  	[spmem:s3] =	stream.indirect.scatter.add.f32 [tilespmem:s17], [sflag:$0x5], $0x80, s26, s15, $0xb8;
	[tilespmem:$0x1E000] =	vst v63  }
0x2d3: {  	_ =	swait.ge [sflag:s9], $0x4000  }
0x2d4: {  	[sflag:s9] =	ssyncset.done $0x0  }
0x2d5: {  	[sflag:s9] =	ssyncadd.s32 $0xFFFFC000  }
0x2d6: {  	[bflag:$0x0] =	sbarrier.arrive $0xFFFF  }
0x2d7: {  	s28 =	rddreg [dreg:$0xe]  }
0x2d8: {  	[dreg:$0x10] =	wrdreg s29  }
0x2d9: {  	[hbm:s28], [sflag:s4] =	dma.local [spmem:s29], $0x2700  }
0x2da: {  	s30 =	rddreg [dreg:$0x14]  }
0x2db: {  	s0 =	ssub.s32 $0x2, s30  }
0x2dc: {  	s31 =	sshrl.u32 s0, $0x1  }
0x2dd: {  	s24 =	ssub.s32 s0, s31  }
0x2de: {  	s24 =	smax.u32 s24, $0x1  }
0x2df: {  	s24 =	sadd.s32 $0xFFFFFFFF, s24  }
0x2e0: {  	_ =	swait.ge [sflag:s9], $0x2700;
	[dreg:$0x11] =	wrdreg s6;
	p1 =	sne.s32 s24, $0x0  }
.Ltmp0:
0x2e1: {  	s0 =	rddreg [dreg:$0x15];
	(pc) =	sbr.rel @!p1 .LBB2_3-.Ltmp0, $4  }
0x2e2: {  	[dreg:$0x12] =	wrdreg s4;
	[sflag:s9] =	ssyncset.done $0x0;
	s0 =	sadd.s32 @!p0 $0x27000, s0  }
0x2e3: {  	[sflag:s9] =	ssyncadd.s32 $0xFFFFD900;
	[dreg:$0x13] =	wrdreg s0  }
0x2e4: {  	[hbm:s0], [sflag:s4] =	dma.local @!p0 [spmem:s6], $0x100  }
0x2e5: {  	_ =	swait.ge @!p0 [sflag:s10], $0x100  }
0x2e6: {  	s7 =	simm.s32 $0x1800;
	s6 =	simm.s32 $0x1180  }
0x2e7: {  	s8 =	simm.s32 $0x1900;
	s19 =	simm.s32 $0x1200;
	s21 =	simm.s32 $0x1980  }
0x2e8: {  	s22 =	simm.s32 $0x1280;
	s28 =	simm.s32 $0x1A00;
	s29 =	simm.s32 $0x1300  }
0x2e9: {  	s30 =	simm.s32 $0x1A80;
	s31 =	simm.s32 $0x1380;
	s13 =	simm.s32 $0x1B00  }
.LBB2_2:
0x2ea: {  	s25 =	rddreg [dreg:$0x4]  }
0x2eb: {  	s26 =	rddreg [dreg:$0x5]  }
0x2ec: {  	[sflag:s10] =	ssyncset.done @!p0 $0x0;
	s0 =	rddreg [dreg:$0xf]  }
0x2ed: {  	s5 =	rddreg [dreg:$0x10];
	[sflag:s10] =	ssyncadd.s32 @!p0 $0xFFFFFF00  }
0x2ee: {  	[tilespmem:s11], [sflag:$0x3] =	stream.linear.gather [hbm4b:s25+s11], $0x800, $0x38;
	[tilespmem:$0x1E000] =	vst v63  }
0x2ef: {  	s4 =	rddreg [dreg:$0x12];
	s10 =	simm.s32 $0x800  }
0x2f0: {  	[tilespmem:s10], [sflag:$0x3] =	stream.linear.gather [hbm4b:s26+s11], $0x800, $0x38;
	[tilespmem:$0x1E000] =	vst v63  }
0x2f1: {  	[spmem:s5], [sflag:s4] =	dma.local [hbm:s0], $0x2700  }
0x2f2: {  	_ =	swait.ge [sflag:s9], $0x2700  }
0x2f3: {  	[sflag:s9] =	ssyncset.done $0x0  }
0x2f4: {  	s1 =	simm.s32 @!p0 $0x5;
	s5 =	rddreg [dreg:$0x11];
	[sflag:s9] =	ssyncadd.s32 $0xFFFFD900  }
0x2f5: {  	[spmem:s5], [sflag:s4] =	dma.local @!p0 [hbm:s0], $0x1000  }
0x2f6: {  	_ =	swait.ge @!p0 [sflag:s1], $0x1000  }
0x2f7: {  	[sflag:s1] =	ssyncset.done @!p0 $0x0  }
0x2f8: {  	[sflag:s1] =	ssyncadd.s32 @!p0 $0xFFFFF000  }
0x2f9: {  	[bflag:$0x0] =	sbarrier.arrive $0xFFFF  }
0x2fa: {  	_ =	swait.ge [sflag:s12], $0x800  }
0x2fb: {  	[sflag:s12] =	ssyncset.done $0x0  }
0x2fc: {  	[sflag:s12] =	ssyncadd.s32 $0xFFFFF800  }
0x2fd: {  	_ =	swait.ge [sflag:s12], $0x800  }
0x2fe: {  	[sflag:s12] =	ssyncset.done $0x0  }
0x2ff: {  	s14 =	simm.s32 $0x1000;
	s1 =	rddreg [dreg:$0x6];
	[sflag:s12] =	ssyncadd.s32 $0xFFFFF800  }
0x300: {  	[tilespmem:s14], [sflag:$0x4] =	stream.linear.gather [hbm4b:s1+s11], $0x800, $0x38;
	[tilespmem:$0x1E000] =	vst v63  }
0x301: {  	s5 =	rddreg [dreg:$0x7]  }
0x302: {  	[tilespmem:s7], [sflag:$0x4] =	stream.linear.gather [hbm4b:s5+s11], $0x800, $0x38;
	[tilespmem:$0x1E000] =	vst v63  }
0x303: {  	_ = 	snop  }
0x304: {  	[tilespmem:s16], [sflag:$0x1] =	stream.indirect.gather [hbm4b:s2+s15], $0x80, s11, s15, $0xb8;
	[tilespmem:$0x1E000] =	vst v63  }
0x305: {  	_ = 	snop  }
0x306: {  	[tilespmem:s17], [sflag:$0x2] =	stream.indirect.gather [hbm4b:s2+s15], $0x80, s15, s15, $0xb8;
	[tilespmem:$0x1E000] =	vst v63  }
0x307: {  	_ =	swait.ge [sflag:s18], $0x4000  }
0x308: {  	[sflag:s18] =	ssyncset.done $0x0  }
0x309: {  	[sflag:s18] =	ssyncadd.s32 $0xFFFFC000  }
0x30a: {  	[spmem:s3] =	stream.indirect.scatter.add.f32 [tilespmem:s16], [sflag:$0x5], $0x80, s10, s15, $0xb8;
	[tilespmem:$0x1E000] =	vst v63  }
0x30b: {  	_ =	swait.ge [sflag:s9], $0x4000  }
0x30c: {  	[sflag:s9] =	ssyncset.done $0x0  }
0x30d: {  	s26 =	simm.s32 $0x100;
	[sflag:s9] =	ssyncadd.s32 $0xFFFFC000  }
0x30e: {  	[tilespmem:s16], [sflag:$0x1] =	stream.indirect.gather [hbm4b:s2+s15], $0x80, s26, s15, $0xb8;
	[tilespmem:$0x1E000] =	vst v63  }
0x30f: {  	_ =	swait.ge [sflag:s20], $0x4000  }
0x310: {  	[sflag:s20] =	ssyncset.done $0x0  }
0x311: {  	s1 =	simm.s32 $0x880;
	[sflag:s20] =	ssyncadd.s32 $0xFFFFC000  }
0x312: {  	[spmem:s3] =	stream.indirect.scatter.add.f32 [tilespmem:s17], [sflag:$0x5], $0x80, s1, s15, $0xb8;
	[tilespmem:$0x1E000] =	vst v63  }
0x313: {  	_ =	swait.ge [sflag:s9], $0x4000  }
0x314: {  	[sflag:s9] =	ssyncset.done $0x0  }
0x315: {  	s5 =	simm.s32 $0x180;
	[sflag:s9] =	ssyncadd.s32 $0xFFFFC000  }
0x316: {  	[tilespmem:s17], [sflag:$0x2] =	stream.indirect.gather [hbm4b:s2+s15], $0x80, s5, s15, $0xb8;
	[tilespmem:$0x1E000] =	vst v63  }
0x317: {  	_ =	swait.ge [sflag:s18], $0x4000  }
0x318: {  	[sflag:s18] =	ssyncset.done $0x0  }
0x319: {  	s25 =	simm.s32 $0x900;
	[sflag:s18] =	ssyncadd.s32 $0xFFFFC000  }
0x31a: {  	[spmem:s3] =	stream.indirect.scatter.add.f32 [tilespmem:s16], [sflag:$0x5], $0x80, s25, s15, $0xb8;
	[tilespmem:$0x1E000] =	vst v63  }
0x31b: {  	_ =	swait.ge [sflag:s9], $0x4000  }
0x31c: {  	[sflag:s9] =	ssyncset.done $0x0  }
0x31d: {  	s26 =	simm.s32 $0x200;
	[sflag:s9] =	ssyncadd.s32 $0xFFFFC000  }
0x31e: {  	[tilespmem:s16], [sflag:$0x1] =	stream.indirect.gather [hbm4b:s2+s15], $0x80, s26, s15, $0xb8;
	[tilespmem:$0x1E000] =	vst v63  }
0x31f: {  	_ =	swait.ge [sflag:s20], $0x4000  }
0x320: {  	[sflag:s20] =	ssyncset.done $0x0  }
0x321: {  	s1 =	simm.s32 $0x980;
	[sflag:s20] =	ssyncadd.s32 $0xFFFFC000  }
0x322: {  	[spmem:s3] =	stream.indirect.scatter.add.f32 [tilespmem:s17], [sflag:$0x5], $0x80, s1, s15, $0xb8;
	[tilespmem:$0x1E000] =	vst v63  }
0x323: {  	_ =	swait.ge [sflag:s9], $0x4000  }
0x324: {  	[sflag:s9] =	ssyncset.done $0x0  }
0x325: {  	s5 =	simm.s32 $0x280;
	[sflag:s9] =	ssyncadd.s32 $0xFFFFC000  }
0x326: {  	[tilespmem:s17], [sflag:$0x2] =	stream.indirect.gather [hbm4b:s2+s15], $0x80, s5, s15, $0xb8;
	[tilespmem:$0x1E000] =	vst v63  }
0x327: {  	_ =	swait.ge [sflag:s18], $0x4000  }
0x328: {  	[sflag:s18] =	ssyncset.done $0x0  }
0x329: {  	s25 =	simm.s32 $0xA00;
	[sflag:s18] =	ssyncadd.s32 $0xFFFFC000  }
0x32a: {  	[spmem:s3] =	stream.indirect.scatter.add.f32 [tilespmem:s16], [sflag:$0x5], $0x80, s25, s15, $0xb8;
	[tilespmem:$0x1E000] =	vst v63  }
0x32b: {  	_ =	swait.ge [sflag:s9], $0x4000  }
0x32c: {  	[sflag:s9] =	ssyncset.done $0x0  }
0x32d: {  	s26 =	simm.s32 $0x300;
	[sflag:s9] =	ssyncadd.s32 $0xFFFFC000  }
0x32e: {  	[tilespmem:s16], [sflag:$0x1] =	stream.indirect.gather [hbm4b:s2+s15], $0x80, s26, s15, $0xb8;
	[tilespmem:$0x1E000] =	vst v63  }
0x32f: {  	_ =	swait.ge [sflag:s20], $0x4000  }
0x330: {  	[sflag:s20] =	ssyncset.done $0x0  }
0x331: {  	s1 =	simm.s32 $0xA80;
	[sflag:s20] =	ssyncadd.s32 $0xFFFFC000  }
0x332: {  	[spmem:s3] =	stream.indirect.scatter.add.f32 [tilespmem:s17], [sflag:$0x5], $0x80, s1, s15, $0xb8;
	[tilespmem:$0x1E000] =	vst v63  }
0x333: {  	_ =	swait.ge [sflag:s9], $0x4000  }
0x334: {  	[sflag:s9] =	ssyncset.done $0x0  }
0x335: {  	s5 =	simm.s32 $0x380;
	[sflag:s9] =	ssyncadd.s32 $0xFFFFC000  }
0x336: {  	[tilespmem:s17], [sflag:$0x2] =	stream.indirect.gather [hbm4b:s2+s15], $0x80, s5, s15, $0xb8;
	[tilespmem:$0x1E000] =	vst v63  }
0x337: {  	_ =	swait.ge [sflag:s18], $0x4000  }
0x338: {  	[sflag:s18] =	ssyncset.done $0x0  }
0x339: {  	s25 =	simm.s32 $0xB00;
	[sflag:s18] =	ssyncadd.s32 $0xFFFFC000  }
0x33a: {  	[spmem:s3] =	stream.indirect.scatter.add.f32 [tilespmem:s16], [sflag:$0x5], $0x80, s25, s15, $0xb8;
	[tilespmem:$0x1E000] =	vst v63  }
0x33b: {  	_ =	swait.ge [sflag:s9], $0x4000  }
0x33c: {  	[sflag:s9] =	ssyncset.done $0x0  }
0x33d: {  	s26 =	simm.s32 $0x400;
	[sflag:s9] =	ssyncadd.s32 $0xFFFFC000  }
0x33e: {  	[tilespmem:s16], [sflag:$0x1] =	stream.indirect.gather [hbm4b:s2+s15], $0x80, s26, s15, $0xb8;
	[tilespmem:$0x1E000] =	vst v63  }
0x33f: {  	_ =	swait.ge [sflag:s20], $0x4000  }
0x340: {  	[sflag:s20] =	ssyncset.done $0x0  }
0x341: {  	s1 =	simm.s32 $0xB80;
	[sflag:s20] =	ssyncadd.s32 $0xFFFFC000  }
0x342: {  	[spmem:s3] =	stream.indirect.scatter.add.f32 [tilespmem:s17], [sflag:$0x5], $0x80, s1, s15, $0xb8;
	[tilespmem:$0x1E000] =	vst v63  }
0x343: {  	_ =	swait.ge [sflag:s9], $0x4000  }
0x344: {  	[sflag:s9] =	ssyncset.done $0x0  }
0x345: {  	s5 =	simm.s32 $0x480;
	[sflag:s9] =	ssyncadd.s32 $0xFFFFC000  }
0x346: {  	[tilespmem:s17], [sflag:$0x2] =	stream.indirect.gather [hbm4b:s2+s15], $0x80, s5, s15, $0xb8;
	[tilespmem:$0x1E000] =	vst v63  }
0x347: {  	_ =	swait.ge [sflag:s18], $0x4000  }
0x348: {  	[sflag:s18] =	ssyncset.done $0x0  }
0x349: {  	s25 =	simm.s32 $0xC00;
	[sflag:s18] =	ssyncadd.s32 $0xFFFFC000  }
0x34a: {  	[spmem:s3] =	stream.indirect.scatter.add.f32 [tilespmem:s16], [sflag:$0x5], $0x80, s25, s15, $0xb8;
	[tilespmem:$0x1E000] =	vst v63  }
0x34b: {  	_ =	swait.ge [sflag:s9], $0x4000  }
0x34c: {  	[sflag:s9] =	ssyncset.done $0x0  }
0x34d: {  	s26 =	simm.s32 $0x500;
	[sflag:s9] =	ssyncadd.s32 $0xFFFFC000  }
0x34e: {  	[tilespmem:s16], [sflag:$0x1] =	stream.indirect.gather [hbm4b:s2+s15], $0x80, s26, s15, $0xb8;
	[tilespmem:$0x1E000] =	vst v63  }
0x34f: {  	_ =	swait.ge [sflag:s20], $0x4000  }
0x350: {  	[sflag:s20] =	ssyncset.done $0x0  }
0x351: {  	s1 =	simm.s32 $0xC80;
	[sflag:s20] =	ssyncadd.s32 $0xFFFFC000  }
0x352: {  	[spmem:s3] =	stream.indirect.scatter.add.f32 [tilespmem:s17], [sflag:$0x5], $0x80, s1, s15, $0xb8;
	[tilespmem:$0x1E000] =	vst v63  }
0x353: {  	_ =	swait.ge [sflag:s9], $0x4000  }
0x354: {  	[sflag:s9] =	ssyncset.done $0x0  }
0x355: {  	s5 =	simm.s32 $0x580;
	[sflag:s9] =	ssyncadd.s32 $0xFFFFC000  }
0x356: {  	[tilespmem:s17], [sflag:$0x2] =	stream.indirect.gather [hbm4b:s2+s15], $0x80, s5, s15, $0xb8;
	[tilespmem:$0x1E000] =	vst v63  }
0x357: {  	_ =	swait.ge [sflag:s18], $0x4000  }
0x358: {  	[sflag:s18] =	ssyncset.done $0x0  }
0x359: {  	s25 =	simm.s32 $0xD00;
	[sflag:s18] =	ssyncadd.s32 $0xFFFFC000  }
0x35a: {  	[spmem:s3] =	stream.indirect.scatter.add.f32 [tilespmem:s16], [sflag:$0x5], $0x80, s25, s15, $0xb8;
	[tilespmem:$0x1E000] =	vst v63  }
0x35b: {  	_ =	swait.ge [sflag:s9], $0x4000  }
0x35c: {  	[sflag:s9] =	ssyncset.done $0x0  }
0x35d: {  	s26 =	simm.s32 $0x600;
	[sflag:s9] =	ssyncadd.s32 $0xFFFFC000  }
0x35e: {  	[tilespmem:s16], [sflag:$0x1] =	stream.indirect.gather [hbm4b:s2+s15], $0x80, s26, s15, $0xb8;
	[tilespmem:$0x1E000] =	vst v63  }
0x35f: {  	_ =	swait.ge [sflag:s20], $0x4000  }
0x360: {  	[sflag:s20] =	ssyncset.done $0x0  }
0x361: {  	s1 =	simm.s32 $0xD80;
	[sflag:s20] =	ssyncadd.s32 $0xFFFFC000  }
0x362: {  	[spmem:s3] =	stream.indirect.scatter.add.f32 [tilespmem:s17], [sflag:$0x5], $0x80, s1, s15, $0xb8;
	[tilespmem:$0x1E000] =	vst v63  }
0x363: {  	_ =	swait.ge [sflag:s9], $0x4000  }
0x364: {  	[sflag:s9] =	ssyncset.done $0x0  }
0x365: {  	s5 =	simm.s32 $0x680;
	[sflag:s9] =	ssyncadd.s32 $0xFFFFC000  }
0x366: {  	[tilespmem:s17], [sflag:$0x2] =	stream.indirect.gather [hbm4b:s2+s15], $0x80, s5, s15, $0xb8;
	[tilespmem:$0x1E000] =	vst v63  }
0x367: {  	_ =	swait.ge [sflag:s18], $0x4000  }
0x368: {  	[sflag:s18] =	ssyncset.done $0x0  }
0x369: {  	s25 =	simm.s32 $0xE00;
	[sflag:s18] =	ssyncadd.s32 $0xFFFFC000  }
0x36a: {  	[spmem:s3] =	stream.indirect.scatter.add.f32 [tilespmem:s16], [sflag:$0x5], $0x80, s25, s15, $0xb8;
	[tilespmem:$0x1E000] =	vst v63  }
0x36b: {  	_ =	swait.ge [sflag:s9], $0x4000  }
0x36c: {  	[sflag:s9] =	ssyncset.done $0x0  }
0x36d: {  	s26 =	simm.s32 $0x700;
	[sflag:s9] =	ssyncadd.s32 $0xFFFFC000  }
0x36e: {  	[tilespmem:s16], [sflag:$0x1] =	stream.indirect.gather [hbm4b:s2+s15], $0x80, s26, s15, $0xb8;
	[tilespmem:$0x1E000] =	vst v63  }
0x36f: {  	_ =	swait.ge [sflag:s20], $0x4000  }
0x370: {  	[sflag:s20] =	ssyncset.done $0x0  }
0x371: {  	s1 =	simm.s32 $0xE80;
	[sflag:s20] =	ssyncadd.s32 $0xFFFFC000  }
0x372: {  	[spmem:s3] =	stream.indirect.scatter.add.f32 [tilespmem:s17], [sflag:$0x5], $0x80, s1, s15, $0xb8;
	[tilespmem:$0x1E000] =	vst v63  }
0x373: {  	_ =	swait.ge [sflag:s9], $0x4000  }
0x374: {  	[sflag:s9] =	ssyncset.done $0x0  }
0x375: {  	s5 =	simm.s32 $0x780;
	[sflag:s9] =	ssyncadd.s32 $0xFFFFC000  }
0x376: {  	[tilespmem:s17], [sflag:$0x2] =	stream.indirect.gather [hbm4b:s2+s15], $0x80, s5, s15, $0xb8;
	[tilespmem:$0x1E000] =	vst v63  }
0x377: {  	_ =	swait.ge [sflag:s18], $0x4000  }
0x378: {  	[sflag:s18] =	ssyncset.done $0x0  }
0x379: {  	s25 =	simm.s32 $0xF00;
	[sflag:s18] =	ssyncadd.s32 $0xFFFFC000  }
0x37a: {  	[spmem:s3] =	stream.indirect.scatter.add.f32 [tilespmem:s16], [sflag:$0x5], $0x80, s25, s15, $0xb8;
	[tilespmem:$0x1E000] =	vst v63  }
0x37b: {  	_ =	swait.ge [sflag:s9], $0x4000  }
0x37c: {  	[sflag:s9] =	ssyncset.done $0x0  }
0x37d: {  	[sflag:s9] =	ssyncadd.s32 $0xFFFFC000  }
0x37e: {  	_ =	swait.ge [sflag:s20], $0x4000  }
0x37f: {  	[sflag:s20] =	ssyncset.done $0x0  }
0x380: {  	s26 =	simm.s32 $0xF80;
	[sflag:s20] =	ssyncadd.s32 $0xFFFFC000  }
0x381: {  	[spmem:s3] =	stream.indirect.scatter.add.f32 [tilespmem:s17], [sflag:$0x5], $0x80, s26, s15, $0xb8;
	[tilespmem:$0x1E000] =	vst v63  }
0x382: {  	_ =	swait.ge [sflag:s9], $0x4000  }
0x383: {  	[sflag:s9] =	ssyncset.done $0x0  }
0x384: {  	[sflag:s9] =	ssyncadd.s32 $0xFFFFC000  }
0x385: {  	_ =	swait.ge [sflag:s23], $0x800  }
0x386: {  	[sflag:s23] =	ssyncset.done $0x0  }
0x387: {  	[sflag:s23] =	ssyncadd.s32 $0xFFFFF800  }
0x388: {  	_ =	swait.ge [sflag:s23], $0x800  }
0x389: {  	[sflag:s23] =	ssyncset.done $0x0  }
0x38a: {  	s0 =	rddreg [dreg:$0x8];
	[sflag:s23] =	ssyncadd.s32 $0xFFFFF800  }
0x38b: {  	[tilespmem:s11], [sflag:$0x3] =	stream.linear.gather [hbm4b:s0+s11], $0x800, $0x38;
	[tilespmem:$0x1E000] =	vst v63  }
0x38c: {  	s1 =	rddreg [dreg:$0x9]  }
0x38d: {  	[tilespmem:s10], [sflag:$0x3] =	stream.linear.gather [hbm4b:s1+s11], $0x800, $0x38;
	[tilespmem:$0x1E000] =	vst v63  }
0x38e: {  	_ = 	snop  }
0x38f: {  	[tilespmem:s16], [sflag:$0x1] =	stream.indirect.gather [hbm4b:s2+s15], $0x80, s14, s15, $0xb8;
	[tilespmem:$0x1E000] =	vst v63  }
0x390: {  	s5 =	simm.s32 $0x1080  }
0x391: {  	[tilespmem:s17], [sflag:$0x2] =	stream.indirect.gather [hbm4b:s2+s15], $0x80, s5, s15, $0xb8;
	[tilespmem:$0x1E000] =	vst v63  }
0x392: {  	_ =	swait.ge [sflag:s18], $0x4000  }
0x393: {  	[sflag:s18] =	ssyncset.done $0x0  }
0x394: {  	[sflag:s18] =	ssyncadd.s32 $0xFFFFC000  }
0x395: {  	[spmem:s3] =	stream.indirect.scatter.add.f32 [tilespmem:s16], [sflag:$0x5], $0x80, s7, s15, $0xb8;
	[tilespmem:$0x1E000] =	vst v63  }
0x396: {  	_ =	swait.ge [sflag:s9], $0x4000  }
0x397: {  	[sflag:s9] =	ssyncset.done $0x0  }
0x398: {  	s1 =	simm.s32 $0x1100;
	[sflag:s9] =	ssyncadd.s32 $0xFFFFC000  }
0x399: {  	[tilespmem:s16], [sflag:$0x1] =	stream.indirect.gather [hbm4b:s2+s15], $0x80, s1, s15, $0xb8;
	[tilespmem:$0x1E000] =	vst v63  }
0x39a: {  	_ =	swait.ge [sflag:s20], $0x4000  }
0x39b: {  	[sflag:s20] =	ssyncset.done $0x0  }
0x39c: {  	s5 =	simm.s32 $0x1880;
	[sflag:s20] =	ssyncadd.s32 $0xFFFFC000  }
0x39d: {  	[spmem:s3] =	stream.indirect.scatter.add.f32 [tilespmem:s17], [sflag:$0x5], $0x80, s5, s15, $0xb8;
	[tilespmem:$0x1E000] =	vst v63  }
0x39e: {  	_ =	swait.ge [sflag:s9], $0x4000  }
0x39f: {  	[sflag:s9] =	ssyncset.done $0x0  }
0x3a0: {  	[sflag:s9] =	ssyncadd.s32 $0xFFFFC000  }
0x3a1: {  	[tilespmem:s17], [sflag:$0x2] =	stream.indirect.gather [hbm4b:s2+s15], $0x80, s6, s15, $0xb8;
	[tilespmem:$0x1E000] =	vst v63  }
0x3a2: {  	_ =	swait.ge [sflag:s18], $0x4000  }
0x3a3: {  	[sflag:s18] =	ssyncset.done $0x0  }
0x3a4: {  	[sflag:s18] =	ssyncadd.s32 $0xFFFFC000  }
0x3a5: {  	[spmem:s3] =	stream.indirect.scatter.add.f32 [tilespmem:s16], [sflag:$0x5], $0x80, s8, s15, $0xb8;
	[tilespmem:$0x1E000] =	vst v63  }
0x3a6: {  	_ =	swait.ge [sflag:s9], $0x4000  }
0x3a7: {  	[sflag:s9] =	ssyncset.done $0x0  }
0x3a8: {  	[sflag:s9] =	ssyncadd.s32 $0xFFFFC000  }
0x3a9: {  	[tilespmem:s16], [sflag:$0x1] =	stream.indirect.gather [hbm4b:s2+s15], $0x80, s19, s15, $0xb8;
	[tilespmem:$0x1E000] =	vst v63  }
0x3aa: {  	_ =	swait.ge [sflag:s20], $0x4000  }
0x3ab: {  	[sflag:s20] =	ssyncset.done $0x0  }
0x3ac: {  	[sflag:s20] =	ssyncadd.s32 $0xFFFFC000  }
0x3ad: {  	[spmem:s3] =	stream.indirect.scatter.add.f32 [tilespmem:s17], [sflag:$0x5], $0x80, s21, s15, $0xb8;
	[tilespmem:$0x1E000] =	vst v63  }
0x3ae: {  	_ =	swait.ge [sflag:s9], $0x4000  }
0x3af: {  	[sflag:s9] =	ssyncset.done $0x0  }
0x3b0: {  	[sflag:s9] =	ssyncadd.s32 $0xFFFFC000  }
0x3b1: {  	[tilespmem:s17], [sflag:$0x2] =	stream.indirect.gather [hbm4b:s2+s15], $0x80, s22, s15, $0xb8;
	[tilespmem:$0x1E000] =	vst v63  }
0x3b2: {  	_ =	swait.ge [sflag:s18], $0x4000  }
0x3b3: {  	[sflag:s18] =	ssyncset.done $0x0  }
0x3b4: {  	[sflag:s18] =	ssyncadd.s32 $0xFFFFC000  }
0x3b5: {  	[spmem:s3] =	stream.indirect.scatter.add.f32 [tilespmem:s16], [sflag:$0x5], $0x80, s28, s15, $0xb8;
	[tilespmem:$0x1E000] =	vst v63  }
0x3b6: {  	_ =	swait.ge [sflag:s9], $0x4000  }
0x3b7: {  	[sflag:s9] =	ssyncset.done $0x0  }
0x3b8: {  	[sflag:s9] =	ssyncadd.s32 $0xFFFFC000  }
0x3b9: {  	[tilespmem:s16], [sflag:$0x1] =	stream.indirect.gather [hbm4b:s2+s15], $0x80, s29, s15, $0xb8;
	[tilespmem:$0x1E000] =	vst v63  }
0x3ba: {  	_ =	swait.ge [sflag:s20], $0x4000  }
0x3bb: {  	[sflag:s20] =	ssyncset.done $0x0  }
0x3bc: {  	[sflag:s20] =	ssyncadd.s32 $0xFFFFC000  }
0x3bd: {  	[spmem:s3] =	stream.indirect.scatter.add.f32 [tilespmem:s17], [sflag:$0x5], $0x80, s30, s15, $0xb8;
	[tilespmem:$0x1E000] =	vst v63  }
0x3be: {  	_ =	swait.ge [sflag:s9], $0x4000  }
0x3bf: {  	[sflag:s9] =	ssyncset.done $0x0  }
0x3c0: {  	[sflag:s9] =	ssyncadd.s32 $0xFFFFC000  }
0x3c1: {  	[tilespmem:s17], [sflag:$0x2] =	stream.indirect.gather [hbm4b:s2+s15], $0x80, s31, s15, $0xb8;
	[tilespmem:$0x1E000] =	vst v63  }
0x3c2: {  	_ =	swait.ge [sflag:s18], $0x4000  }
0x3c3: {  	[sflag:s18] =	ssyncset.done $0x0  }
0x3c4: {  	[sflag:s18] =	ssyncadd.s32 $0xFFFFC000  }
0x3c5: {  	[spmem:s3] =	stream.indirect.scatter.add.f32 [tilespmem:s16], [sflag:$0x5], $0x80, s13, s15, $0xb8;
	[tilespmem:$0x1E000] =	vst v63  }
0x3c6: {  	_ =	swait.ge [sflag:s9], $0x4000  }
0x3c7: {  	[sflag:s9] =	ssyncset.done $0x0  }
0x3c8: {  	s25 =	simm.s32 $0x1400;
	[sflag:s9] =	ssyncadd.s32 $0xFFFFC000  }
0x3c9: {  	[tilespmem:s16], [sflag:$0x1] =	stream.indirect.gather [hbm4b:s2+s15], $0x80, s25, s15, $0xb8;
	[tilespmem:$0x1E000] =	vst v63  }
0x3ca: {  	_ =	swait.ge [sflag:s20], $0x4000  }
0x3cb: {  	[sflag:s20] =	ssyncset.done $0x0  }
0x3cc: {  	s26 =	simm.s32 $0x1B80;
	[sflag:s20] =	ssyncadd.s32 $0xFFFFC000  }
0x3cd: {  	[spmem:s3] =	stream.indirect.scatter.add.f32 [tilespmem:s17], [sflag:$0x5], $0x80, s26, s15, $0xb8;
	[tilespmem:$0x1E000] =	vst v63  }
0x3ce: {  	_ =	swait.ge [sflag:s9], $0x4000  }
0x3cf: {  	[sflag:s9] =	ssyncset.done $0x0  }
0x3d0: {  	s25 =	simm.s32 $0x1480;
	[sflag:s9] =	ssyncadd.s32 $0xFFFFC000  }
0x3d1: {  	[tilespmem:s17], [sflag:$0x2] =	stream.indirect.gather [hbm4b:s2+s15], $0x80, s25, s15, $0xb8;
	[tilespmem:$0x1E000] =	vst v63  }
0x3d2: {  	_ =	swait.ge [sflag:s18], $0x4000  }
0x3d3: {  	[sflag:s18] =	ssyncset.done $0x0  }
0x3d4: {  	s26 =	simm.s32 $0x1C00;
	[sflag:s18] =	ssyncadd.s32 $0xFFFFC000  }
0x3d5: {  	[spmem:s3] =	stream.indirect.scatter.add.f32 [tilespmem:s16], [sflag:$0x5], $0x80, s26, s15, $0xb8;
	[tilespmem:$0x1E000] =	vst v63  }
0x3d6: {  	_ =	swait.ge [sflag:s9], $0x4000  }
0x3d7: {  	[sflag:s9] =	ssyncset.done $0x0  }
0x3d8: {  	s25 =	simm.s32 $0x1500;
	[sflag:s9] =	ssyncadd.s32 $0xFFFFC000  }
0x3d9: {  	[tilespmem:s16], [sflag:$0x1] =	stream.indirect.gather [hbm4b:s2+s15], $0x80, s25, s15, $0xb8;
	[tilespmem:$0x1E000] =	vst v63  }
0x3da: {  	_ =	swait.ge [sflag:s20], $0x4000  }
0x3db: {  	[sflag:s20] =	ssyncset.done $0x0  }
0x3dc: {  	s26 =	simm.s32 $0x1C80;
	[sflag:s20] =	ssyncadd.s32 $0xFFFFC000  }
0x3dd: {  	[spmem:s3] =	stream.indirect.scatter.add.f32 [tilespmem:s17], [sflag:$0x5], $0x80, s26, s15, $0xb8;
	[tilespmem:$0x1E000] =	vst v63  }
0x3de: {  	_ =	swait.ge [sflag:s9], $0x4000  }
0x3df: {  	[sflag:s9] =	ssyncset.done $0x0  }
0x3e0: {  	s25 =	simm.s32 $0x1580;
	[sflag:s9] =	ssyncadd.s32 $0xFFFFC000  }
0x3e1: {  	[tilespmem:s17], [sflag:$0x2] =	stream.indirect.gather [hbm4b:s2+s15], $0x80, s25, s15, $0xb8;
	[tilespmem:$0x1E000] =	vst v63  }
0x3e2: {  	_ =	swait.ge [sflag:s18], $0x4000  }
0x3e3: {  	[sflag:s18] =	ssyncset.done $0x0  }
0x3e4: {  	s26 =	simm.s32 $0x1D00;
	[sflag:s18] =	ssyncadd.s32 $0xFFFFC000  }
0x3e5: {  	[spmem:s3] =	stream.indirect.scatter.add.f32 [tilespmem:s16], [sflag:$0x5], $0x80, s26, s15, $0xb8;
	[tilespmem:$0x1E000] =	vst v63  }
0x3e6: {  	_ =	swait.ge [sflag:s9], $0x4000  }
0x3e7: {  	[sflag:s9] =	ssyncset.done $0x0  }
0x3e8: {  	s25 =	simm.s32 $0x1600;
	[sflag:s9] =	ssyncadd.s32 $0xFFFFC000  }
0x3e9: {  	[tilespmem:s16], [sflag:$0x1] =	stream.indirect.gather [hbm4b:s2+s15], $0x80, s25, s15, $0xb8;
	[tilespmem:$0x1E000] =	vst v63  }
0x3ea: {  	_ =	swait.ge [sflag:s20], $0x4000  }
0x3eb: {  	[sflag:s20] =	ssyncset.done $0x0  }
0x3ec: {  	s26 =	simm.s32 $0x1D80;
	[sflag:s20] =	ssyncadd.s32 $0xFFFFC000  }
0x3ed: {  	[spmem:s3] =	stream.indirect.scatter.add.f32 [tilespmem:s17], [sflag:$0x5], $0x80, s26, s15, $0xb8;
	[tilespmem:$0x1E000] =	vst v63  }
0x3ee: {  	_ =	swait.ge [sflag:s9], $0x4000  }
0x3ef: {  	[sflag:s9] =	ssyncset.done $0x0  }
0x3f0: {  	s25 =	simm.s32 $0x1680;
	[sflag:s9] =	ssyncadd.s32 $0xFFFFC000  }
0x3f1: {  	[tilespmem:s17], [sflag:$0x2] =	stream.indirect.gather [hbm4b:s2+s15], $0x80, s25, s15, $0xb8;
	[tilespmem:$0x1E000] =	vst v63  }
0x3f2: {  	_ =	swait.ge [sflag:s18], $0x4000  }
0x3f3: {  	[sflag:s18] =	ssyncset.done $0x0  }
0x3f4: {  	s26 =	simm.s32 $0x1E00;
	[sflag:s18] =	ssyncadd.s32 $0xFFFFC000  }
0x3f5: {  	[spmem:s3] =	stream.indirect.scatter.add.f32 [tilespmem:s16], [sflag:$0x5], $0x80, s26, s15, $0xb8;
	[tilespmem:$0x1E000] =	vst v63  }
0x3f6: {  	_ =	swait.ge [sflag:s9], $0x4000  }
0x3f7: {  	[sflag:s9] =	ssyncset.done $0x0  }
0x3f8: {  	s25 =	simm.s32 $0x1700;
	[sflag:s9] =	ssyncadd.s32 $0xFFFFC000  }
0x3f9: {  	[tilespmem:s16], [sflag:$0x1] =	stream.indirect.gather [hbm4b:s2+s15], $0x80, s25, s15, $0xb8;
	[tilespmem:$0x1E000] =	vst v63  }
0x3fa: {  	_ =	swait.ge [sflag:s20], $0x4000  }
0x3fb: {  	[sflag:s20] =	ssyncset.done $0x0  }
0x3fc: {  	s26 =	simm.s32 $0x1E80;
	[sflag:s20] =	ssyncadd.s32 $0xFFFFC000  }
0x3fd: {  	[spmem:s3] =	stream.indirect.scatter.add.f32 [tilespmem:s17], [sflag:$0x5], $0x80, s26, s15, $0xb8;
	[tilespmem:$0x1E000] =	vst v63  }
0x3fe: {  	_ =	swait.ge [sflag:s9], $0x4000  }
0x3ff: {  	[sflag:s9] =	ssyncset.done $0x0  }
0x400: {  	s25 =	simm.s32 $0x1780;
	[sflag:s9] =	ssyncadd.s32 $0xFFFFC000  }
0x401: {  	[tilespmem:s17], [sflag:$0x2] =	stream.indirect.gather [hbm4b:s2+s15], $0x80, s25, s15, $0xb8;
	[tilespmem:$0x1E000] =	vst v63  }
0x402: {  	_ =	swait.ge [sflag:s18], $0x4000  }
0x403: {  	[sflag:s18] =	ssyncset.done $0x0  }
0x404: {  	s26 =	simm.s32 $0x1F00;
	[sflag:s18] =	ssyncadd.s32 $0xFFFFC000  }
0x405: {  	[spmem:s3] =	stream.indirect.scatter.add.f32 [tilespmem:s16], [sflag:$0x5], $0x80, s26, s15, $0xb8;
	[tilespmem:$0x1E000] =	vst v63  }
0x406: {  	_ =	swait.ge [sflag:s9], $0x4000  }
0x407: {  	[sflag:s9] =	ssyncset.done $0x0  }
0x408: {  	[sflag:s9] =	ssyncadd.s32 $0xFFFFC000  }
0x409: {  	_ =	swait.ge [sflag:s20], $0x4000  }
0x40a: {  	[sflag:s20] =	ssyncset.done $0x0  }
0x40b: {  	s25 =	simm.s32 $0x1F80;
	[sflag:s20] =	ssyncadd.s32 $0xFFFFC000  }
0x40c: {  	[spmem:s3] =	stream.indirect.scatter.add.f32 [tilespmem:s17], [sflag:$0x5], $0x80, s25, s15, $0xb8;
	[tilespmem:$0x1E000] =	vst v63  }
0x40d: {  	_ =	swait.ge [sflag:s9], $0x4000  }
0x40e: {  	[sflag:s9] =	ssyncset.done $0x0  }
0x40f: {  	[sflag:s9] =	ssyncadd.s32 $0xFFFFC000  }
0x410: {  	_ =	swait.ge [sflag:s12], $0x800  }
0x411: {  	[sflag:s12] =	ssyncset.done $0x0  }
0x412: {  	[sflag:s12] =	ssyncadd.s32 $0xFFFFF800  }
0x413: {  	_ =	swait.ge [sflag:s12], $0x800  }
0x414: {  	[sflag:s12] =	ssyncset.done $0x0  }
0x415: {  	s26 =	rddreg [dreg:$0xa];
	[sflag:s12] =	ssyncadd.s32 $0xFFFFF800  }
0x416: {  	[tilespmem:s14], [sflag:$0x4] =	stream.linear.gather [hbm4b:s26+s11], $0x800, $0x38;
	[tilespmem:$0x1E000] =	vst v63  }
0x417: {  	s0 =	rddreg [dreg:$0xb]  }
0x418: {  	[tilespmem:s7], [sflag:$0x4] =	stream.linear.gather [hbm4b:s0+s11], $0x800, $0x38;
	[tilespmem:$0x1E000] =	vst v63  }
0x419: {  	_ = 	snop  }
0x41a: {  	[tilespmem:s16], [sflag:$0x1] =	stream.indirect.gather [hbm4b:s2+s15], $0x80, s11, s15, $0xb8;
	[tilespmem:$0x1E000] =	vst v63  }
0x41b: {  	_ = 	snop  }
0x41c: {  	[tilespmem:s17], [sflag:$0x2] =	stream.indirect.gather [hbm4b:s2+s15], $0x80, s15, s15, $0xb8;
	[tilespmem:$0x1E000] =	vst v63  }
0x41d: {  	_ =	swait.ge [sflag:s18], $0x4000  }
0x41e: {  	[sflag:s18] =	ssyncset.done $0x0  }
0x41f: {  	[sflag:s18] =	ssyncadd.s32 $0xFFFFC000  }
0x420: {  	[spmem:s3] =	stream.indirect.scatter.add.f32 [tilespmem:s16], [sflag:$0x5], $0x80, s10, s15, $0xb8;
	[tilespmem:$0x1E000] =	vst v63  }
0x421: {  	_ =	swait.ge [sflag:s9], $0x4000  }
0x422: {  	[sflag:s9] =	ssyncset.done $0x0  }
0x423: {  	s0 =	simm.s32 $0x100;
	[sflag:s9] =	ssyncadd.s32 $0xFFFFC000  }
0x424: {  	[tilespmem:s16], [sflag:$0x1] =	stream.indirect.gather [hbm4b:s2+s15], $0x80, s0, s15, $0xb8;
	[tilespmem:$0x1E000] =	vst v63  }
0x425: {  	_ =	swait.ge [sflag:s20], $0x4000  }
0x426: {  	[sflag:s20] =	ssyncset.done $0x0  }
0x427: {  	s26 =	simm.s32 $0x880;
	[sflag:s20] =	ssyncadd.s32 $0xFFFFC000  }
0x428: {  	[spmem:s3] =	stream.indirect.scatter.add.f32 [tilespmem:s17], [sflag:$0x5], $0x80, s26, s15, $0xb8;
	[tilespmem:$0x1E000] =	vst v63  }
0x429: {  	_ =	swait.ge [sflag:s9], $0x4000  }
0x42a: {  	[sflag:s9] =	ssyncset.done $0x0  }
0x42b: {  	s26 =	simm.s32 $0x180;
	[sflag:s9] =	ssyncadd.s32 $0xFFFFC000  }
0x42c: {  	[tilespmem:s17], [sflag:$0x2] =	stream.indirect.gather [hbm4b:s2+s15], $0x80, s26, s15, $0xb8;
	[tilespmem:$0x1E000] =	vst v63  }
0x42d: {  	_ =	swait.ge [sflag:s18], $0x4000  }
0x42e: {  	[sflag:s18] =	ssyncset.done $0x0  }
0x42f: {  	s26 =	simm.s32 $0x900;
	[sflag:s18] =	ssyncadd.s32 $0xFFFFC000  }
0x430: {  	[spmem:s3] =	stream.indirect.scatter.add.f32 [tilespmem:s16], [sflag:$0x5], $0x80, s26, s15, $0xb8;
	[tilespmem:$0x1E000] =	vst v63  }
0x431: {  	_ =	swait.ge [sflag:s9], $0x4000  }
0x432: {  	[sflag:s9] =	ssyncset.done $0x0  }
0x433: {  	s26 =	simm.s32 $0x200;
	[sflag:s9] =	ssyncadd.s32 $0xFFFFC000  }
0x434: {  	[tilespmem:s16], [sflag:$0x1] =	stream.indirect.gather [hbm4b:s2+s15], $0x80, s26, s15, $0xb8;
	[tilespmem:$0x1E000] =	vst v63  }
0x435: {  	_ =	swait.ge [sflag:s20], $0x4000  }
0x436: {  	[sflag:s20] =	ssyncset.done $0x0  }
0x437: {  	s26 =	simm.s32 $0x980;
	[sflag:s20] =	ssyncadd.s32 $0xFFFFC000  }
0x438: {  	[spmem:s3] =	stream.indirect.scatter.add.f32 [tilespmem:s17], [sflag:$0x5], $0x80, s26, s15, $0xb8;
	[tilespmem:$0x1E000] =	vst v63  }
0x439: {  	_ =	swait.ge [sflag:s9], $0x4000  }
0x43a: {  	[sflag:s9] =	ssyncset.done $0x0  }
0x43b: {  	s26 =	simm.s32 $0x280;
	[sflag:s9] =	ssyncadd.s32 $0xFFFFC000  }
0x43c: {  	[tilespmem:s17], [sflag:$0x2] =	stream.indirect.gather [hbm4b:s2+s15], $0x80, s26, s15, $0xb8;
	[tilespmem:$0x1E000] =	vst v63  }
0x43d: {  	_ =	swait.ge [sflag:s18], $0x4000  }
0x43e: {  	[sflag:s18] =	ssyncset.done $0x0  }
0x43f: {  	s26 =	simm.s32 $0xA00;
	[sflag:s18] =	ssyncadd.s32 $0xFFFFC000  }
0x440: {  	[spmem:s3] =	stream.indirect.scatter.add.f32 [tilespmem:s16], [sflag:$0x5], $0x80, s26, s15, $0xb8;
	[tilespmem:$0x1E000] =	vst v63  }
0x441: {  	_ =	swait.ge [sflag:s9], $0x4000  }
0x442: {  	[sflag:s9] =	ssyncset.done $0x0  }
0x443: {  	s26 =	simm.s32 $0x300;
	[sflag:s9] =	ssyncadd.s32 $0xFFFFC000  }
0x444: {  	[tilespmem:s16], [sflag:$0x1] =	stream.indirect.gather [hbm4b:s2+s15], $0x80, s26, s15, $0xb8;
	[tilespmem:$0x1E000] =	vst v63  }
0x445: {  	_ =	swait.ge [sflag:s20], $0x4000  }
0x446: {  	[sflag:s20] =	ssyncset.done $0x0  }
0x447: {  	s26 =	simm.s32 $0xA80;
	[sflag:s20] =	ssyncadd.s32 $0xFFFFC000  }
0x448: {  	[spmem:s3] =	stream.indirect.scatter.add.f32 [tilespmem:s17], [sflag:$0x5], $0x80, s26, s15, $0xb8;
	[tilespmem:$0x1E000] =	vst v63  }
0x449: {  	_ =	swait.ge [sflag:s9], $0x4000  }
0x44a: {  	[sflag:s9] =	ssyncset.done $0x0  }
0x44b: {  	s26 =	simm.s32 $0x380;
	[sflag:s9] =	ssyncadd.s32 $0xFFFFC000  }
0x44c: {  	[tilespmem:s17], [sflag:$0x2] =	stream.indirect.gather [hbm4b:s2+s15], $0x80, s26, s15, $0xb8;
	[tilespmem:$0x1E000] =	vst v63  }
0x44d: {  	_ =	swait.ge [sflag:s18], $0x4000  }
0x44e: {  	[sflag:s18] =	ssyncset.done $0x0  }
0x44f: {  	s26 =	simm.s32 $0xB00;
	[sflag:s18] =	ssyncadd.s32 $0xFFFFC000  }
0x450: {  	[spmem:s3] =	stream.indirect.scatter.add.f32 [tilespmem:s16], [sflag:$0x5], $0x80, s26, s15, $0xb8;
	[tilespmem:$0x1E000] =	vst v63  }
0x451: {  	_ =	swait.ge [sflag:s9], $0x4000  }
0x452: {  	[sflag:s9] =	ssyncset.done $0x0  }
0x453: {  	s26 =	simm.s32 $0x400;
	[sflag:s9] =	ssyncadd.s32 $0xFFFFC000  }
0x454: {  	[tilespmem:s16], [sflag:$0x1] =	stream.indirect.gather [hbm4b:s2+s15], $0x80, s26, s15, $0xb8;
	[tilespmem:$0x1E000] =	vst v63  }
0x455: {  	_ =	swait.ge [sflag:s20], $0x4000  }
0x456: {  	[sflag:s20] =	ssyncset.done $0x0  }
0x457: {  	s26 =	simm.s32 $0xB80;
	[sflag:s20] =	ssyncadd.s32 $0xFFFFC000  }
0x458: {  	[spmem:s3] =	stream.indirect.scatter.add.f32 [tilespmem:s17], [sflag:$0x5], $0x80, s26, s15, $0xb8;
	[tilespmem:$0x1E000] =	vst v63  }
0x459: {  	_ =	swait.ge [sflag:s9], $0x4000  }
0x45a: {  	[sflag:s9] =	ssyncset.done $0x0  }
0x45b: {  	s26 =	simm.s32 $0x480;
	[sflag:s9] =	ssyncadd.s32 $0xFFFFC000  }
0x45c: {  	[tilespmem:s17], [sflag:$0x2] =	stream.indirect.gather [hbm4b:s2+s15], $0x80, s26, s15, $0xb8;
	[tilespmem:$0x1E000] =	vst v63  }
0x45d: {  	_ =	swait.ge [sflag:s18], $0x4000  }
0x45e: {  	[sflag:s18] =	ssyncset.done $0x0  }
0x45f: {  	s26 =	simm.s32 $0xC00;
	[sflag:s18] =	ssyncadd.s32 $0xFFFFC000  }
0x460: {  	[spmem:s3] =	stream.indirect.scatter.add.f32 [tilespmem:s16], [sflag:$0x5], $0x80, s26, s15, $0xb8;
	[tilespmem:$0x1E000] =	vst v63  }
0x461: {  	_ =	swait.ge [sflag:s9], $0x4000  }
0x462: {  	[sflag:s9] =	ssyncset.done $0x0  }
0x463: {  	s26 =	simm.s32 $0x500;
	[sflag:s9] =	ssyncadd.s32 $0xFFFFC000  }
0x464: {  	[tilespmem:s16], [sflag:$0x1] =	stream.indirect.gather [hbm4b:s2+s15], $0x80, s26, s15, $0xb8;
	[tilespmem:$0x1E000] =	vst v63  }
0x465: {  	_ =	swait.ge [sflag:s20], $0x4000  }
0x466: {  	[sflag:s20] =	ssyncset.done $0x0  }
0x467: {  	s26 =	simm.s32 $0xC80;
	[sflag:s20] =	ssyncadd.s32 $0xFFFFC000  }
0x468: {  	[spmem:s3] =	stream.indirect.scatter.add.f32 [tilespmem:s17], [sflag:$0x5], $0x80, s26, s15, $0xb8;
	[tilespmem:$0x1E000] =	vst v63  }
0x469: {  	_ =	swait.ge [sflag:s9], $0x4000  }
0x46a: {  	[sflag:s9] =	ssyncset.done $0x0  }
0x46b: {  	s26 =	simm.s32 $0x580;
	[sflag:s9] =	ssyncadd.s32 $0xFFFFC000  }
0x46c: {  	[tilespmem:s17], [sflag:$0x2] =	stream.indirect.gather [hbm4b:s2+s15], $0x80, s26, s15, $0xb8;
	[tilespmem:$0x1E000] =	vst v63  }
0x46d: {  	_ =	swait.ge [sflag:s18], $0x4000  }
0x46e: {  	[sflag:s18] =	ssyncset.done $0x0  }
0x46f: {  	s26 =	simm.s32 $0xD00;
	[sflag:s18] =	ssyncadd.s32 $0xFFFFC000  }
0x470: {  	[spmem:s3] =	stream.indirect.scatter.add.f32 [tilespmem:s16], [sflag:$0x5], $0x80, s26, s15, $0xb8;
	[tilespmem:$0x1E000] =	vst v63  }
0x471: {  	_ =	swait.ge [sflag:s9], $0x4000  }
0x472: {  	[sflag:s9] =	ssyncset.done $0x0  }
0x473: {  	s26 =	simm.s32 $0x600;
	[sflag:s9] =	ssyncadd.s32 $0xFFFFC000  }
0x474: {  	[tilespmem:s16], [sflag:$0x1] =	stream.indirect.gather [hbm4b:s2+s15], $0x80, s26, s15, $0xb8;
	[tilespmem:$0x1E000] =	vst v63  }
0x475: {  	_ =	swait.ge [sflag:s20], $0x4000  }
0x476: {  	[sflag:s20] =	ssyncset.done $0x0  }
0x477: {  	s26 =	simm.s32 $0xD80;
	[sflag:s20] =	ssyncadd.s32 $0xFFFFC000  }
0x478: {  	[spmem:s3] =	stream.indirect.scatter.add.f32 [tilespmem:s17], [sflag:$0x5], $0x80, s26, s15, $0xb8;
	[tilespmem:$0x1E000] =	vst v63  }
0x479: {  	_ =	swait.ge [sflag:s9], $0x4000  }
0x47a: {  	[sflag:s9] =	ssyncset.done $0x0  }
0x47b: {  	s26 =	simm.s32 $0x680;
	[sflag:s9] =	ssyncadd.s32 $0xFFFFC000  }
0x47c: {  	[tilespmem:s17], [sflag:$0x2] =	stream.indirect.gather [hbm4b:s2+s15], $0x80, s26, s15, $0xb8;
	[tilespmem:$0x1E000] =	vst v63  }
0x47d: {  	_ =	swait.ge [sflag:s18], $0x4000  }
0x47e: {  	[sflag:s18] =	ssyncset.done $0x0  }
0x47f: {  	s26 =	simm.s32 $0xE00;
	[sflag:s18] =	ssyncadd.s32 $0xFFFFC000  }
0x480: {  	[spmem:s3] =	stream.indirect.scatter.add.f32 [tilespmem:s16], [sflag:$0x5], $0x80, s26, s15, $0xb8;
	[tilespmem:$0x1E000] =	vst v63  }
0x481: {  	_ =	swait.ge [sflag:s9], $0x4000  }
0x482: {  	[sflag:s9] =	ssyncset.done $0x0  }
0x483: {  	s26 =	simm.s32 $0x700;
	[sflag:s9] =	ssyncadd.s32 $0xFFFFC000  }
0x484: {  	[tilespmem:s16], [sflag:$0x1] =	stream.indirect.gather [hbm4b:s2+s15], $0x80, s26, s15, $0xb8;
	[tilespmem:$0x1E000] =	vst v63  }
0x485: {  	_ =	swait.ge [sflag:s20], $0x4000  }
0x486: {  	[sflag:s20] =	ssyncset.done $0x0  }
0x487: {  	s26 =	simm.s32 $0xE80;
	[sflag:s20] =	ssyncadd.s32 $0xFFFFC000  }
0x488: {  	[spmem:s3] =	stream.indirect.scatter.add.f32 [tilespmem:s17], [sflag:$0x5], $0x80, s26, s15, $0xb8;
	[tilespmem:$0x1E000] =	vst v63  }
0x489: {  	_ =	swait.ge [sflag:s9], $0x4000  }
0x48a: {  	[sflag:s9] =	ssyncset.done $0x0  }
0x48b: {  	s26 =	simm.s32 $0x780;
	[sflag:s9] =	ssyncadd.s32 $0xFFFFC000  }
0x48c: {  	[tilespmem:s17], [sflag:$0x2] =	stream.indirect.gather [hbm4b:s2+s15], $0x80, s26, s15, $0xb8;
	[tilespmem:$0x1E000] =	vst v63  }
0x48d: {  	_ =	swait.ge [sflag:s18], $0x4000  }
0x48e: {  	[sflag:s18] =	ssyncset.done $0x0  }
0x48f: {  	s26 =	simm.s32 $0xF00;
	[sflag:s18] =	ssyncadd.s32 $0xFFFFC000  }
0x490: {  	[spmem:s3] =	stream.indirect.scatter.add.f32 [tilespmem:s16], [sflag:$0x5], $0x80, s26, s15, $0xb8;
	[tilespmem:$0x1E000] =	vst v63  }
0x491: {  	_ =	swait.ge [sflag:s9], $0x4000  }
0x492: {  	[sflag:s9] =	ssyncset.done $0x0  }
0x493: {  	[sflag:s9] =	ssyncadd.s32 $0xFFFFC000  }
0x494: {  	_ =	swait.ge [sflag:s20], $0x4000  }
0x495: {  	[sflag:s20] =	ssyncset.done $0x0  }
0x496: {  	s26 =	simm.s32 $0xF80;
	[sflag:s20] =	ssyncadd.s32 $0xFFFFC000  }
0x497: {  	[spmem:s3] =	stream.indirect.scatter.add.f32 [tilespmem:s17], [sflag:$0x5], $0x80, s26, s15, $0xb8;
	[tilespmem:$0x1E000] =	vst v63  }
0x498: {  	_ =	swait.ge [sflag:s9], $0x4000  }
0x499: {  	[sflag:s9] =	ssyncset.done $0x0  }
0x49a: {  	[sflag:s9] =	ssyncadd.s32 $0xFFFFC000  }
0x49b: {  	_ =	swait.ge [sflag:s23], $0x800  }
0x49c: {  	[sflag:s23] =	ssyncset.done $0x0  }
0x49d: {  	[sflag:s23] =	ssyncadd.s32 $0xFFFFF800  }
0x49e: {  	_ =	swait.ge [sflag:s23], $0x800  }
0x49f: {  	[sflag:s23] =	ssyncset.done $0x0  }
0x4a0: {  	s25 =	rddreg [dreg:$0xc];
	[sflag:s23] =	ssyncadd.s32 $0xFFFFF800  }
0x4a1: {  	[tilespmem:s11], [sflag:$0x3] =	stream.linear.gather [hbm4b:s25+s11], $0x800, $0x38;
	[tilespmem:$0x1E000] =	vst v63  }
0x4a2: {  	s26 =	rddreg [dreg:$0xd]  }
0x4a3: {  	[tilespmem:s10], [sflag:$0x3] =	stream.linear.gather [hbm4b:s26+s11], $0x800, $0x38;
	[tilespmem:$0x1E000] =	vst v63  }
0x4a4: {  	_ = 	snop  }
0x4a5: {  	[tilespmem:s16], [sflag:$0x1] =	stream.indirect.gather [hbm4b:s2+s15], $0x80, s14, s15, $0xb8;
	[tilespmem:$0x1E000] =	vst v63  }
0x4a6: {  	s26 =	simm.s32 $0x1080  }
0x4a7: {  	[tilespmem:s17], [sflag:$0x2] =	stream.indirect.gather [hbm4b:s2+s15], $0x80, s26, s15, $0xb8;
	[tilespmem:$0x1E000] =	vst v63  }
0x4a8: {  	_ =	swait.ge [sflag:s18], $0x4000  }
0x4a9: {  	[sflag:s18] =	ssyncset.done $0x0  }
0x4aa: {  	[sflag:s18] =	ssyncadd.s32 $0xFFFFC000  }
0x4ab: {  	[spmem:s3] =	stream.indirect.scatter.add.f32 [tilespmem:s16], [sflag:$0x5], $0x80, s7, s15, $0xb8;
	[tilespmem:$0x1E000] =	vst v63  }
0x4ac: {  	_ =	swait.ge [sflag:s9], $0x4000  }
0x4ad: {  	[sflag:s9] =	ssyncset.done $0x0  }
0x4ae: {  	[sflag:s9] =	ssyncadd.s32 $0xFFFFC000  }
0x4af: {  	[tilespmem:s16], [sflag:$0x1] =	stream.indirect.gather [hbm4b:s2+s15], $0x80, s1, s15, $0xb8;
	[tilespmem:$0x1E000] =	vst v63  }
0x4b0: {  	_ =	swait.ge [sflag:s20], $0x4000  }
0x4b1: {  	[sflag:s20] =	ssyncset.done $0x0  }
0x4b2: {  	[sflag:s20] =	ssyncadd.s32 $0xFFFFC000  }
0x4b3: {  	[spmem:s3] =	stream.indirect.scatter.add.f32 [tilespmem:s17], [sflag:$0x5], $0x80, s5, s15, $0xb8;
	[tilespmem:$0x1E000] =	vst v63  }
0x4b4: {  	_ =	swait.ge [sflag:s9], $0x4000  }
0x4b5: {  	[sflag:s9] =	ssyncset.done $0x0  }
0x4b6: {  	[sflag:s9] =	ssyncadd.s32 $0xFFFFC000  }
0x4b7: {  	[tilespmem:s17], [sflag:$0x2] =	stream.indirect.gather [hbm4b:s2+s15], $0x80, s6, s15, $0xb8;
	[tilespmem:$0x1E000] =	vst v63  }
0x4b8: {  	_ =	swait.ge [sflag:s18], $0x4000  }
0x4b9: {  	[sflag:s18] =	ssyncset.done $0x0  }
0x4ba: {  	[sflag:s18] =	ssyncadd.s32 $0xFFFFC000  }
0x4bb: {  	[spmem:s3] =	stream.indirect.scatter.add.f32 [tilespmem:s16], [sflag:$0x5], $0x80, s8, s15, $0xb8;
	[tilespmem:$0x1E000] =	vst v63  }
0x4bc: {  	_ =	swait.ge [sflag:s9], $0x4000  }
0x4bd: {  	[sflag:s9] =	ssyncset.done $0x0  }
0x4be: {  	[sflag:s9] =	ssyncadd.s32 $0xFFFFC000  }
0x4bf: {  	[tilespmem:s16], [sflag:$0x1] =	stream.indirect.gather [hbm4b:s2+s15], $0x80, s19, s15, $0xb8;
	[tilespmem:$0x1E000] =	vst v63  }
0x4c0: {  	_ =	swait.ge [sflag:s20], $0x4000  }
0x4c1: {  	[sflag:s20] =	ssyncset.done $0x0  }
0x4c2: {  	[sflag:s20] =	ssyncadd.s32 $0xFFFFC000  }
0x4c3: {  	[spmem:s3] =	stream.indirect.scatter.add.f32 [tilespmem:s17], [sflag:$0x5], $0x80, s21, s15, $0xb8;
	[tilespmem:$0x1E000] =	vst v63  }
0x4c4: {  	_ =	swait.ge [sflag:s9], $0x4000  }
0x4c5: {  	[sflag:s9] =	ssyncset.done $0x0  }
0x4c6: {  	[sflag:s9] =	ssyncadd.s32 $0xFFFFC000  }
0x4c7: {  	[tilespmem:s17], [sflag:$0x2] =	stream.indirect.gather [hbm4b:s2+s15], $0x80, s22, s15, $0xb8;
	[tilespmem:$0x1E000] =	vst v63  }
0x4c8: {  	_ =	swait.ge [sflag:s18], $0x4000  }
0x4c9: {  	[sflag:s18] =	ssyncset.done $0x0  }
0x4ca: {  	[sflag:s18] =	ssyncadd.s32 $0xFFFFC000  }
0x4cb: {  	[spmem:s3] =	stream.indirect.scatter.add.f32 [tilespmem:s16], [sflag:$0x5], $0x80, s28, s15, $0xb8;
	[tilespmem:$0x1E000] =	vst v63  }
0x4cc: {  	_ =	swait.ge [sflag:s9], $0x4000  }
0x4cd: {  	[sflag:s9] =	ssyncset.done $0x0  }
0x4ce: {  	[sflag:s9] =	ssyncadd.s32 $0xFFFFC000  }
0x4cf: {  	[tilespmem:s16], [sflag:$0x1] =	stream.indirect.gather [hbm4b:s2+s15], $0x80, s29, s15, $0xb8;
	[tilespmem:$0x1E000] =	vst v63  }
0x4d0: {  	_ =	swait.ge [sflag:s20], $0x4000  }
0x4d1: {  	[sflag:s20] =	ssyncset.done $0x0  }
0x4d2: {  	[sflag:s20] =	ssyncadd.s32 $0xFFFFC000  }
0x4d3: {  	[spmem:s3] =	stream.indirect.scatter.add.f32 [tilespmem:s17], [sflag:$0x5], $0x80, s30, s15, $0xb8;
	[tilespmem:$0x1E000] =	vst v63  }
0x4d4: {  	_ =	swait.ge [sflag:s9], $0x4000  }
0x4d5: {  	[sflag:s9] =	ssyncset.done $0x0  }
0x4d6: {  	[sflag:s9] =	ssyncadd.s32 $0xFFFFC000  }
0x4d7: {  	[tilespmem:s17], [sflag:$0x2] =	stream.indirect.gather [hbm4b:s2+s15], $0x80, s31, s15, $0xb8;
	[tilespmem:$0x1E000] =	vst v63  }
0x4d8: {  	_ =	swait.ge [sflag:s18], $0x4000  }
0x4d9: {  	[sflag:s18] =	ssyncset.done $0x0  }
0x4da: {  	[sflag:s18] =	ssyncadd.s32 $0xFFFFC000  }
0x4db: {  	[spmem:s3] =	stream.indirect.scatter.add.f32 [tilespmem:s16], [sflag:$0x5], $0x80, s13, s15, $0xb8;
	[tilespmem:$0x1E000] =	vst v63  }
0x4dc: {  	_ =	swait.ge [sflag:s9], $0x4000  }
0x4dd: {  	[sflag:s9] =	ssyncset.done $0x0  }
0x4de: {  	s25 =	simm.s32 $0x1400;
	[sflag:s9] =	ssyncadd.s32 $0xFFFFC000  }
0x4df: {  	[tilespmem:s16], [sflag:$0x1] =	stream.indirect.gather [hbm4b:s2+s15], $0x80, s25, s15, $0xb8;
	[tilespmem:$0x1E000] =	vst v63  }
0x4e0: {  	_ =	swait.ge [sflag:s20], $0x4000  }
0x4e1: {  	[sflag:s20] =	ssyncset.done $0x0  }
0x4e2: {  	s26 =	simm.s32 $0x1B80;
	[sflag:s20] =	ssyncadd.s32 $0xFFFFC000  }
0x4e3: {  	[spmem:s3] =	stream.indirect.scatter.add.f32 [tilespmem:s17], [sflag:$0x5], $0x80, s26, s15, $0xb8;
	[tilespmem:$0x1E000] =	vst v63  }
0x4e4: {  	_ =	swait.ge [sflag:s9], $0x4000  }
0x4e5: {  	[sflag:s9] =	ssyncset.done $0x0  }
0x4e6: {  	s5 =	simm.s32 $0x1480;
	[sflag:s9] =	ssyncadd.s32 $0xFFFFC000  }
0x4e7: {  	[tilespmem:s17], [sflag:$0x2] =	stream.indirect.gather [hbm4b:s2+s15], $0x80, s5, s15, $0xb8;
	[tilespmem:$0x1E000] =	vst v63  }
0x4e8: {  	_ =	swait.ge [sflag:s18], $0x4000  }
0x4e9: {  	[sflag:s18] =	ssyncset.done $0x0  }
0x4ea: {  	s14 =	simm.s32 $0x1C00;
	[sflag:s18] =	ssyncadd.s32 $0xFFFFC000  }
0x4eb: {  	[spmem:s3] =	stream.indirect.scatter.add.f32 [tilespmem:s16], [sflag:$0x5], $0x80, s14, s15, $0xb8;
	[tilespmem:$0x1E000] =	vst v63  }
0x4ec: {  	_ =	swait.ge [sflag:s9], $0x4000  }
0x4ed: {  	[sflag:s9] =	ssyncset.done $0x0  }
0x4ee: {  	s25 =	simm.s32 $0x1500;
	[sflag:s9] =	ssyncadd.s32 $0xFFFFC000  }
0x4ef: {  	[tilespmem:s16], [sflag:$0x1] =	stream.indirect.gather [hbm4b:s2+s15], $0x80, s25, s15, $0xb8;
	[tilespmem:$0x1E000] =	vst v63  }
0x4f0: {  	_ =	swait.ge [sflag:s20], $0x4000  }
0x4f1: {  	[sflag:s20] =	ssyncset.done $0x0  }
0x4f2: {  	s26 =	simm.s32 $0x1C80;
	[sflag:s20] =	ssyncadd.s32 $0xFFFFC000  }
0x4f3: {  	[spmem:s3] =	stream.indirect.scatter.add.f32 [tilespmem:s17], [sflag:$0x5], $0x80, s26, s15, $0xb8;
	[tilespmem:$0x1E000] =	vst v63  }
0x4f4: {  	_ =	swait.ge [sflag:s9], $0x4000  }
0x4f5: {  	[sflag:s9] =	ssyncset.done $0x0  }
0x4f6: {  	s5 =	simm.s32 $0x1580;
	[sflag:s9] =	ssyncadd.s32 $0xFFFFC000  }
0x4f7: {  	[tilespmem:s17], [sflag:$0x2] =	stream.indirect.gather [hbm4b:s2+s15], $0x80, s5, s15, $0xb8;
	[tilespmem:$0x1E000] =	vst v63  }
0x4f8: {  	_ =	swait.ge [sflag:s18], $0x4000  }
0x4f9: {  	[sflag:s18] =	ssyncset.done $0x0  }
0x4fa: {  	s14 =	simm.s32 $0x1D00;
	[sflag:s18] =	ssyncadd.s32 $0xFFFFC000  }
0x4fb: {  	[spmem:s3] =	stream.indirect.scatter.add.f32 [tilespmem:s16], [sflag:$0x5], $0x80, s14, s15, $0xb8;
	[tilespmem:$0x1E000] =	vst v63  }
0x4fc: {  	_ =	swait.ge [sflag:s9], $0x4000  }
0x4fd: {  	[sflag:s9] =	ssyncset.done $0x0  }
0x4fe: {  	s25 =	simm.s32 $0x1600;
	[sflag:s9] =	ssyncadd.s32 $0xFFFFC000  }
0x4ff: {  	[tilespmem:s16], [sflag:$0x1] =	stream.indirect.gather [hbm4b:s2+s15], $0x80, s25, s15, $0xb8;
	[tilespmem:$0x1E000] =	vst v63  }
0x500: {  	_ =	swait.ge [sflag:s20], $0x4000  }
0x501: {  	[sflag:s20] =	ssyncset.done $0x0  }
0x502: {  	s26 =	simm.s32 $0x1D80;
	[sflag:s20] =	ssyncadd.s32 $0xFFFFC000  }
0x503: {  	[spmem:s3] =	stream.indirect.scatter.add.f32 [tilespmem:s17], [sflag:$0x5], $0x80, s26, s15, $0xb8;
	[tilespmem:$0x1E000] =	vst v63  }
0x504: {  	_ =	swait.ge [sflag:s9], $0x4000  }
0x505: {  	[sflag:s9] =	ssyncset.done $0x0  }
0x506: {  	s5 =	simm.s32 $0x1680;
	[sflag:s9] =	ssyncadd.s32 $0xFFFFC000  }
0x507: {  	[tilespmem:s17], [sflag:$0x2] =	stream.indirect.gather [hbm4b:s2+s15], $0x80, s5, s15, $0xb8;
	[tilespmem:$0x1E000] =	vst v63  }
0x508: {  	_ =	swait.ge [sflag:s18], $0x4000  }
0x509: {  	[sflag:s18] =	ssyncset.done $0x0  }
0x50a: {  	s14 =	simm.s32 $0x1E00;
	[sflag:s18] =	ssyncadd.s32 $0xFFFFC000  }
0x50b: {  	[spmem:s3] =	stream.indirect.scatter.add.f32 [tilespmem:s16], [sflag:$0x5], $0x80, s14, s15, $0xb8;
	[tilespmem:$0x1E000] =	vst v63  }
0x50c: {  	_ =	swait.ge [sflag:s9], $0x4000  }
0x50d: {  	[sflag:s9] =	ssyncset.done $0x0  }
0x50e: {  	s25 =	simm.s32 $0x1700;
	[sflag:s9] =	ssyncadd.s32 $0xFFFFC000  }
0x50f: {  	[tilespmem:s16], [sflag:$0x1] =	stream.indirect.gather [hbm4b:s2+s15], $0x80, s25, s15, $0xb8;
	[tilespmem:$0x1E000] =	vst v63  }
0x510: {  	_ =	swait.ge [sflag:s20], $0x4000  }
0x511: {  	[sflag:s20] =	ssyncset.done $0x0  }
0x512: {  	s26 =	simm.s32 $0x1E80;
	[sflag:s20] =	ssyncadd.s32 $0xFFFFC000  }
0x513: {  	[spmem:s3] =	stream.indirect.scatter.add.f32 [tilespmem:s17], [sflag:$0x5], $0x80, s26, s15, $0xb8;
	[tilespmem:$0x1E000] =	vst v63  }
0x514: {  	_ =	swait.ge [sflag:s9], $0x4000  }
0x515: {  	[sflag:s9] =	ssyncset.done $0x0  }
0x516: {  	s5 =	simm.s32 $0x1780;
	[sflag:s9] =	ssyncadd.s32 $0xFFFFC000  }
0x517: {  	[tilespmem:s17], [sflag:$0x2] =	stream.indirect.gather [hbm4b:s2+s15], $0x80, s5, s15, $0xb8;
	[tilespmem:$0x1E000] =	vst v63  }
0x518: {  	_ =	swait.ge [sflag:s18], $0x4000  }
0x519: {  	[sflag:s18] =	ssyncset.done $0x0  }
0x51a: {  	s14 =	simm.s32 $0x1F00;
	[sflag:s18] =	ssyncadd.s32 $0xFFFFC000  }
0x51b: {  	[spmem:s3] =	stream.indirect.scatter.add.f32 [tilespmem:s16], [sflag:$0x5], $0x80, s14, s15, $0xb8;
	[tilespmem:$0x1E000] =	vst v63  }
0x51c: {  	_ =	swait.ge [sflag:s9], $0x4000  }
0x51d: {  	[sflag:s9] =	ssyncset.done $0x0  }
0x51e: {  	[sflag:s9] =	ssyncadd.s32 $0xFFFFC000  }
0x51f: {  	_ =	swait.ge [sflag:s20], $0x4000  }
0x520: {  	[sflag:s20] =	ssyncset.done $0x0  }
0x521: {  	s25 =	simm.s32 $0x1F80;
	[sflag:s20] =	ssyncadd.s32 $0xFFFFC000  }
0x522: {  	[spmem:s3] =	stream.indirect.scatter.add.f32 [tilespmem:s17], [sflag:$0x5], $0x80, s25, s15, $0xb8;
	[tilespmem:$0x1E000] =	vst v63  }
0x523: {  	_ =	swait.ge [sflag:s9], $0x4000  }
0x524: {  	[sflag:s9] =	ssyncset.done $0x0  }
0x525: {  	[sflag:s9] =	ssyncadd.s32 $0xFFFFC000  }
0x526: {  	_ =	swait.ge [sflag:s12], $0x800  }
0x527: {  	[sflag:s12] =	ssyncset.done $0x0  }
0x528: {  	[sflag:s12] =	ssyncadd.s32 $0xFFFFF800  }
0x529: {  	_ =	swait.ge [sflag:s12], $0x800  }
0x52a: {  	[sflag:s12] =	ssyncset.done $0x0  }
0x52b: {  	[sflag:s12] =	ssyncadd.s32 $0xFFFFF800  }
0x52c: {  	[tilespmem:s16], [sflag:$0x1] =	stream.indirect.gather [hbm4b:s2+s15], $0x80, s11, s15, $0xb8;
	[tilespmem:$0x1E000] =	vst v63  }
0x52d: {  	_ = 	snop  }
0x52e: {  	[tilespmem:s17], [sflag:$0x2] =	stream.indirect.gather [hbm4b:s2+s15], $0x80, s15, s15, $0xb8;
	[tilespmem:$0x1E000] =	vst v63  }
0x52f: {  	_ =	swait.ge [sflag:s18], $0x4000  }
0x530: {  	[sflag:s18] =	ssyncset.done $0x0  }
0x531: {  	[sflag:s18] =	ssyncadd.s32 $0xFFFFC000  }
0x532: {  	[spmem:s3] =	stream.indirect.scatter.add.f32 [tilespmem:s16], [sflag:$0x5], $0x80, s10, s15, $0xb8;
	[tilespmem:$0x1E000] =	vst v63  }
0x533: {  	_ =	swait.ge [sflag:s9], $0x4000  }
0x534: {  	[sflag:s9] =	ssyncset.done $0x0  }
0x535: {  	[sflag:s9] =	ssyncadd.s32 $0xFFFFC000  }
0x536: {  	[tilespmem:s16], [sflag:$0x1] =	stream.indirect.gather [hbm4b:s2+s15], $0x80, s0, s15, $0xb8;
	[tilespmem:$0x1E000] =	vst v63  }
0x537: {  	_ =	swait.ge [sflag:s20], $0x4000  }
0x538: {  	[sflag:s20] =	ssyncset.done $0x0  }
0x539: {  	s26 =	simm.s32 $0x880;
	[sflag:s20] =	ssyncadd.s32 $0xFFFFC000  }
0x53a: {  	[spmem:s3] =	stream.indirect.scatter.add.f32 [tilespmem:s17], [sflag:$0x5], $0x80, s26, s15, $0xb8;
	[tilespmem:$0x1E000] =	vst v63  }
0x53b: {  	_ =	swait.ge [sflag:s9], $0x4000  }
0x53c: {  	[sflag:s9] =	ssyncset.done $0x0  }
0x53d: {  	s1 =	simm.s32 $0x180;
	[sflag:s9] =	ssyncadd.s32 $0xFFFFC000  }
0x53e: {  	[tilespmem:s17], [sflag:$0x2] =	stream.indirect.gather [hbm4b:s2+s15], $0x80, s1, s15, $0xb8;
	[tilespmem:$0x1E000] =	vst v63  }
0x53f: {  	_ =	swait.ge [sflag:s18], $0x4000  }
0x540: {  	[sflag:s18] =	ssyncset.done $0x0  }
0x541: {  	s5 =	simm.s32 $0x900;
	[sflag:s18] =	ssyncadd.s32 $0xFFFFC000  }
0x542: {  	[spmem:s3] =	stream.indirect.scatter.add.f32 [tilespmem:s16], [sflag:$0x5], $0x80, s5, s15, $0xb8;
	[tilespmem:$0x1E000] =	vst v63  }
0x543: {  	_ =	swait.ge [sflag:s9], $0x4000  }
0x544: {  	[sflag:s9] =	ssyncset.done $0x0  }
0x545: {  	s14 =	simm.s32 $0x200;
	[sflag:s9] =	ssyncadd.s32 $0xFFFFC000  }
0x546: {  	[tilespmem:s16], [sflag:$0x1] =	stream.indirect.gather [hbm4b:s2+s15], $0x80, s14, s15, $0xb8;
	[tilespmem:$0x1E000] =	vst v63  }
0x547: {  	_ =	swait.ge [sflag:s20], $0x4000  }
0x548: {  	[sflag:s20] =	ssyncset.done $0x0  }
0x549: {  	s25 =	simm.s32 $0x980;
	[sflag:s20] =	ssyncadd.s32 $0xFFFFC000  }
0x54a: {  	[spmem:s3] =	stream.indirect.scatter.add.f32 [tilespmem:s17], [sflag:$0x5], $0x80, s25, s15, $0xb8;
	[tilespmem:$0x1E000] =	vst v63  }
0x54b: {  	_ =	swait.ge [sflag:s9], $0x4000  }
0x54c: {  	[sflag:s9] =	ssyncset.done $0x0  }
0x54d: {  	s26 =	simm.s32 $0x280;
	[sflag:s9] =	ssyncadd.s32 $0xFFFFC000  }
0x54e: {  	[tilespmem:s17], [sflag:$0x2] =	stream.indirect.gather [hbm4b:s2+s15], $0x80, s26, s15, $0xb8;
	[tilespmem:$0x1E000] =	vst v63  }
0x54f: {  	_ =	swait.ge [sflag:s18], $0x4000  }
0x550: {  	[sflag:s18] =	ssyncset.done $0x0  }
0x551: {  	s1 =	simm.s32 $0xA00;
	[sflag:s18] =	ssyncadd.s32 $0xFFFFC000  }
0x552: {  	[spmem:s3] =	stream.indirect.scatter.add.f32 [tilespmem:s16], [sflag:$0x5], $0x80, s1, s15, $0xb8;
	[tilespmem:$0x1E000] =	vst v63  }
0x553: {  	_ =	swait.ge [sflag:s9], $0x4000  }
0x554: {  	[sflag:s9] =	ssyncset.done $0x0  }
0x555: {  	s5 =	simm.s32 $0x300;
	[sflag:s9] =	ssyncadd.s32 $0xFFFFC000  }
0x556: {  	[tilespmem:s16], [sflag:$0x1] =	stream.indirect.gather [hbm4b:s2+s15], $0x80, s5, s15, $0xb8;
	[tilespmem:$0x1E000] =	vst v63  }
0x557: {  	_ =	swait.ge [sflag:s20], $0x4000  }
0x558: {  	[sflag:s20] =	ssyncset.done $0x0  }
0x559: {  	s14 =	simm.s32 $0xA80;
	[sflag:s20] =	ssyncadd.s32 $0xFFFFC000  }
0x55a: {  	[spmem:s3] =	stream.indirect.scatter.add.f32 [tilespmem:s17], [sflag:$0x5], $0x80, s14, s15, $0xb8;
	[tilespmem:$0x1E000] =	vst v63  }
0x55b: {  	_ =	swait.ge [sflag:s9], $0x4000  }
0x55c: {  	[sflag:s9] =	ssyncset.done $0x0  }
0x55d: {  	s25 =	simm.s32 $0x380;
	[sflag:s9] =	ssyncadd.s32 $0xFFFFC000  }
0x55e: {  	[tilespmem:s17], [sflag:$0x2] =	stream.indirect.gather [hbm4b:s2+s15], $0x80, s25, s15, $0xb8;
	[tilespmem:$0x1E000] =	vst v63  }
0x55f: {  	_ =	swait.ge [sflag:s18], $0x4000  }
0x560: {  	[sflag:s18] =	ssyncset.done $0x0  }
0x561: {  	s26 =	simm.s32 $0xB00;
	[sflag:s18] =	ssyncadd.s32 $0xFFFFC000  }
0x562: {  	[spmem:s3] =	stream.indirect.scatter.add.f32 [tilespmem:s16], [sflag:$0x5], $0x80, s26, s15, $0xb8;
	[tilespmem:$0x1E000] =	vst v63  }
0x563: {  	_ =	swait.ge [sflag:s9], $0x4000  }
0x564: {  	[sflag:s9] =	ssyncset.done $0x0  }
0x565: {  	s1 =	simm.s32 $0x400;
	[sflag:s9] =	ssyncadd.s32 $0xFFFFC000  }
0x566: {  	[tilespmem:s16], [sflag:$0x1] =	stream.indirect.gather [hbm4b:s2+s15], $0x80, s1, s15, $0xb8;
	[tilespmem:$0x1E000] =	vst v63  }
0x567: {  	_ =	swait.ge [sflag:s20], $0x4000  }
0x568: {  	[sflag:s20] =	ssyncset.done $0x0  }
0x569: {  	s5 =	simm.s32 $0xB80;
	[sflag:s20] =	ssyncadd.s32 $0xFFFFC000  }
0x56a: {  	[spmem:s3] =	stream.indirect.scatter.add.f32 [tilespmem:s17], [sflag:$0x5], $0x80, s5, s15, $0xb8;
	[tilespmem:$0x1E000] =	vst v63  }
0x56b: {  	_ =	swait.ge [sflag:s9], $0x4000  }
0x56c: {  	[sflag:s9] =	ssyncset.done $0x0  }
0x56d: {  	s14 =	simm.s32 $0x480;
	[sflag:s9] =	ssyncadd.s32 $0xFFFFC000  }
0x56e: {  	[tilespmem:s17], [sflag:$0x2] =	stream.indirect.gather [hbm4b:s2+s15], $0x80, s14, s15, $0xb8;
	[tilespmem:$0x1E000] =	vst v63  }
0x56f: {  	_ =	swait.ge [sflag:s18], $0x4000  }
0x570: {  	[sflag:s18] =	ssyncset.done $0x0  }
0x571: {  	s25 =	simm.s32 $0xC00;
	[sflag:s18] =	ssyncadd.s32 $0xFFFFC000  }
0x572: {  	[spmem:s3] =	stream.indirect.scatter.add.f32 [tilespmem:s16], [sflag:$0x5], $0x80, s25, s15, $0xb8;
	[tilespmem:$0x1E000] =	vst v63  }
0x573: {  	_ =	swait.ge [sflag:s9], $0x4000  }
0x574: {  	[sflag:s9] =	ssyncset.done $0x0  }
0x575: {  	s26 =	simm.s32 $0x500;
	[sflag:s9] =	ssyncadd.s32 $0xFFFFC000  }
0x576: {  	[tilespmem:s16], [sflag:$0x1] =	stream.indirect.gather [hbm4b:s2+s15], $0x80, s26, s15, $0xb8;
	[tilespmem:$0x1E000] =	vst v63  }
0x577: {  	_ =	swait.ge [sflag:s20], $0x4000  }
0x578: {  	[sflag:s20] =	ssyncset.done $0x0  }
0x579: {  	s1 =	simm.s32 $0xC80;
	[sflag:s20] =	ssyncadd.s32 $0xFFFFC000  }
0x57a: {  	[spmem:s3] =	stream.indirect.scatter.add.f32 [tilespmem:s17], [sflag:$0x5], $0x80, s1, s15, $0xb8;
	[tilespmem:$0x1E000] =	vst v63  }
0x57b: {  	_ =	swait.ge [sflag:s9], $0x4000  }
0x57c: {  	[sflag:s9] =	ssyncset.done $0x0  }
0x57d: {  	s5 =	simm.s32 $0x580;
	[sflag:s9] =	ssyncadd.s32 $0xFFFFC000  }
0x57e: {  	[tilespmem:s17], [sflag:$0x2] =	stream.indirect.gather [hbm4b:s2+s15], $0x80, s5, s15, $0xb8;
	[tilespmem:$0x1E000] =	vst v63  }
0x57f: {  	_ =	swait.ge [sflag:s18], $0x4000  }
0x580: {  	[sflag:s18] =	ssyncset.done $0x0  }
0x581: {  	s14 =	simm.s32 $0xD00;
	[sflag:s18] =	ssyncadd.s32 $0xFFFFC000  }
0x582: {  	[spmem:s3] =	stream.indirect.scatter.add.f32 [tilespmem:s16], [sflag:$0x5], $0x80, s14, s15, $0xb8;
	[tilespmem:$0x1E000] =	vst v63  }
0x583: {  	_ =	swait.ge [sflag:s9], $0x4000  }
0x584: {  	[sflag:s9] =	ssyncset.done $0x0  }
0x585: {  	s25 =	simm.s32 $0x600;
	[sflag:s9] =	ssyncadd.s32 $0xFFFFC000  }
0x586: {  	[tilespmem:s16], [sflag:$0x1] =	stream.indirect.gather [hbm4b:s2+s15], $0x80, s25, s15, $0xb8;
	[tilespmem:$0x1E000] =	vst v63  }
0x587: {  	_ =	swait.ge [sflag:s20], $0x4000  }
0x588: {  	[sflag:s20] =	ssyncset.done $0x0  }
0x589: {  	s26 =	simm.s32 $0xD80;
	[sflag:s20] =	ssyncadd.s32 $0xFFFFC000  }
0x58a: {  	[spmem:s3] =	stream.indirect.scatter.add.f32 [tilespmem:s17], [sflag:$0x5], $0x80, s26, s15, $0xb8;
	[tilespmem:$0x1E000] =	vst v63  }
0x58b: {  	_ =	swait.ge [sflag:s9], $0x4000  }
0x58c: {  	[sflag:s9] =	ssyncset.done $0x0  }
0x58d: {  	s1 =	simm.s32 $0x680;
	[sflag:s9] =	ssyncadd.s32 $0xFFFFC000  }
0x58e: {  	[tilespmem:s17], [sflag:$0x2] =	stream.indirect.gather [hbm4b:s2+s15], $0x80, s1, s15, $0xb8;
	[tilespmem:$0x1E000] =	vst v63  }
0x58f: {  	_ =	swait.ge [sflag:s18], $0x4000  }
0x590: {  	[sflag:s18] =	ssyncset.done $0x0  }
0x591: {  	s5 =	simm.s32 $0xE00;
	[sflag:s18] =	ssyncadd.s32 $0xFFFFC000  }
0x592: {  	[spmem:s3] =	stream.indirect.scatter.add.f32 [tilespmem:s16], [sflag:$0x5], $0x80, s5, s15, $0xb8;
	[tilespmem:$0x1E000] =	vst v63  }
0x593: {  	_ =	swait.ge [sflag:s9], $0x4000  }
0x594: {  	[sflag:s9] =	ssyncset.done $0x0  }
0x595: {  	s14 =	simm.s32 $0x700;
	[sflag:s9] =	ssyncadd.s32 $0xFFFFC000  }
0x596: {  	[tilespmem:s16], [sflag:$0x1] =	stream.indirect.gather [hbm4b:s2+s15], $0x80, s14, s15, $0xb8;
	[tilespmem:$0x1E000] =	vst v63  }
0x597: {  	_ =	swait.ge [sflag:s20], $0x4000  }
0x598: {  	[sflag:s20] =	ssyncset.done $0x0  }
0x599: {  	s25 =	simm.s32 $0xE80;
	[sflag:s20] =	ssyncadd.s32 $0xFFFFC000  }
0x59a: {  	[spmem:s3] =	stream.indirect.scatter.add.f32 [tilespmem:s17], [sflag:$0x5], $0x80, s25, s15, $0xb8;
	[tilespmem:$0x1E000] =	vst v63  }
0x59b: {  	_ =	swait.ge [sflag:s9], $0x4000  }
0x59c: {  	[sflag:s9] =	ssyncset.done $0x0  }
0x59d: {  	s26 =	simm.s32 $0x780;
	[sflag:s9] =	ssyncadd.s32 $0xFFFFC000  }
0x59e: {  	[tilespmem:s17], [sflag:$0x2] =	stream.indirect.gather [hbm4b:s2+s15], $0x80, s26, s15, $0xb8;
	[tilespmem:$0x1E000] =	vst v63  }
0x59f: {  	_ =	swait.ge [sflag:s18], $0x4000  }
0x5a0: {  	[sflag:s18] =	ssyncset.done $0x0  }
0x5a1: {  	s1 =	simm.s32 $0xF00;
	[sflag:s18] =	ssyncadd.s32 $0xFFFFC000  }
0x5a2: {  	[spmem:s3] =	stream.indirect.scatter.add.f32 [tilespmem:s16], [sflag:$0x5], $0x80, s1, s15, $0xb8;
	[tilespmem:$0x1E000] =	vst v63  }
0x5a3: {  	_ =	swait.ge [sflag:s9], $0x4000  }
0x5a4: {  	[sflag:s9] =	ssyncset.done $0x0  }
0x5a5: {  	[sflag:s9] =	ssyncadd.s32 $0xFFFFC000  }
0x5a6: {  	_ =	swait.ge [sflag:s20], $0x4000  }
0x5a7: {  	[sflag:s20] =	ssyncset.done $0x0  }
0x5a8: {  	s5 =	simm.s32 $0xF80;
	[sflag:s20] =	ssyncadd.s32 $0xFFFFC000  }
0x5a9: {  	[spmem:s3] =	stream.indirect.scatter.add.f32 [tilespmem:s17], [sflag:$0x5], $0x80, s5, s15, $0xb8;
	[tilespmem:$0x1E000] =	vst v63  }
0x5aa: {  	_ =	swait.ge [sflag:s9], $0x4000  }
0x5ab: {  	[sflag:s9] =	ssyncset.done $0x0  }
0x5ac: {  	[sflag:s9] =	ssyncadd.s32 $0xFFFFC000  }
0x5ad: {  	[bflag:$0x0] =	sbarrier.arrive $0xFFFF  }
0x5ae: {  	s24 =	sadd.s32 $0xFFFFFFFF, s24;
	s14 =	rddreg [dreg:$0xe]  }
0x5af: {  	p1 =	sne.s32 s24, $0x0;
	s26 =	rddreg [dreg:$0x10]  }
0x5b0: {  	[hbm:s14], [sflag:s4] =	dma.local [spmem:s26], $0x2700  }
.Ltmp1:
0x5b1: {  	_ =	swait.ge [sflag:s9], $0x2700;
	(pc) =	sbr.rel @p1 .LBB2_2-.Ltmp1, $4  }
0x5b2: {  	[sflag:s9] =	ssyncset.done $0x0;
	s0 =	rddreg [dreg:$0x13]  }
0x5b3: {  	s10 =	simm.s32 @!p0 $0x5;
	s1 =	rddreg [dreg:$0x11];
	[sflag:s9] =	ssyncadd.s32 $0xFFFFD900  }
0x5b4: {  	[hbm:s0], [sflag:s4] =	dma.local @!p0 [spmem:s1], $0x100  }
0x5b5: {  	_ =	swait.ge @!p0 [sflag:s10], $0x100  }
.LBB2_3:
0x5b6: {  	[sflag:s10] =	ssyncset.done @!p0 $0x0  }
0x5b7: {  	[sflag:s10] =	ssyncadd.s32 @!p0 $0xFFFFFF00  }
0x5b8: {  	_ =	sfence.sel $0x180000  }
0x5b9: {  	[bflag:$0x0] =	sbarrier.arrive $0xFFFF  }
0x5ba: {  	_ =	strace $0x90000047  }
0x5bb: {  	s0 =	stileid.u32;
	[bflag:$0x2] =	sbarrier.arrive $0xFFFF  }
0x5bc: {  	p0 =	sne.s32 s0, $0x0;
	s0 =	rddreg [dreg:$0x3]  }
0x5bd: {  	s0 =	sadd.s32 @!p0 $0x100000, s0  }
0x5be: {  	[sflag:s0] =	ssyncadd.tile.s32 @!p0 $0x1;
	_ =	shalt  }
.Lfunc_end2:
_tile_overlayer_lowered:
.L_overlay_start_2:
0x5bf: {  	(tag) =	ssettag $0x2  }
0x5c0: {  	s0 =	rddreg [dreg:$0x0];
	s2 =	stileid.u32  }
0x5c1: {  	s1 =	rddreg [dreg:$0x1];
	p0 =	sne.s32 s2, $0x0  }
0x5c2: {  	s3 =	rddreg [dreg:$0x2];
	[bflag:$0x3] =	sbarrier.arrive $0xFFFF;
	s2 =	simm.s32 @!p0 $0x1C05  }
0x5c3: {  	[timem:s3], [sflag:s2] =	dma.local @!p0 [hbm:s0], s1  }
0x5c4: {  	s0 =	simm.s32 @!p0 $0x5  }
0x5c5: {  	_ =	swait.ge @!p0 [sflag:s0], s1  }
0x5c6: {  	s1 =	ssub.s32 @!p0 $0x0, s1;
	[sflag:s0] =	ssyncset.done @!p0 $0x0  }
0x5c7: {  	[sflag:s0] =	ssyncadd.s32 @!p0 s1  }
0x5c8: {  	[bflag:$0x3] =	sbarrier.arrive $0xFFFF  }
0x5c9: {  	_ =	shalt  }

</sc_bundles>
